<compile_context>
chip_gen: v7x
topology: tpu7x:2x2x1
jax: 0.10.2.dev20260603
libtpu: 0.0.44.dev20260713+nightly
codegen_flags: <defaults>
</compile_context>

<pallas_src>
import dataclasses
import functools

import jax
import jax.numpy as jnp
from jax import lax
from jax.experimental import pallas as pl
from jax.experimental.pallas import tpu as pltpu
from jax.experimental.pallas import tpu_sc as plsc

N = 32
NN = N * N
L = 16
NCHUNK = NN // L
BIG = 3e38

f32 = jnp.float32
i32 = jnp.int32


def _lane():
    return lax.iota(i32, L)


def _clamp(idx):
    return jnp.clip(idx, 0, NN - 1)


def _gather(ref, idx):
    return plsc.load_gather(ref, [_clamp(idx)])


def _cummin(x):
    return -plsc.cummax(-x)


def _revcum(x):
    return lax.rev(plsc.cumsum(lax.rev(x, (0,))), (0,))


def _sc_body(img_hbm, e_hbm, uf_hbm, hf_hbm,
             img_v, pos_v, te_v, tse_v, ts_v, tsw_v,
             we_v, wse_v, ws_v, wsw_v,
             t_v, et_v, etn_v, u_v, f_v, h_v, e_v):
    cid = lax.axis_index("c")
    sid = lax.axis_index("s")
    is_a = jnp.logical_and(cid == 0, sid == 0)
    is_b = jnp.logical_and(cid == 0, sid == 1)
    lane = _lane()

    def _sigmoid():
        pltpu.sync_copy(img_hbm, img_v)

        @pl.loop(0, NCHUNK)
        def _sig(c):
            base = c * L
            x = img_v[pl.ds(base, L)]
            pos_v[pl.ds(base, L)] = 1.0 / (1.0 + jnp.exp(-x))

    def _theta_chunk(c):
        base = c * L
        idx = base + lane
        j = (c & 1) * L + lane
        ivec = jnp.full((L,), c >> 1, i32)
        m_e = j < N - 1
        m_s = ivec < N - 1
        p = pos_v[pl.ds(base, L)]
        zero = jnp.zeros((L,), f32)
        pe = _gather(pos_v, idx + 1)
        pse = _gather(pos_v, idx + N + 1)
        ps = _gather(pos_v, idx + N)
        psw = _gather(pos_v, idx + N - 1)
        de, dse, ds_, dsw = p - pe, p - pse, p - ps, p - psw
        te = jnp.where(m_e, de * de, zero)
        tse = jnp.where(jnp.logical_and(m_e, m_s), dse * dse, zero)
        ts = jnp.where(m_s, ds_ * ds_, zero)
        tsw = jnp.where(jnp.logical_and(j > 0, m_s), dsw * dsw, zero)
        return te, tse, ts, tsw

    def _prefix_shift(i):
        base = i * N
        idx0 = base + lane
        s0 = jnp.where(lane > 0, _gather(te_v, idx0 - 1), 0.0)
        s1 = te_v[pl.ds(base + L - 1, L)]
        t0 = plsc.cumsum(s0)
        t1 = plsc.cumsum(s1) + jnp.sum(s0)
        return t0, t1

    @pl.when(is_a)
    def _tile_a():
        _sigmoid()

        @pl.loop(0, NCHUNK)
        def _theta(c):
            te, tse, ts, tsw = _theta_chunk(c)
            sl = pl.ds(c * L, L)
            te_v[sl] = te
            we_v[sl] = jnp.exp(-te)
            wse_v[sl] = jnp.exp(-tse)
            ws_v[sl] = jnp.exp(-ts)
            wsw_v[sl] = jnp.exp(-tsw)

        @pl.loop(0, N)
        def _prefix(i):
            base = i * N
            t0, t1 = _prefix_shift(i)
            et_v[pl.ds(base, L)] = jnp.exp(t0)
            et_v[pl.ds(base + L, L)] = jnp.exp(t1)
            etn_v[pl.ds(base, L)] = jnp.exp(-t0)
            etn_v[pl.ds(base + L, L)] = jnp.exp(-t1)

        u_v[pl.ds(0, L)] = etn_v[pl.ds(0, L)]
        u_v[pl.ds(L, L)] = etn_v[pl.ds(L, L)]

        @pl.loop(1, N)
        def _fwd(i):
            base = i * N
            qs = []
            for c in range(2):
                idx = base + c * L + lane
                j = c * L + lane
                q = _gather(u_v, idx - N) * _gather(ws_v, idx - N)
                q = q + jnp.where(j > 0,
                                  _gather(u_v, idx - N - 1)
                                  * _gather(wse_v, idx - N - 1), 0.0)
                q = q + jnp.where(j < N - 1,
                                  _gather(u_v, idx - N + 1)
                                  * _gather(wsw_v, idx - N + 1), 0.0)
                qs.append(q * et_v[pl.ds(base + c * L, L)])
            g0, g1 = qs
            m = jnp.maximum(jnp.max(g0), jnp.max(g1))
            d0 = g0 / m
            d1 = g1 / m
            s0 = plsc.cumsum(d0)
            s1 = plsc.cumsum(d1) + jnp.sum(d0)
            u_v[pl.ds(base, L)] = etn_v[pl.ds(base, L)] * s0 * m
            u_v[pl.ds(base + L, L)] = etn_v[pl.ds(base + L, L)] * s1 * m

        pltpu.sync_copy(u_v.at[pl.ds(NN - L, L)], uf_hbm)

        def _store_f_and_east(base, rs0, rs1):
            m = jnp.maximum(jnp.max(rs0), jnp.max(rs1))
            d0 = rs0 / m
            d1 = rs1 / m
            rc1 = _revcum(d1)
            rc0 = _revcum(d0) + jnp.sum(d1)
            sl0 = pl.ds(base, L)
            sl1 = pl.ds(base + L, L)
            f_v[sl0] = et_v[sl0] * rc0 * m
            f_v[sl1] = et_v[sl1] * rc1 * m
            for c in range(2):
                idx = base + c * L + lane
                j = c * L + lane
                sl = pl.ds(base + c * L, L)
                e0 = jnp.where(j < N - 1,
                               u_v[sl] * we_v[sl] * _gather(f_v, idx + 1),
                               0.0)
                plsc.store_scatter(e_v, [idx * 4], e0)

        base_l = NN - N
        sl1_l = pl.ds(base_l + L, L)
        rs1_l = jnp.where(lane == L - 1, etn_v[sl1_l] / u_v[sl1_l], 0.0)
        _store_f_and_east(base_l, jnp.zeros((L,), f32), rs1_l)
        zero_l = jnp.zeros((L,), f32)
        for c in range(2):
            idx = base_l + c * L + lane
            for d in (1, 2, 3):
                plsc.store_scatter(e_v, [idx * 4 + d], zero_l)

        @pl.loop(1, N)
        def _bwd(t):
            i = (N - 1) - t
            base = i * N
            rs = []
            for c in range(2):
                idx = base + c * L + lane
                j = c * L + lane
                sl = pl.ds(base + c * L, L)
                u_c = u_v[sl]
                t1 = jnp.where(j < N - 1,
                               _gather(f_v, idx + N + 1) * wse_v[sl], 0.0)
                t2 = _gather(f_v, idx + N) * ws_v[sl]
                t3 = jnp.where(j > 0,
                               _gather(f_v, idx + N - 1) * wsw_v[sl], 0.0)
                plsc.store_scatter(e_v, [idx * 4 + 1], u_c * t1)
                plsc.store_scatter(e_v, [idx * 4 + 2], u_c * t2)
                plsc.store_scatter(e_v, [idx * 4 + 3], u_c * t3)
                rs.append((t1 + t2 + t3) * etn_v[sl])
            _store_f_and_east(base, rs[0], rs[1])

        pltpu.sync_copy(e_v, e_hbm)

    @pl.when(is_b)
    def _tile_b():
        _sigmoid()

        @pl.loop(0, NCHUNK)
        def _theta(c):
            te, tse, ts, tsw = _theta_chunk(c)
            sl = pl.ds(c * L, L)
            te_v[sl] = te
            tse_v[sl] = tse
            ts_v[sl] = ts
            tsw_v[sl] = tsw

        @pl.loop(0, N)
        def _prefix(i):
            base = i * N
            t0, t1 = _prefix_shift(i)
            t_v[pl.ds(base, L)] = t0
            t_v[pl.ds(base + L, L)] = t1

        h_v[pl.ds(0, L)] = t_v[pl.ds(0, L)]
        h_v[pl.ds(L, L)] = t_v[pl.ds(L, L)]

        @pl.loop(1, N)
        def _hdp(i):
            base = i * N
            bs = []
            for c in range(2):
                idx = base + c * L + lane
                j = c * L + lane
                b = _gather(h_v, idx - N) + _gather(ts_v, idx - N)
                b = jnp.minimum(b, jnp.where(
                    j > 0,
                    _gather(h_v, idx - N - 1) + _gather(tse_v, idx - N - 1),
                    BIG))
                b = jnp.minimum(b, jnp.where(
                    j < N - 1,
                    _gather(h_v, idx - N + 1) + _gather(tsw_v, idx - N + 1),
                    BIG))
                bs.append(b - t_v[pl.ds(base + c * L, L)])
            x0, x1 = bs
            cm0 = _cummin(x0)
            cm1 = jnp.minimum(_cummin(x1), jnp.min(x0))
            h_v[pl.ds(base, L)] = t_v[pl.ds(base, L)] + cm0
            h_v[pl.ds(base + L, L)] = t_v[pl.ds(base + L, L)] + cm1

        pltpu.sync_copy(h_v.at[pl.ds(NN - L, L)], hf_hbm)


def _compiler_params():
    cp = pltpu.CompilerParams()
    if "needs_layout_passes" in pltpu.CompilerParams.__dataclass_fields__:
        cp = dataclasses.replace(cp, needs_layout_passes=False)
    return cp


@functools.partial(jax.jit, static_argnames=())
def kernel(image):
    mesh = plsc.VectorSubcoreMesh(core_axis_name="c", subcore_axis_name="s",
                                  num_cores=1, num_subcores=2)
    vec = lambda n: pltpu.VMEM((n,), f32)
    run = pl.kernel(
        _sc_body,
        out_type=(
            jax.ShapeDtypeStruct((4 * NN,), f32),
            jax.ShapeDtypeStruct((L,), f32),
            jax.ShapeDtypeStruct((L,), f32),
        ),
        mesh=mesh,
        scratch_types=[vec(NN) for _ in range(16)] + [vec(4 * NN)],
        compiler_params=_compiler_params(),
    )
    e_flat, u_tail, h_tail = run(image.reshape(-1).astype(f32))
    v = -jnp.log(u_tail[L - 1])
    v_hard = h_tail[L - 1]
    return (v, e_flat.reshape(NN, 4), v_hard)

# --- scband reference (transcript-rebuilt; emitter-appended) ---
"""Pipeline reference for scband-splayer-88064009437611 (READ-ONLY COPY).

The authoritative reference and input builder live on the scoring server;
editing this copy changes nothing except your own understanding.
"""

import jax, jax.numpy as jnp
import numpy as np

N = 32

# Edge weights theta[i, j, k]: squared intensity difference from pixel (i, j) to its
# neighbor in direction k (0=east, 1=southeast, 2=south, 3=southwest). This matches
# the custom backward in the original module, which uses 2*(pixel differences) as the
# local derivative of the edge weights.

def make_theta(pos):
    n = pos.shape[0]
    z = jnp.zeros((n, n), dtype=pos.dtype)
    east = z.at[:, :-1].set((pos[:, :-1] - pos[:, 1:]) ** 2)
    se = z.at[:-1, :-1].set((pos[:-1, :-1] - pos[1:, 1:]) ** 2)
    s = z.at[:-1, :].set((pos[:-1, :] - pos[1:, :]) ** 2)
    sw = z.at[:-1, 1:].set((pos[:-1, 1:] - pos[1:, :-1]) ** 2)
    return jnp.stack([east, se, s, sw], axis=2)


def dp_value(theta, soft=True):
    """Shortest path value from (0,0) to (n-1,n-1) over the E/SE/S/SW grid DAG.
    soft=True uses the softmin ('softmax' smoothing) operator -logsumexp(-x);
    soft=False is the hard min DP."""
    n = theta.shape[0]
    v = [[None] * n for _ in range(n)]
    v[0][0] = jnp.asarray(0.0, dtype=theta.dtype)
    for i in range(n):
        for j in range(n):
            if i == 0 and j == 0:
                continue
            cands = []
            if j > 0:
                cands.append(v[i][j - 1] + theta[i, j - 1, 0])
            if i > 0 and j > 0:
                cands.append(v[i - 1][j - 1] + theta[i - 1, j - 1, 1])
            if i > 0:
                cands.append(v[i - 1][j] + theta[i - 1, j, 2])
            if i > 0 and j < n - 1:
                cands.append(v[i - 1][j + 1] + theta[i - 1, j + 1, 3])
            x = jnp.stack(cands)
            if soft:
                v[i][j] = -jax.nn.logsumexp(-x)
            else:
                v[i][j] = jnp.min(x)
    return v[n - 1][n - 1]


def setup_inputs(seed: int = 0):
    key = jax.random.key(seed)
    image = jax.random.normal(key, (N, N), dtype=jnp.float32)
    return {"image": image}


def reference(image):
    # forward: pos_image = sigmoid(image); theta = pairwise squared diffs;
    # v = soft-DP shortest path; E = dv/dtheta (edge marginals, shape [n*n, 4]
    # indexed row-major like idx2loc); v_hard = hard-DP shortest path.
    pos = jax.nn.sigmoid(image)
    theta = make_theta(pos)
    v = dp_value(theta, soft=True)
    E = jax.grad(lambda t: dp_value(t, soft=True))(theta).reshape(-1, 4)
    v_hard = dp_value(theta, soft=False)
    return (v, E, v_hard)

if __name__ == "__main__":
    import jax
    _d = setup_inputs()
    print(jax.jit(kernel)(*tuple(_d.values())))

</pallas_src>

<mosaic_0001>
#map = affine_map<(d0, d1) -> (0)>
module attributes {stable_mosaic.version = 14 : i64} {
  func.func @_sc_body(%arg0: i32, %arg1: i32, %arg2: memref<1024xf32, #tpu.memory_space<hbm>>, %arg3: memref<4096xf32, #tpu.memory_space<hbm>>, %arg4: memref<16xf32, #tpu.memory_space<hbm>>, %arg5: memref<16xf32, #tpu.memory_space<hbm>>, %arg6: memref<1024xf32, #tpu.memory_space<vmem>>, %arg7: memref<1024xf32, #tpu.memory_space<vmem>>, %arg8: memref<1024xf32, #tpu.memory_space<vmem>>, %arg9: memref<1024xf32, #tpu.memory_space<vmem>>, %arg10: memref<1024xf32, #tpu.memory_space<vmem>>, %arg11: memref<1024xf32, #tpu.memory_space<vmem>>, %arg12: memref<1024xf32, #tpu.memory_space<vmem>>, %arg13: memref<1024xf32, #tpu.memory_space<vmem>>, %arg14: memref<1024xf32, #tpu.memory_space<vmem>>, %arg15: memref<1024xf32, #tpu.memory_space<vmem>>, %arg16: memref<1024xf32, #tpu.memory_space<vmem>>, %arg17: memref<1024xf32, #tpu.memory_space<vmem>>, %arg18: memref<1024xf32, #tpu.memory_space<vmem>>, %arg19: memref<1024xf32, #tpu.memory_space<vmem>>, %arg20: memref<1024xf32, #tpu.memory_space<vmem>>, %arg21: memref<1024xf32, #tpu.memory_space<vmem>>, %arg22: memref<4096xf32, #tpu.memory_space<vmem>>) attributes {dimension_semantics = [#tpu.dimension_semantics<core_parallel>, #tpu.dimension_semantics<subcore_parallel>], iteration_bounds = array<i64: 1, 2>, scalar_prefetch = 0 : i64, scratch_operands = 17 : i64, tpu.core_type = #tpu.core_type<sc_vector_subcore>, window_params = [{transform_indices = #map}, {transform_indices = #map}, {transform_indices = #map}, {transform_indices = #map}]} {
    %eq3A = arith.constant 0 : i32
    %eq3A_0 = arith.cmpi eq, %arg0, %eq3A : i32
    %eq3A_1 = arith.constant 0 : i32
    %eq3A_2 = arith.cmpi eq, %arg1, %eq3A_1 : i32
    %and3A = arith.andi %eq3A_0, %eq3A_2 : i1
    %eq3A_3 = arith.constant 0 : i32
    %eq3A_4 = arith.cmpi eq, %arg0, %eq3A_3 : i32
    %eq3A_5 = arith.constant 1 : i32
    %eq3A_6 = arith.cmpi eq, %arg1, %eq3A_5 : i32
    %and3A_7 = arith.andi %eq3A_4, %eq3A_6 : i1
    %iota3A = tpu.iota {dimensions = array<i32: 0>} : vector<16xi32>
    %convert_element_type3A = arith.extui %and3A : i1 to i32
    %cond3A = arith.constant 0 : i32
    %cond3A_8 = arith.cmpi ne, %convert_element_type3A, %cond3A : i32
    scf.if %cond3A_8 {
      "tpu.region"() ({
        %run_scoped3A = tpu.sem_alloc : memref<!tpu.dma_semaphore, #tpu.memory_space<semaphore_mem>>
        tpu.enqueue_dma source(%arg2 : memref<1024xf32, #tpu.memory_space<hbm>>) target(%arg6 : memref<1024xf32, #tpu.memory_space<vmem>>) target_semaphore(%run_scoped3A : memref<!tpu.dma_semaphore, #tpu.memory_space<semaphore_mem>>)
        tpu.wait_dma2 semaphore(%run_scoped3A : memref<!tpu.dma_semaphore, #tpu.memory_space<semaphore_mem>>) src(%arg2 : memref<1024xf32, #tpu.memory_space<hbm>>) dst(%arg6 : memref<1024xf32, #tpu.memory_space<vmem>>)
        tpu.yield
      }) : () -> ()
      %scan3A = arith.constant 0 : i32
      %scan3A_12 = arith.constant 64 : i32
      %scan3A_13 = arith.addi %scan3A, %scan3A_12 : i32
      %scan3A_14 = arith.constant 1 : i32
      scf.for %scan3A_206 = %scan3A to %scan3A_13 step %scan3A_14  : i32 {
        %mul3A_207 = arith.constant 1 : i32
        %mul3A_208 = arith.muli %scan3A_206, %mul3A_207 : i32
        %add3A_209 = arith.constant 0 : i32
        %add3A_210 = arith.addi %add3A_209, %mul3A_208 : i32
        %mul3A_211 = arith.constant 16 : i32
        %mul3A_212 = arith.muli %add3A_210, %mul3A_211 : i32
        %get3A_213 = arith.index_cast %mul3A_212 : i32 to index
        %get3A_214 = tpu.vector_load %arg6[%get3A_213] {strides = array<i32>} : memref<1024xf32, #tpu.memory_space<vmem>>, vector<16xf32>,
        %neg3A = arith.constant 0.000000e+00 : f32
        %neg3A_215 = vector.broadcast %neg3A : f32 to vector<16xf32>
        %neg3A_216 = arith.subf %neg3A_215, %get3A_214 : vector<16xf32>
        %exp3A = math.exp %neg3A_216 : vector<16xf32>
        %add3A_217 = arith.constant 1.000000e+00 : f32
        %add3A_218 = vector.broadcast %add3A_217 : f32 to vector<16xf32>
        %add3A_219 = arith.addf %add3A_218, %exp3A : vector<16xf32>
        %div3A_220 = arith.constant 1.000000e+00 : f32
        %div3A_221 = vector.broadcast %div3A_220 : f32 to vector<16xf32>
        %div3A_222 = arith.divf %div3A_221, %add3A_219 : vector<16xf32>
        %swap3A_223 = arith.index_cast %mul3A_212 : i32 to index
        %swap3A_224 = tpu.vector_load %arg7[%swap3A_223] {strides = array<i32>} : memref<1024xf32, #tpu.memory_space<vmem>>, vector<16xf32>,
        tpu.vector_store %arg7[%swap3A_223], %div3A_222 {strides = array<i32>} : memref<1024xf32, #tpu.memory_space<vmem>>, vector<16xf32>,
      }
      %scan3A_15 = arith.constant 64 : i32
      %scan3A_16 = arith.constant 0 : i32
      %scan3A_17 = arith.constant 64 : i32
      %scan3A_18 = arith.addi %scan3A_16, %scan3A_17 : i32
      %scan3A_19 = arith.constant 1 : i32
      scf.for %scan3A_206 = %scan3A_16 to %scan3A_18 step %scan3A_19  : i32 {
        %mul3A_207 = arith.constant 1 : i32
        %mul3A_208 = arith.muli %scan3A_206, %mul3A_207 : i32
        %add3A_209 = arith.constant 0 : i32
        %add3A_210 = arith.addi %add3A_209, %mul3A_208 : i32
        %mul3A_211 = arith.constant 16 : i32
        %mul3A_212 = arith.muli %add3A_210, %mul3A_211 : i32
        %add3A_213 = vector.broadcast %mul3A_212 : i32 to vector<16xi32>
        %add3A_214 = arith.addi %add3A_213, %iota3A : vector<16xi32>
        %and3A_215 = arith.constant 1 : i32
        %and3A_216 = arith.andi %add3A_210, %and3A_215 : i32
        %mul3A_217 = arith.constant 16 : i32
        %mul3A_218 = arith.muli %and3A_216, %mul3A_217 : i32
        %add3A_219 = vector.broadcast %mul3A_218 : i32 to vector<16xi32>
        %add3A_220 = arith.addi %add3A_219, %iota3A : vector<16xi32>
        %shift_right_arithmetic3A = arith.constant 1 : i32
        %shift_right_arithmetic3A_221 = arith.shrsi %add3A_210, %shift_right_arithmetic3A : i32
        %broadcast_in_dim3A_222 = vector.broadcast %shift_right_arithmetic3A_221 : i32 to vector<16xi32>
        %lt3A_223 = arith.constant 31 : i32
        %lt3A_224 = vector.broadcast %lt3A_223 : i32 to vector<16xi32>
        %lt3A_225 = arith.cmpi slt, %add3A_220, %lt3A_224 : vector<16xi32>
        %lt3A_226 = arith.constant 31 : i32
        %lt3A_227 = vector.broadcast %lt3A_226 : i32 to vector<16xi32>
        %lt3A_228 = arith.cmpi slt, %broadcast_in_dim3A_222, %lt3A_227 : vector<16xi32>
        %get3A_229 = arith.index_cast %mul3A_212 : i32 to index
        %get3A_230 = tpu.vector_load %arg7[%get3A_229] {strides = array<i32>} : memref<1024xf32, #tpu.memory_space<vmem>>, vector<16xf32>,
        %broadcast_in_dim3A_231 = arith.constant 0.000000e+00 : f32
        %broadcast_in_dim3A_232 = vector.broadcast %broadcast_in_dim3A_231 : f32 to vector<16xf32>
        %add3A_233 = arith.constant 1 : i32
        %add3A_234 = vector.broadcast %add3A_233 : i32 to vector<16xi32>
        %add3A_235 = arith.addi %add3A_214, %add3A_234 : vector<16xi32>
        %jit3A_236 = arith.constant 0 : i32
        %jit3A_237 = arith.constant 1023 : i32
        %max3A_238 = vector.broadcast %jit3A_236 : i32 to vector<16xi32>
        %max3A_239 = arith.maxsi %max3A_238, %add3A_235 : vector<16xi32>
        %min3A_240 = vector.broadcast %jit3A_237 : i32 to vector<16xi32>
        %min3A_241 = arith.minsi %min3A_240, %max3A_239 : vector<16xi32>
        %gather3A_242 = tpu.vector_load_idx %arg7[%min3A_241] : memref<1024xf32, #tpu.memory_space<vmem>>[vector<16xi32>], vector<16xf32>,
        %add3A_243 = arith.constant 32 : i32
        %add3A_244 = vector.broadcast %add3A_243 : i32 to vector<16xi32>
        %add3A_245 = arith.addi %add3A_214, %add3A_244 : vector<16xi32>
        %add3A_246 = arith.constant 1 : i32
        %add3A_247 = vector.broadcast %add3A_246 : i32 to vector<16xi32>
        %add3A_248 = arith.addi %add3A_245, %add3A_247 : vector<16xi32>
        %jit3A_249 = arith.constant 0 : i32
        %jit3A_250 = arith.constant 1023 : i32
        %max3A_251 = vector.broadcast %jit3A_249 : i32 to vector<16xi32>
        %max3A_252 = arith.maxsi %max3A_251, %add3A_248 : vector<16xi32>
        %min3A_253 = vector.broadcast %jit3A_250 : i32 to vector<16xi32>
        %min3A_254 = arith.minsi %min3A_253, %max3A_252 : vector<16xi32>
        %gather3A_255 = tpu.vector_load_idx %arg7[%min3A_254] : memref<1024xf32, #tpu.memory_space<vmem>>[vector<16xi32>], vector<16xf32>,
        %add3A_256 = arith.constant 32 : i32
        %add3A_257 = vector.broadcast %add3A_256 : i32 to vector<16xi32>
        %add3A_258 = arith.addi %add3A_214, %add3A_257 : vector<16xi32>
        %jit3A_259 = arith.constant 0 : i32
        %jit3A_260 = arith.constant 1023 : i32
        %max3A_261 = vector.broadcast %jit3A_259 : i32 to vector<16xi32>
        %max3A_262 = arith.maxsi %max3A_261, %add3A_258 : vector<16xi32>
        %min3A_263 = vector.broadcast %jit3A_260 : i32 to vector<16xi32>
        %min3A_264 = arith.minsi %min3A_263, %max3A_262 : vector<16xi32>
        %gather3A_265 = tpu.vector_load_idx %arg7[%min3A_264] : memref<1024xf32, #tpu.memory_space<vmem>>[vector<16xi32>], vector<16xf32>,
        %add3A_266 = arith.constant 32 : i32
        %add3A_267 = vector.broadcast %add3A_266 : i32 to vector<16xi32>
        %add3A_268 = arith.addi %add3A_214, %add3A_267 : vector<16xi32>
        %sub3A = arith.constant 1 : i32
        %sub3A_269 = vector.broadcast %sub3A : i32 to vector<16xi32>
        %sub3A_270 = arith.subi %add3A_268, %sub3A_269 : vector<16xi32>
        %jit3A_271 = arith.constant 0 : i32
        %jit3A_272 = arith.constant 1023 : i32
        %max3A_273 = vector.broadcast %jit3A_271 : i32 to vector<16xi32>
        %max3A_274 = arith.maxsi %max3A_273, %sub3A_270 : vector<16xi32>
        %min3A_275 = vector.broadcast %jit3A_272 : i32 to vector<16xi32>
        %min3A_276 = arith.minsi %min3A_275, %max3A_274 : vector<16xi32>
        %gather3A_277 = tpu.vector_load_idx %arg7[%min3A_276] : memref<1024xf32, #tpu.memory_space<vmem>>[vector<16xi32>], vector<16xf32>,
        %sub3A_278 = arith.subf %get3A_230, %gather3A_242 : vector<16xf32>
        %sub3A_279 = arith.subf %get3A_230, %gather3A_255 : vector<16xf32>
        %sub3A_280 = arith.subf %get3A_230, %gather3A_265 : vector<16xf32>
        %sub3A_281 = arith.subf %get3A_230, %gather3A_277 : vector<16xf32>
        %mul3A_282 = arith.mulf %sub3A_278, %sub3A_278 : vector<16xf32>
        %select_n3A_283 = arith.select %lt3A_225, %mul3A_282, %broadcast_in_dim3A_232 : vector<16xi1>, vector<16xf32>
        %and3A_284 = arith.andi %lt3A_225, %lt3A_228 : vector<16xi1>
        %mul3A_285 = arith.mulf %sub3A_279, %sub3A_279 : vector<16xf32>
        %select_n3A_286 = arith.select %and3A_284, %mul3A_285, %broadcast_in_dim3A_232 : vector<16xi1>, vector<16xf32>
        %mul3A_287 = arith.mulf %sub3A_280, %sub3A_280 : vector<16xf32>
        %select_n3A_288 = arith.select %lt3A_228, %mul3A_287, %broadcast_in_dim3A_232 : vector<16xi1>, vector<16xf32>
        %gt3A = arith.constant 0 : i32
        %gt3A_289 = vector.broadcast %gt3A : i32 to vector<16xi32>
        %gt3A_290 = arith.cmpi sgt, %add3A_220, %gt3A_289 : vector<16xi32>
        %and3A_291 = arith.andi %gt3A_290, %lt3A_228 : vector<16xi1>
        %mul3A_292 = arith.mulf %sub3A_281, %sub3A_281 : vector<16xf32>
        %select_n3A_293 = arith.select %and3A_291, %mul3A_292, %broadcast_in_dim3A_232 : vector<16xi1>, vector<16xf32>
        %mul3A_294 = arith.constant 16 : i32
        %mul3A_295 = arith.muli %add3A_210, %mul3A_294 : i32
        %swap3A_296 = arith.index_cast %mul3A_295 : i32 to index
        %swap3A_297 = tpu.vector_load %arg8[%swap3A_296] {strides = array<i32>} : memref<1024xf32, #tpu.memory_space<vmem>>, vector<16xf32>,
        tpu.vector_store %arg8[%swap3A_296], %select_n3A_283 {strides = array<i32>} : memref<1024xf32, #tpu.memory_space<vmem>>, vector<16xf32>,
        %neg3A = arith.constant 0.000000e+00 : f32
        %neg3A_298 = vector.broadcast %neg3A : f32 to vector<16xf32>
        %neg3A_299 = arith.subf %neg3A_298, %select_n3A_283 : vector<16xf32>
        %exp3A = math.exp %neg3A_299 : vector<16xf32>
        %swap3A_300 = arith.index_cast %mul3A_295 : i32 to index
        %swap3A_301 = tpu.vector_load %arg12[%swap3A_300] {strides = array<i32>} : memref<1024xf32, #tpu.memory_space<vmem>>, vector<16xf32>,
        tpu.vector_store %arg12[%swap3A_300], %exp3A {strides = array<i32>} : memref<1024xf32, #tpu.memory_space<vmem>>, vector<16xf32>,
        %neg3A_302 = arith.constant 0.000000e+00 : f32
        %neg3A_303 = vector.broadcast %neg3A_302 : f32 to vector<16xf32>
        %neg3A_304 = arith.subf %neg3A_303, %select_n3A_286 : vector<16xf32>
        %exp3A_305 = math.exp %neg3A_304 : vector<16xf32>
        %swap3A_306 = arith.index_cast %mul3A_295 : i32 to index
        %swap3A_307 = tpu.vector_load %arg13[%swap3A_306] {strides = array<i32>} : memref<1024xf32, #tpu.memory_space<vmem>>, vector<16xf32>,
        tpu.vector_store %arg13[%swap3A_306], %exp3A_305 {strides = array<i32>} : memref<1024xf32, #tpu.memory_space<vmem>>, vector<16xf32>,
        %neg3A_308 = arith.constant 0.000000e+00 : f32
        %neg3A_309 = vector.broadcast %neg3A_308 : f32 to vector<16xf32>
        %neg3A_310 = arith.subf %neg3A_309, %select_n3A_288 : vector<16xf32>
        %exp3A_311 = math.exp %neg3A_310 : vector<16xf32>
        %swap3A_312 = arith.index_cast %mul3A_295 : i32 to index
        %swap3A_313 = tpu.vector_load %arg14[%swap3A_312] {strides = array<i32>} : memref<1024xf32, #tpu.memory_space<vmem>>, vector<16xf32>,
        tpu.vector_store %arg14[%swap3A_312], %exp3A_311 {strides = array<i32>} : memref<1024xf32, #tpu.memory_space<vmem>>, vector<16xf32>,
        %neg3A_314 = arith.constant 0.000000e+00 : f32
        %neg3A_315 = vector.broadcast %neg3A_314 : f32 to vector<16xf32>
        %neg3A_316 = arith.subf %neg3A_315, %select_n3A_293 : vector<16xf32>
        %exp3A_317 = math.exp %neg3A_316 : vector<16xf32>
        %swap3A_318 = arith.index_cast %mul3A_295 : i32 to index
        %swap3A_319 = tpu.vector_load %arg15[%swap3A_318] {strides = array<i32>} : memref<1024xf32, #tpu.memory_space<vmem>>, vector<16xf32>,
        tpu.vector_store %arg15[%swap3A_318], %exp3A_317 {strides = array<i32>} : memref<1024xf32, #tpu.memory_space<vmem>>, vector<16xf32>,
      }
      %scan3A_20 = arith.constant 64 : i32
      %scan3A_21 = arith.constant 0 : i32
      %scan3A_22 = arith.constant 32 : i32
      %scan3A_23 = arith.addi %scan3A_21, %scan3A_22 : i32
      %scan3A_24 = arith.constant 1 : i32
      scf.for %scan3A_206 = %scan3A_21 to %scan3A_23 step %scan3A_24  : i32 {
        %mul3A_207 = arith.constant 1 : i32
        %mul3A_208 = arith.muli %scan3A_206, %mul3A_207 : i32
        %add3A_209 = arith.constant 0 : i32
        %add3A_210 = arith.addi %add3A_209, %mul3A_208 : i32
        %mul3A_211 = arith.constant 32 : i32
        %mul3A_212 = arith.muli %add3A_210, %mul3A_211 : i32
        %mul3A_213 = arith.constant 32 : i32
        %mul3A_214 = arith.muli %add3A_210, %mul3A_213 : i32
        %add3A_215 = vector.broadcast %mul3A_214 : i32 to vector<16xi32>
        %add3A_216 = arith.addi %add3A_215, %iota3A : vector<16xi32>
        %gt3A = arith.constant 0 : i32
        %gt3A_217 = vector.broadcast %gt3A : i32 to vector<16xi32>
        %gt3A_218 = arith.cmpi sgt, %iota3A, %gt3A_217 : vector<16xi32>
        %sub3A = arith.constant 1 : i32
        %sub3A_219 = vector.broadcast %sub3A : i32 to vector<16xi32>
        %sub3A_220 = arith.subi %add3A_216, %sub3A_219 : vector<16xi32>
        %jit3A_221 = arith.constant 0 : i32
        %jit3A_222 = arith.constant 1023 : i32
        %max3A_223 = vector.broadcast %jit3A_221 : i32 to vector<16xi32>
        %max3A_224 = arith.maxsi %max3A_223, %sub3A_220 : vector<16xi32>
        %min3A_225 = vector.broadcast %jit3A_222 : i32 to vector<16xi32>
        %min3A_226 = arith.minsi %min3A_225, %max3A_224 : vector<16xi32>
        %gather3A_227 = tpu.vector_load_idx %arg8[%min3A_226] : memref<1024xf32, #tpu.memory_space<vmem>>[vector<16xi32>], vector<16xf32>,
        %jit3A_228 = arith.constant 0.000000e+00 : f32
        %broadcast_in_dim3A_229 = vector.broadcast %jit3A_228 : f32 to vector<16xf32>
        %select_n3A_230 = arith.select %gt3A_218, %gather3A_227, %broadcast_in_dim3A_229 : vector<16xi1>, vector<16xf32>
        %add3A_231 = arith.constant 16 : i32
        %add3A_232 = arith.addi %mul3A_214, %add3A_231 : i32
        %sub3A_233 = arith.constant 1 : i32
        %sub3A_234 = arith.subi %add3A_232, %sub3A_233 : i32
        %get3A_235 = arith.index_cast %sub3A_234 : i32 to index
        %get3A_236 = tpu.vector_load %arg8[%get3A_235] {strides = array<i32>} : memref<1024xf32, #tpu.memory_space<vmem>>, vector<16xf32>,
        %broadcast_in_dim3A_237 = arith.constant true
        %broadcast_in_dim3A_238 = vector.broadcast %broadcast_in_dim3A_237 : i1 to vector<16xi1>
        %masked_cumsum3A_239 = tpu.scan <sum>, %select_n3A_230 masked %broadcast_in_dim3A_238 : vector<16xf32>, vector<16xi1> -> vector<16xf32>
        %broadcast_in_dim3A_240 = arith.constant true
        %broadcast_in_dim3A_241 = vector.broadcast %broadcast_in_dim3A_240 : i1 to vector<16xi1>
        %masked_cumsum3A_242 = tpu.scan <sum>, %get3A_236 masked %broadcast_in_dim3A_241 : vector<16xf32>, vector<16xi1> -> vector<16xf32>
        %reduce_sum3A_243 = arith.constant true
        %reduce_sum3A_244 = vector.broadcast %reduce_sum3A_243 : i1 to vector<16xi1>
        %reduce_sum3A_245 = tpu.scan <sum>, %select_n3A_230 masked %reduce_sum3A_244 : vector<16xf32>, vector<16xi1> -> vector<16xf32>
        %reduce_sum3A_246 = vector.extract %reduce_sum3A_245[15] : f32 from vector<16xf32>
        %add3A_247 = vector.broadcast %reduce_sum3A_246 : f32 to vector<16xf32>
        %add3A_248 = arith.addf %masked_cumsum3A_242, %add3A_247 : vector<16xf32>
        %exp3A = math.exp %masked_cumsum3A_239 : vector<16xf32>
        %swap3A_249 = arith.index_cast %mul3A_212 : i32 to index
        %swap3A_250 = tpu.vector_load %arg17[%swap3A_249] {strides = array<i32>} : memref<1024xf32, #tpu.memory_space<vmem>>, vector<16xf32>,
        tpu.vector_store %arg17[%swap3A_249], %exp3A {strides = array<i32>} : memref<1024xf32, #tpu.memory_space<vmem>>, vector<16xf32>,
        %exp3A_251 = math.exp %add3A_248 : vector<16xf32>
        %add3A_252 = arith.constant 16 : i32
        %add3A_253 = arith.addi %mul3A_212, %add3A_252 : i32
        %swap3A_254 = arith.index_cast %add3A_253 : i32 to index
        %swap3A_255 = tpu.vector_load %arg17[%swap3A_254] {strides = array<i32>} : memref<1024xf32, #tpu.memory_space<vmem>>, vector<16xf32>,
        tpu.vector_store %arg17[%swap3A_254], %exp3A_251 {strides = array<i32>} : memref<1024xf32, #tpu.memory_space<vmem>>, vector<16xf32>,
        %neg3A = arith.constant 0.000000e+00 : f32
        %neg3A_256 = vector.broadcast %neg3A : f32 to vector<16xf32>
        %neg3A_257 = arith.subf %neg3A_256, %masked_cumsum3A_239 : vector<16xf32>
        %exp3A_258 = math.exp %neg3A_257 : vector<16xf32>
        %swap3A_259 = arith.index_cast %mul3A_212 : i32 to index
        %swap3A_260 = tpu.vector_load %arg18[%swap3A_259] {strides = array<i32>} : memref<1024xf32, #tpu.memory_space<vmem>>, vector<16xf32>,
        tpu.vector_store %arg18[%swap3A_259], %exp3A_258 {strides = array<i32>} : memref<1024xf32, #tpu.memory_space<vmem>>, vector<16xf32>,
        %neg3A_261 = arith.constant 0.000000e+00 : f32
        %neg3A_262 = vector.broadcast %neg3A_261 : f32 to vector<16xf32>
        %neg3A_263 = arith.subf %neg3A_262, %add3A_248 : vector<16xf32>
        %exp3A_264 = math.exp %neg3A_263 : vector<16xf32>
        %add3A_265 = arith.constant 16 : i32
        %add3A_266 = arith.addi %mul3A_212, %add3A_265 : i32
        %swap3A_267 = arith.index_cast %add3A_266 : i32 to index
        %swap3A_268 = tpu.vector_load %arg18[%swap3A_267] {strides = array<i32>} : memref<1024xf32, #tpu.memory_space<vmem>>, vector<16xf32>,
        tpu.vector_store %arg18[%swap3A_267], %exp3A_264 {strides = array<i32>} : memref<1024xf32, #tpu.memory_space<vmem>>, vector<16xf32>,
      }
      %scan3A_25 = arith.constant 32 : i32
      %get3A = arith.constant 0 : index
      %get3A_26 = tpu.vector_load %arg18[%get3A] {strides = array<i32>} : memref<1024xf32, #tpu.memory_space<vmem>>, vector<16xf32>,
      %swap3A = arith.constant 0 : index
      %swap3A_27 = tpu.vector_load %arg19[%swap3A] {strides = array<i32>} : memref<1024xf32, #tpu.memory_space<vmem>>, vector<16xf32>,
      tpu.vector_store %arg19[%swap3A], %get3A_26 {strides = array<i32>} : memref<1024xf32, #tpu.memory_space<vmem>>, vector<16xf32>,
      %get3A_28 = arith.constant 16 : index
      %get3A_29 = tpu.vector_load %arg18[%get3A_28] {strides = array<i32>} : memref<1024xf32, #tpu.memory_space<vmem>>, vector<16xf32>,
      %swap3A_30 = arith.constant 16 : index
      %swap3A_31 = tpu.vector_load %arg19[%swap3A_30] {strides = array<i32>} : memref<1024xf32, #tpu.memory_space<vmem>>, vector<16xf32>,
      tpu.vector_store %arg19[%swap3A_30], %get3A_29 {strides = array<i32>} : memref<1024xf32, #tpu.memory_space<vmem>>, vector<16xf32>,
      %scan3A_32 = arith.constant 0 : i32
      %scan3A_33 = arith.constant 31 : i32
      %scan3A_34 = arith.addi %scan3A_32, %scan3A_33 : i32
      %scan3A_35 = arith.constant 1 : i32
      scf.for %scan3A_206 = %scan3A_32 to %scan3A_34 step %scan3A_35  : i32 {
        %mul3A_207 = arith.constant 1 : i32
        %mul3A_208 = arith.muli %scan3A_206, %mul3A_207 : i32
        %add3A_209 = arith.constant 1 : i32
        %add3A_210 = arith.addi %add3A_209, %mul3A_208 : i32
        %mul3A_211 = arith.constant 32 : i32
        %mul3A_212 = arith.muli %add3A_210, %mul3A_211 : i32
        %add3A_213 = arith.constant 0 : i32
        %add3A_214 = arith.addi %mul3A_212, %add3A_213 : i32
        %add3A_215 = vector.broadcast %add3A_214 : i32 to vector<16xi32>
        %add3A_216 = arith.addi %add3A_215, %iota3A : vector<16xi32>
        %add3A_217 = arith.constant 0 : i32
        %add3A_218 = vector.broadcast %add3A_217 : i32 to vector<16xi32>
        %add3A_219 = arith.addi %add3A_218, %iota3A : vector<16xi32>
        %sub3A = arith.constant 32 : i32
        %sub3A_220 = vector.broadcast %sub3A : i32 to vector<16xi32>
        %sub3A_221 = arith.subi %add3A_216, %sub3A_220 : vector<16xi32>
        %jit3A_222 = arith.constant 0 : i32
        %jit3A_223 = arith.constant 1023 : i32
        %max3A_224 = vector.broadcast %jit3A_222 : i32 to vector<16xi32>
        %max3A_225 = arith.maxsi %max3A_224, %sub3A_221 : vector<16xi32>
        %min3A_226 = vector.broadcast %jit3A_223 : i32 to vector<16xi32>
        %min3A_227 = arith.minsi %min3A_226, %max3A_225 : vector<16xi32>
        %gather3A_228 = tpu.vector_load_idx %arg19[%min3A_227] : memref<1024xf32, #tpu.memory_space<vmem>>[vector<16xi32>], vector<16xf32>,
        %sub3A_229 = arith.constant 32 : i32
        %sub3A_230 = vector.broadcast %sub3A_229 : i32 to vector<16xi32>
        %sub3A_231 = arith.subi %add3A_216, %sub3A_230 : vector<16xi32>
        %jit3A_232 = arith.constant 0 : i32
        %jit3A_233 = arith.constant 1023 : i32
        %max3A_234 = vector.broadcast %jit3A_232 : i32 to vector<16xi32>
        %max3A_235 = arith.maxsi %max3A_234, %sub3A_231 : vector<16xi32>
        %min3A_236 = vector.broadcast %jit3A_233 : i32 to vector<16xi32>
        %min3A_237 = arith.minsi %min3A_236, %max3A_235 : vector<16xi32>
        %gather3A_238 = tpu.vector_load_idx %arg14[%min3A_237] : memref<1024xf32, #tpu.memory_space<vmem>>[vector<16xi32>], vector<16xf32>,
        %mul3A_239 = arith.mulf %gather3A_228, %gather3A_238 : vector<16xf32>
        %gt3A = arith.constant 0 : i32
        %gt3A_240 = vector.broadcast %gt3A : i32 to vector<16xi32>
        %gt3A_241 = arith.cmpi sgt, %add3A_219, %gt3A_240 : vector<16xi32>
        %sub3A_242 = arith.constant 32 : i32
        %sub3A_243 = vector.broadcast %sub3A_242 : i32 to vector<16xi32>
        %sub3A_244 = arith.subi %add3A_216, %sub3A_243 : vector<16xi32>
        %sub3A_245 = arith.constant 1 : i32
        %sub3A_246 = vector.broadcast %sub3A_245 : i32 to vector<16xi32>
        %sub3A_247 = arith.subi %sub3A_244, %sub3A_246 : vector<16xi32>
        %jit3A_248 = arith.constant 0 : i32
        %jit3A_249 = arith.constant 1023 : i32
        %max3A_250 = vector.broadcast %jit3A_248 : i32 to vector<16xi32>
        %max3A_251 = arith.maxsi %max3A_250, %sub3A_247 : vector<16xi32>
        %min3A_252 = vector.broadcast %jit3A_249 : i32 to vector<16xi32>
        %min3A_253 = arith.minsi %min3A_252, %max3A_251 : vector<16xi32>
        %gather3A_254 = tpu.vector_load_idx %arg19[%min3A_253] : memref<1024xf32, #tpu.memory_space<vmem>>[vector<16xi32>], vector<16xf32>,
        %sub3A_255 = arith.constant 32 : i32
        %sub3A_256 = vector.broadcast %sub3A_255 : i32 to vector<16xi32>
        %sub3A_257 = arith.subi %add3A_216, %sub3A_256 : vector<16xi32>
        %sub3A_258 = arith.constant 1 : i32
        %sub3A_259 = vector.broadcast %sub3A_258 : i32 to vector<16xi32>
        %sub3A_260 = arith.subi %sub3A_257, %sub3A_259 : vector<16xi32>
        %jit3A_261 = arith.constant 0 : i32
        %jit3A_262 = arith.constant 1023 : i32
        %max3A_263 = vector.broadcast %jit3A_261 : i32 to vector<16xi32>
        %max3A_264 = arith.maxsi %max3A_263, %sub3A_260 : vector<16xi32>
        %min3A_265 = vector.broadcast %jit3A_262 : i32 to vector<16xi32>
        %min3A_266 = arith.minsi %min3A_265, %max3A_264 : vector<16xi32>
        %gather3A_267 = tpu.vector_load_idx %arg13[%min3A_266] : memref<1024xf32, #tpu.memory_space<vmem>>[vector<16xi32>], vector<16xf32>,
        %mul3A_268 = arith.mulf %gather3A_254, %gather3A_267 : vector<16xf32>
        %jit3A_269 = arith.constant 0.000000e+00 : f32
        %broadcast_in_dim3A_270 = vector.broadcast %jit3A_269 : f32 to vector<16xf32>
        %select_n3A_271 = arith.select %gt3A_241, %mul3A_268, %broadcast_in_dim3A_270 : vector<16xi1>, vector<16xf32>
        %add3A_272 = arith.addf %mul3A_239, %select_n3A_271 : vector<16xf32>
        %lt3A_273 = arith.constant 31 : i32
        %lt3A_274 = vector.broadcast %lt3A_273 : i32 to vector<16xi32>
        %lt3A_275 = arith.cmpi slt, %add3A_219, %lt3A_274 : vector<16xi32>
        %sub3A_276 = arith.constant 32 : i32
        %sub3A_277 = vector.broadcast %sub3A_276 : i32 to vector<16xi32>
        %sub3A_278 = arith.subi %add3A_216, %sub3A_277 : vector<16xi32>
        %add3A_279 = arith.constant 1 : i32
        %add3A_280 = vector.broadcast %add3A_279 : i32 to vector<16xi32>
        %add3A_281 = arith.addi %sub3A_278, %add3A_280 : vector<16xi32>
        %jit3A_282 = arith.constant 0 : i32
        %jit3A_283 = arith.constant 1023 : i32
        %max3A_284 = vector.broadcast %jit3A_282 : i32 to vector<16xi32>
        %max3A_285 = arith.maxsi %max3A_284, %add3A_281 : vector<16xi32>
        %min3A_286 = vector.broadcast %jit3A_283 : i32 to vector<16xi32>
        %min3A_287 = arith.minsi %min3A_286, %max3A_285 : vector<16xi32>
        %gather3A_288 = tpu.vector_load_idx %arg19[%min3A_287] : memref<1024xf32, #tpu.memory_space<vmem>>[vector<16xi32>], vector<16xf32>,
        %sub3A_289 = arith.constant 32 : i32
        %sub3A_290 = vector.broadcast %sub3A_289 : i32 to vector<16xi32>
        %sub3A_291 = arith.subi %add3A_216, %sub3A_290 : vector<16xi32>
        %add3A_292 = arith.constant 1 : i32
        %add3A_293 = vector.broadcast %add3A_292 : i32 to vector<16xi32>
        %add3A_294 = arith.addi %sub3A_291, %add3A_293 : vector<16xi32>
        %jit3A_295 = arith.constant 0 : i32
        %jit3A_296 = arith.constant 1023 : i32
        %max3A_297 = vector.broadcast %jit3A_295 : i32 to vector<16xi32>
        %max3A_298 = arith.maxsi %max3A_297, %add3A_294 : vector<16xi32>
        %min3A_299 = vector.broadcast %jit3A_296 : i32 to vector<16xi32>
        %min3A_300 = arith.minsi %min3A_299, %max3A_298 : vector<16xi32>
        %gather3A_301 = tpu.vector_load_idx %arg15[%min3A_300] : memref<1024xf32, #tpu.memory_space<vmem>>[vector<16xi32>], vector<16xf32>,
        %mul3A_302 = arith.mulf %gather3A_288, %gather3A_301 : vector<16xf32>
        %jit3A_303 = arith.constant 0.000000e+00 : f32
        %broadcast_in_dim3A_304 = vector.broadcast %jit3A_303 : f32 to vector<16xf32>
        %select_n3A_305 = arith.select %lt3A_275, %mul3A_302, %broadcast_in_dim3A_304 : vector<16xi1>, vector<16xf32>
        %add3A_306 = arith.addf %add3A_272, %select_n3A_305 : vector<16xf32>
        %add3A_307 = arith.constant 0 : i32
        %add3A_308 = arith.addi %mul3A_212, %add3A_307 : i32
        %get3A_309 = arith.index_cast %add3A_308 : i32 to index
        %get3A_310 = tpu.vector_load %arg17[%get3A_309] {strides = array<i32>} : memref<1024xf32, #tpu.memory_space<vmem>>, vector<16xf32>,
        %mul3A_311 = arith.mulf %add3A_306, %get3A_310 : vector<16xf32>
        %add3A_312 = arith.constant 16 : i32
        %add3A_313 = arith.addi %mul3A_212, %add3A_312 : i32
        %add3A_314 = vector.broadcast %add3A_313 : i32 to vector<16xi32>
        %add3A_315 = arith.addi %add3A_314, %iota3A : vector<16xi32>
        %add3A_316 = arith.constant 16 : i32
        %add3A_317 = vector.broadcast %add3A_316 : i32 to vector<16xi32>
        %add3A_318 = arith.addi %add3A_317, %iota3A : vector<16xi32>
        %sub3A_319 = arith.constant 32 : i32
        %sub3A_320 = vector.broadcast %sub3A_319 : i32 to vector<16xi32>
        %sub3A_321 = arith.subi %add3A_315, %sub3A_320 : vector<16xi32>
        %jit3A_322 = arith.constant 0 : i32
        %jit3A_323 = arith.constant 1023 : i32
        %max3A_324 = vector.broadcast %jit3A_322 : i32 to vector<16xi32>
        %max3A_325 = arith.maxsi %max3A_324, %sub3A_321 : vector<16xi32>
        %min3A_326 = vector.broadcast %jit3A_323 : i32 to vector<16xi32>
        %min3A_327 = arith.minsi %min3A_326, %max3A_325 : vector<16xi32>
        %gather3A_328 = tpu.vector_load_idx %arg19[%min3A_327] : memref<1024xf32, #tpu.memory_space<vmem>>[vector<16xi32>], vector<16xf32>,
        %sub3A_329 = arith.constant 32 : i32
        %sub3A_330 = vector.broadcast %sub3A_329 : i32 to vector<16xi32>
        %sub3A_331 = arith.subi %add3A_315, %sub3A_330 : vector<16xi32>
        %jit3A_332 = arith.constant 0 : i32
        %jit3A_333 = arith.constant 1023 : i32
        %max3A_334 = vector.broadcast %jit3A_332 : i32 to vector<16xi32>
        %max3A_335 = arith.maxsi %max3A_334, %sub3A_331 : vector<16xi32>
        %min3A_336 = vector.broadcast %jit3A_333 : i32 to vector<16xi32>
        %min3A_337 = arith.minsi %min3A_336, %max3A_335 : vector<16xi32>
        %gather3A_338 = tpu.vector_load_idx %arg14[%min3A_337] : memref<1024xf32, #tpu.memory_space<vmem>>[vector<16xi32>], vector<16xf32>,
        %mul3A_339 = arith.mulf %gather3A_328, %gather3A_338 : vector<16xf32>
        %gt3A_340 = arith.constant 0 : i32
        %gt3A_341 = vector.broadcast %gt3A_340 : i32 to vector<16xi32>
        %gt3A_342 = arith.cmpi sgt, %add3A_318, %gt3A_341 : vector<16xi32>
        %sub3A_343 = arith.constant 32 : i32
        %sub3A_344 = vector.broadcast %sub3A_343 : i32 to vector<16xi32>
        %sub3A_345 = arith.subi %add3A_315, %sub3A_344 : vector<16xi32>
        %sub3A_346 = arith.constant 1 : i32
        %sub3A_347 = vector.broadcast %sub3A_346 : i32 to vector<16xi32>
        %sub3A_348 = arith.subi %sub3A_345, %sub3A_347 : vector<16xi32>
        %jit3A_349 = arith.constant 0 : i32
        %jit3A_350 = arith.constant 1023 : i32
        %max3A_351 = vector.broadcast %jit3A_349 : i32 to vector<16xi32>
        %max3A_352 = arith.maxsi %max3A_351, %sub3A_348 : vector<16xi32>
        %min3A_353 = vector.broadcast %jit3A_350 : i32 to vector<16xi32>
        %min3A_354 = arith.minsi %min3A_353, %max3A_352 : vector<16xi32>
        %gather3A_355 = tpu.vector_load_idx %arg19[%min3A_354] : memref<1024xf32, #tpu.memory_space<vmem>>[vector<16xi32>], vector<16xf32>,
        %sub3A_356 = arith.constant 32 : i32
        %sub3A_357 = vector.broadcast %sub3A_356 : i32 to vector<16xi32>
        %sub3A_358 = arith.subi %add3A_315, %sub3A_357 : vector<16xi32>
        %sub3A_359 = arith.constant 1 : i32
        %sub3A_360 = vector.broadcast %sub3A_359 : i32 to vector<16xi32>
        %sub3A_361 = arith.subi %sub3A_358, %sub3A_360 : vector<16xi32>
        %jit3A_362 = arith.constant 0 : i32
        %jit3A_363 = arith.constant 1023 : i32
        %max3A_364 = vector.broadcast %jit3A_362 : i32 to vector<16xi32>
        %max3A_365 = arith.maxsi %max3A_364, %sub3A_361 : vector<16xi32>
        %min3A_366 = vector.broadcast %jit3A_363 : i32 to vector<16xi32>
        %min3A_367 = arith.minsi %min3A_366, %max3A_365 : vector<16xi32>
        %gather3A_368 = tpu.vector_load_idx %arg13[%min3A_367] : memref<1024xf32, #tpu.memory_space<vmem>>[vector<16xi32>], vector<16xf32>,
        %mul3A_369 = arith.mulf %gather3A_355, %gather3A_368 : vector<16xf32>
        %jit3A_370 = arith.constant 0.000000e+00 : f32
        %broadcast_in_dim3A_371 = vector.broadcast %jit3A_370 : f32 to vector<16xf32>
        %select_n3A_372 = arith.select %gt3A_342, %mul3A_369, %broadcast_in_dim3A_371 : vector<16xi1>, vector<16xf32>
        %add3A_373 = arith.addf %mul3A_339, %select_n3A_372 : vector<16xf32>
        %lt3A_374 = arith.constant 31 : i32
        %lt3A_375 = vector.broadcast %lt3A_374 : i32 to vector<16xi32>
        %lt3A_376 = arith.cmpi slt, %add3A_318, %lt3A_375 : vector<16xi32>
        %sub3A_377 = arith.constant 32 : i32
        %sub3A_378 = vector.broadcast %sub3A_377 : i32 to vector<16xi32>
        %sub3A_379 = arith.subi %add3A_315, %sub3A_378 : vector<16xi32>
        %add3A_380 = arith.constant 1 : i32
        %add3A_381 = vector.broadcast %add3A_380 : i32 to vector<16xi32>
        %add3A_382 = arith.addi %sub3A_379, %add3A_381 : vector<16xi32>
        %jit3A_383 = arith.constant 0 : i32
        %jit3A_384 = arith.constant 1023 : i32
        %max3A_385 = vector.broadcast %jit3A_383 : i32 to vector<16xi32>
        %max3A_386 = arith.maxsi %max3A_385, %add3A_382 : vector<16xi32>
        %min3A_387 = vector.broadcast %jit3A_384 : i32 to vector<16xi32>
        %min3A_388 = arith.minsi %min3A_387, %max3A_386 : vector<16xi32>
        %gather3A_389 = tpu.vector_load_idx %arg19[%min3A_388] : memref<1024xf32, #tpu.memory_space<vmem>>[vector<16xi32>], vector<16xf32>,
        %sub3A_390 = arith.constant 32 : i32
        %sub3A_391 = vector.broadcast %sub3A_390 : i32 to vector<16xi32>
        %sub3A_392 = arith.subi %add3A_315, %sub3A_391 : vector<16xi32>
        %add3A_393 = arith.constant 1 : i32
        %add3A_394 = vector.broadcast %add3A_393 : i32 to vector<16xi32>
        %add3A_395 = arith.addi %sub3A_392, %add3A_394 : vector<16xi32>
        %jit3A_396 = arith.constant 0 : i32
        %jit3A_397 = arith.constant 1023 : i32
        %max3A_398 = vector.broadcast %jit3A_396 : i32 to vector<16xi32>
        %max3A_399 = arith.maxsi %max3A_398, %add3A_395 : vector<16xi32>
        %min3A_400 = vector.broadcast %jit3A_397 : i32 to vector<16xi32>
        %min3A_401 = arith.minsi %min3A_400, %max3A_399 : vector<16xi32>
        %gather3A_402 = tpu.vector_load_idx %arg15[%min3A_401] : memref<1024xf32, #tpu.memory_space<vmem>>[vector<16xi32>], vector<16xf32>,
        %mul3A_403 = arith.mulf %gather3A_389, %gather3A_402 : vector<16xf32>
        %jit3A_404 = arith.constant 0.000000e+00 : f32
        %broadcast_in_dim3A_405 = vector.broadcast %jit3A_404 : f32 to vector<16xf32>
        %select_n3A_406 = arith.select %lt3A_376, %mul3A_403, %broadcast_in_dim3A_405 : vector<16xi1>, vector<16xf32>
        %add3A_407 = arith.addf %add3A_373, %select_n3A_406 : vector<16xf32>
        %add3A_408 = arith.constant 16 : i32
        %add3A_409 = arith.addi %mul3A_212, %add3A_408 : i32
        %get3A_410 = arith.index_cast %add3A_409 : i32 to index
        %get3A_411 = tpu.vector_load %arg17[%get3A_410] {strides = array<i32>} : memref<1024xf32, #tpu.memory_space<vmem>>, vector<16xf32>,
        %mul3A_412 = arith.mulf %add3A_407, %get3A_411 : vector<16xf32>
        %reduce_max3A_413 = arith.constant true
        %reduce_max3A_414 = vector.broadcast %reduce_max3A_413 : i1 to vector<16xi1>
        %reduce_max3A_415 = tpu.scan <max>, %mul3A_311 masked %reduce_max3A_414 : vector<16xf32>, vector<16xi1> -> vector<16xf32>
        %reduce_max3A_416 = vector.extract %reduce_max3A_415[15] : f32 from vector<16xf32>
        %reduce_max3A_417 = arith.constant true
        %reduce_max3A_418 = vector.broadcast %reduce_max3A_417 : i1 to vector<16xi1>
        %reduce_max3A_419 = tpu.scan <max>, %mul3A_412 masked %reduce_max3A_418 : vector<16xf32>, vector<16xi1> -> vector<16xf32>
        %reduce_max3A_420 = vector.extract %reduce_max3A_419[15] : f32 from vector<16xf32>
        %max3A_421 = arith.maximumf %reduce_max3A_416, %reduce_max3A_420 : f32
        %div3A_422 = vector.broadcast %max3A_421 : f32 to vector<16xf32>
        %div3A_423 = arith.divf %mul3A_311, %div3A_422 : vector<16xf32>
        %div3A_424 = vector.broadcast %max3A_421 : f32 to vector<16xf32>
        %div3A_425 = arith.divf %mul3A_412, %div3A_424 : vector<16xf32>
        %broadcast_in_dim3A_426 = arith.constant true
        %broadcast_in_dim3A_427 = vector.broadcast %broadcast_in_dim3A_426 : i1 to vector<16xi1>
        %masked_cumsum3A_428 = tpu.scan <sum>, %div3A_423 masked %broadcast_in_dim3A_427 : vector<16xf32>, vector<16xi1> -> vector<16xf32>
        %broadcast_in_dim3A_429 = arith.constant true
        %broadcast_in_dim3A_430 = vector.broadcast %broadcast_in_dim3A_429 : i1 to vector<16xi1>
        %masked_cumsum3A_431 = tpu.scan <sum>, %div3A_425 masked %broadcast_in_dim3A_430 : vector<16xf32>, vector<16xi1> -> vector<16xf32>
        %reduce_sum3A_432 = arith.constant true
        %reduce_sum3A_433 = vector.broadcast %reduce_sum3A_432 : i1 to vector<16xi1>
        %reduce_sum3A_434 = tpu.scan <sum>, %div3A_423 masked %reduce_sum3A_433 : vector<16xf32>, vector<16xi1> -> vector<16xf32>
        %reduce_sum3A_435 = vector.extract %reduce_sum3A_434[15] : f32 from vector<16xf32>
        %add3A_436 = vector.broadcast %reduce_sum3A_435 : f32 to vector<16xf32>
        %add3A_437 = arith.addf %masked_cumsum3A_431, %add3A_436 : vector<16xf32>
        %get3A_438 = arith.index_cast %mul3A_212 : i32 to index
        %get3A_439 = tpu.vector_load %arg18[%get3A_438] {strides = array<i32>} : memref<1024xf32, #tpu.memory_space<vmem>>, vector<16xf32>,
        %mul3A_440 = arith.mulf %get3A_439, %masked_cumsum3A_428 : vector<16xf32>
        %mul3A_441 = vector.broadcast %max3A_421 : f32 to vector<16xf32>
        %mul3A_442 = arith.mulf %mul3A_440, %mul3A_441 : vector<16xf32>
        %swap3A_443 = arith.index_cast %mul3A_212 : i32 to index
        %swap3A_444 = tpu.vector_load %arg19[%swap3A_443] {strides = array<i32>} : memref<1024xf32, #tpu.memory_space<vmem>>, vector<16xf32>,
        tpu.vector_store %arg19[%swap3A_443], %mul3A_442 {strides = array<i32>} : memref<1024xf32, #tpu.memory_space<vmem>>, vector<16xf32>,
        %add3A_445 = arith.constant 16 : i32
        %add3A_446 = arith.addi %mul3A_212, %add3A_445 : i32
        %get3A_447 = arith.index_cast %add3A_446 : i32 to index
        %get3A_448 = tpu.vector_load %arg18[%get3A_447] {strides = array<i32>} : memref<1024xf32, #tpu.memory_space<vmem>>, vector<16xf32>,
        %mul3A_449 = arith.mulf %get3A_448, %add3A_437 : vector<16xf32>
        %mul3A_450 = vector.broadcast %max3A_421 : f32 to vector<16xf32>
        %mul3A_451 = arith.mulf %mul3A_449, %mul3A_450 : vector<16xf32>
        %add3A_452 = arith.constant 16 : i32
        %add3A_453 = arith.addi %mul3A_212, %add3A_452 : i32
        %swap3A_454 = arith.index_cast %add3A_453 : i32 to index
        %swap3A_455 = tpu.vector_load %arg19[%swap3A_454] {strides = array<i32>} : memref<1024xf32, #tpu.memory_space<vmem>>, vector<16xf32>,
        tpu.vector_store %arg19[%swap3A_454], %mul3A_451 {strides = array<i32>} : memref<1024xf32, #tpu.memory_space<vmem>>, vector<16xf32>,
      }
      %scan3A_36 = arith.constant 31 : i32
      "tpu.region"() ({
        %run_scoped3A = tpu.sem_alloc : memref<!tpu.dma_semaphore, #tpu.memory_space<semaphore_mem>>
        %dma_start3A = arith.constant 1008 : i32
        %dma_start3A_206 = tpu.memref_slice %arg19[%dma_start3A] : memref<1024xf32, #tpu.memory_space<vmem>> -> memref<16xf32, #tpu.memory_space<vmem>>
        %dma_start3A_207 = arith.constant 1008 : i32
        %dma_start3A_208 = tpu.memref_slice %arg19[%dma_start3A_207] : memref<1024xf32, #tpu.memory_space<vmem>> -> memref<16xf32, #tpu.memory_space<vmem>>
        tpu.enqueue_dma source(%dma_start3A_208 : memref<16xf32, #tpu.memory_space<vmem>>) target(%arg4 : memref<16xf32, #tpu.memory_space<hbm>>) target_semaphore(%run_scoped3A : memref<!tpu.dma_semaphore, #tpu.memory_space<semaphore_mem>>)
        %dma_wait3A = arith.constant 1008 : i32
        %dma_wait3A_209 = tpu.memref_slice %arg19[%dma_wait3A] : memref<1024xf32, #tpu.memory_space<vmem>> -> memref<16xf32, #tpu.memory_space<vmem>>
        %dma_wait3A_210 = arith.constant 1008 : i32
        %dma_wait3A_211 = tpu.memref_slice %arg19[%dma_wait3A_210] : memref<1024xf32, #tpu.memory_space<vmem>> -> memref<16xf32, #tpu.memory_space<vmem>>
        tpu.wait_dma2 semaphore(%run_scoped3A : memref<!tpu.dma_semaphore, #tpu.memory_space<semaphore_mem>>) src(%dma_wait3A_211 : memref<16xf32, #tpu.memory_space<vmem>>) dst(%arg4 : memref<16xf32, #tpu.memory_space<hbm>>)
        tpu.yield
      }) : () -> ()
      %eq3A_37 = arith.constant 15 : i32
      %eq3A_38 = vector.broadcast %eq3A_37 : i32 to vector<16xi32>
      %eq3A_39 = arith.cmpi eq, %iota3A, %eq3A_38 : vector<16xi32>
      %get3A_40 = arith.constant 1008 : index
      %get3A_41 = tpu.vector_load %arg18[%get3A_40] {strides = array<i32>} : memref<1024xf32, #tpu.memory_space<vmem>>, vector<16xf32>,
      %get3A_42 = arith.constant 1008 : index
      %get3A_43 = tpu.vector_load %arg19[%get3A_42] {strides = array<i32>} : memref<1024xf32, #tpu.memory_space<vmem>>, vector<16xf32>,
      %div3A = arith.divf %get3A_41, %get3A_43 : vector<16xf32>
      %jit3A = arith.constant 0.000000e+00 : f32
      %broadcast_in_dim3A = vector.broadcast %jit3A : f32 to vector<16xf32>
      %select_n3A = arith.select %eq3A_39, %div3A, %broadcast_in_dim3A : vector<16xi1>, vector<16xf32>
      %broadcast_in_dim3A_44 = arith.constant 0.000000e+00 : f32
      %broadcast_in_dim3A_45 = vector.broadcast %broadcast_in_dim3A_44 : f32 to vector<16xf32>
      %reduce_max3A = arith.constant true
      %reduce_max3A_46 = vector.broadcast %reduce_max3A : i1 to vector<16xi1>
      %reduce_max3A_47 = tpu.scan <max>, %broadcast_in_dim3A_45 masked %reduce_max3A_46 : vector<16xf32>, vector<16xi1> -> vector<16xf32>
      %reduce_max3A_48 = vector.extract %reduce_max3A_47[15] : f32 from vector<16xf32>
      %reduce_max3A_49 = arith.constant true
      %reduce_max3A_50 = vector.broadcast %reduce_max3A_49 : i1 to vector<16xi1>
      %reduce_max3A_51 = tpu.scan <max>, %select_n3A masked %reduce_max3A_50 : vector<16xf32>, vector<16xi1> -> vector<16xf32>
      %reduce_max3A_52 = vector.extract %reduce_max3A_51[15] : f32 from vector<16xf32>
      %max3A = arith.maximumf %reduce_max3A_48, %reduce_max3A_52 : f32
      %div3A_53 = vector.broadcast %max3A : f32 to vector<16xf32>
      %div3A_54 = arith.divf %broadcast_in_dim3A_45, %div3A_53 : vector<16xf32>
      %div3A_55 = vector.broadcast %max3A : f32 to vector<16xf32>
      %div3A_56 = arith.divf %select_n3A, %div3A_55 : vector<16xf32>
      %rev3A = arith.constant 15 : i32
      %rev3A_57 = vector.broadcast %rev3A : i32 to vector<16xi32>
      %rev3A_58 = tpu.iota {dimensions = array<i32: 0>} : vector<16xi32>
      %rev3A_59 = arith.subi %rev3A_57, %rev3A_58 : vector<16xi32>
      %rev3A_60 = tpu.dynamic_gather %div3A_56[%rev3A_59] in [0] : vector<16xf32>, vector<16xi32> -> vector<16xf32>
      %broadcast_in_dim3A_61 = arith.constant true
      %broadcast_in_dim3A_62 = vector.broadcast %broadcast_in_dim3A_61 : i1 to vector<16xi1>
      %masked_cumsum3A = tpu.scan <sum>, %rev3A_60 masked %broadcast_in_dim3A_62 : vector<16xf32>, vector<16xi1> -> vector<16xf32>
      %rev3A_63 = arith.constant 15 : i32
      %rev3A_64 = vector.broadcast %rev3A_63 : i32 to vector<16xi32>
      %rev3A_65 = tpu.iota {dimensions = array<i32: 0>} : vector<16xi32>
      %rev3A_66 = arith.subi %rev3A_64, %rev3A_65 : vector<16xi32>
      %rev3A_67 = tpu.dynamic_gather %masked_cumsum3A[%rev3A_66] in [0] : vector<16xf32>, vector<16xi32> -> vector<16xf32>
      %rev3A_68 = arith.constant 15 : i32
      %rev3A_69 = vector.broadcast %rev3A_68 : i32 to vector<16xi32>
      %rev3A_70 = tpu.iota {dimensions = array<i32: 0>} : vector<16xi32>
      %rev3A_71 = arith.subi %rev3A_69, %rev3A_70 : vector<16xi32>
      %rev3A_72 = tpu.dynamic_gather %div3A_54[%rev3A_71] in [0] : vector<16xf32>, vector<16xi32> -> vector<16xf32>
      %broadcast_in_dim3A_73 = arith.constant true
      %broadcast_in_dim3A_74 = vector.broadcast %broadcast_in_dim3A_73 : i1 to vector<16xi1>
      %masked_cumsum3A_75 = tpu.scan <sum>, %rev3A_72 masked %broadcast_in_dim3A_74 : vector<16xf32>, vector<16xi1> -> vector<16xf32>
      %rev3A_76 = arith.constant 15 : i32
      %rev3A_77 = vector.broadcast %rev3A_76 : i32 to vector<16xi32>
      %rev3A_78 = tpu.iota {dimensions = array<i32: 0>} : vector<16xi32>
      %rev3A_79 = arith.subi %rev3A_77, %rev3A_78 : vector<16xi32>
      %rev3A_80 = tpu.dynamic_gather %masked_cumsum3A_75[%rev3A_79] in [0] : vector<16xf32>, vector<16xi32> -> vector<16xf32>
      %reduce_sum3A = arith.constant true
      %reduce_sum3A_81 = vector.broadcast %reduce_sum3A : i1 to vector<16xi1>
      %reduce_sum3A_82 = tpu.scan <sum>, %div3A_56 masked %reduce_sum3A_81 : vector<16xf32>, vector<16xi1> -> vector<16xf32>
      %reduce_sum3A_83 = vector.extract %reduce_sum3A_82[15] : f32 from vector<16xf32>
      %add3A = vector.broadcast %reduce_sum3A_83 : f32 to vector<16xf32>
      %add3A_84 = arith.addf %rev3A_80, %add3A : vector<16xf32>
      %get3A_85 = arith.constant 992 : index
      %get3A_86 = tpu.vector_load %arg17[%get3A_85] {strides = array<i32>} : memref<1024xf32, #tpu.memory_space<vmem>>, vector<16xf32>,
      %mul3A = arith.mulf %get3A_86, %add3A_84 : vector<16xf32>
      %mul3A_87 = vector.broadcast %max3A : f32 to vector<16xf32>
      %mul3A_88 = arith.mulf %mul3A, %mul3A_87 : vector<16xf32>
      %swap3A_89 = arith.constant 992 : index
      %swap3A_90 = tpu.vector_load %arg20[%swap3A_89] {strides = array<i32>} : memref<1024xf32, #tpu.memory_space<vmem>>, vector<16xf32>,
      tpu.vector_store %arg20[%swap3A_89], %mul3A_88 {strides = array<i32>} : memref<1024xf32, #tpu.memory_space<vmem>>, vector<16xf32>,
      %get3A_91 = arith.constant 1008 : index
      %get3A_92 = tpu.vector_load %arg17[%get3A_91] {strides = array<i32>} : memref<1024xf32, #tpu.memory_space<vmem>>, vector<16xf32>,
      %mul3A_93 = arith.mulf %get3A_92, %rev3A_67 : vector<16xf32>
      %mul3A_94 = vector.broadcast %max3A : f32 to vector<16xf32>
      %mul3A_95 = arith.mulf %mul3A_93, %mul3A_94 : vector<16xf32>
      %swap3A_96 = arith.constant 1008 : index
      %swap3A_97 = tpu.vector_load %arg20[%swap3A_96] {strides = array<i32>} : memref<1024xf32, #tpu.memory_space<vmem>>, vector<16xf32>,
      tpu.vector_store %arg20[%swap3A_96], %mul3A_95 {strides = array<i32>} : memref<1024xf32, #tpu.memory_space<vmem>>, vector<16xf32>,
      %add3A_98 = arith.constant 992 : i32
      %add3A_99 = vector.broadcast %add3A_98 : i32 to vector<16xi32>
      %add3A_100 = arith.addi %add3A_99, %iota3A : vector<16xi32>
      %add3A_101 = arith.constant 0 : i32
      %add3A_102 = vector.broadcast %add3A_101 : i32 to vector<16xi32>
      %add3A_103 = arith.addi %add3A_102, %iota3A : vector<16xi32>
      %lt3A = arith.constant 31 : i32
      %lt3A_104 = vector.broadcast %lt3A : i32 to vector<16xi32>
      %lt3A_105 = arith.cmpi slt, %add3A_103, %lt3A_104 : vector<16xi32>
      %get3A_106 = arith.constant 992 : index
      %get3A_107 = tpu.vector_load %arg19[%get3A_106] {strides = array<i32>} : memref<1024xf32, #tpu.memory_space<vmem>>, vector<16xf32>,
      %get3A_108 = arith.constant 992 : index
      %get3A_109 = tpu.vector_load %arg12[%get3A_108] {strides = array<i32>} : memref<1024xf32, #tpu.memory_space<vmem>>, vector<16xf32>,
      %mul3A_110 = arith.mulf %get3A_107, %get3A_109 : vector<16xf32>
      %add3A_111 = arith.constant 1 : i32
      %add3A_112 = vector.broadcast %add3A_111 : i32 to vector<16xi32>
      %add3A_113 = arith.addi %add3A_100, %add3A_112 : vector<16xi32>
      %jit3A_114 = arith.constant 0 : i32
      %jit3A_115 = arith.constant 1023 : i32
      %max3A_116 = vector.broadcast %jit3A_114 : i32 to vector<16xi32>
      %max3A_117 = arith.maxsi %max3A_116, %add3A_113 : vector<16xi32>
      %min3A = vector.broadcast %jit3A_115 : i32 to vector<16xi32>
      %min3A_118 = arith.minsi %min3A, %max3A_117 : vector<16xi32>
      %gather3A = tpu.vector_load_idx %arg20[%min3A_118] : memref<1024xf32, #tpu.memory_space<vmem>>[vector<16xi32>], vector<16xf32>,
      %mul3A_119 = arith.mulf %mul3A_110, %gather3A : vector<16xf32>
      %jit3A_120 = arith.constant 0.000000e+00 : f32
      %broadcast_in_dim3A_121 = vector.broadcast %jit3A_120 : f32 to vector<16xf32>
      %select_n3A_122 = arith.select %lt3A_105, %mul3A_119, %broadcast_in_dim3A_121 : vector<16xi1>, vector<16xf32>
      %mul3A_123 = arith.constant 4 : i32
      %mul3A_124 = vector.broadcast %mul3A_123 : i32 to vector<16xi32>
      %mul3A_125 = arith.muli %add3A_100, %mul3A_124 : vector<16xi32>
      tpu.vector_store_idx %arg22[%mul3A_125], %select_n3A_122 : memref<4096xf32, #tpu.memory_space<vmem>>[vector<16xi32>], vector<16xf32>,
      %add3A_126 = arith.constant 1008 : i32
      %add3A_127 = vector.broadcast %add3A_126 : i32 to vector<16xi32>
      %add3A_128 = arith.addi %add3A_127, %iota3A : vector<16xi32>
      %add3A_129 = arith.constant 16 : i32
      %add3A_130 = vector.broadcast %add3A_129 : i32 to vector<16xi32>
      %add3A_131 = arith.addi %add3A_130, %iota3A : vector<16xi32>
      %lt3A_132 = arith.constant 31 : i32
      %lt3A_133 = vector.broadcast %lt3A_132 : i32 to vector<16xi32>
      %lt3A_134 = arith.cmpi slt, %add3A_131, %lt3A_133 : vector<16xi32>
      %get3A_135 = arith.constant 1008 : index
      %get3A_136 = tpu.vector_load %arg19[%get3A_135] {strides = array<i32>} : memref<1024xf32, #tpu.memory_space<vmem>>, vector<16xf32>,
      %get3A_137 = arith.constant 1008 : index
      %get3A_138 = tpu.vector_load %arg12[%get3A_137] {strides = array<i32>} : memref<1024xf32, #tpu.memory_space<vmem>>, vector<16xf32>,
      %mul3A_139 = arith.mulf %get3A_136, %get3A_138 : vector<16xf32>
      %add3A_140 = arith.constant 1 : i32
      %add3A_141 = vector.broadcast %add3A_140 : i32 to vector<16xi32>
      %add3A_142 = arith.addi %add3A_128, %add3A_141 : vector<16xi32>
      %jit3A_143 = arith.constant 0 : i32
      %jit3A_144 = arith.constant 1023 : i32
      %max3A_145 = vector.broadcast %jit3A_143 : i32 to vector<16xi32>
      %max3A_146 = arith.maxsi %max3A_145, %add3A_142 : vector<16xi32>
      %min3A_147 = vector.broadcast %jit3A_144 : i32 to vector<16xi32>
      %min3A_148 = arith.minsi %min3A_147, %max3A_146 : vector<16xi32>
      %gather3A_149 = tpu.vector_load_idx %arg20[%min3A_148] : memref<1024xf32, #tpu.memory_space<vmem>>[vector<16xi32>], vector<16xf32>,
      %mul3A_150 = arith.mulf %mul3A_139, %gather3A_149 : vector<16xf32>
      %jit3A_151 = arith.constant 0.000000e+00 : f32
      %broadcast_in_dim3A_152 = vector.broadcast %jit3A_151 : f32 to vector<16xf32>
      %select_n3A_153 = arith.select %lt3A_134, %mul3A_150, %broadcast_in_dim3A_152 : vector<16xi1>, vector<16xf32>
      %mul3A_154 = arith.constant 4 : i32
      %mul3A_155 = vector.broadcast %mul3A_154 : i32 to vector<16xi32>
      %mul3A_156 = arith.muli %add3A_128, %mul3A_155 : vector<16xi32>
      tpu.vector_store_idx %arg22[%mul3A_156], %select_n3A_153 : memref<4096xf32, #tpu.memory_space<vmem>>[vector<16xi32>], vector<16xf32>,
      %broadcast_in_dim3A_157 = arith.constant 0.000000e+00 : f32
      %broadcast_in_dim3A_158 = vector.broadcast %broadcast_in_dim3A_157 : f32 to vector<16xf32>
      %add3A_159 = arith.constant 992 : i32
      %add3A_160 = vector.broadcast %add3A_159 : i32 to vector<16xi32>
      %add3A_161 = arith.addi %add3A_160, %iota3A : vector<16xi32>
      %mul3A_162 = arith.constant 4 : i32
      %mul3A_163 = vector.broadcast %mul3A_162 : i32 to vector<16xi32>
      %mul3A_164 = arith.muli %add3A_161, %mul3A_163 : vector<16xi32>
      %add3A_165 = arith.constant 1 : i32
      %add3A_166 = vector.broadcast %add3A_165 : i32 to vector<16xi32>
      %add3A_167 = arith.addi %mul3A_164, %add3A_166 : vector<16xi32>
      tpu.vector_store_idx %arg22[%add3A_167], %broadcast_in_dim3A_158 : memref<4096xf32, #tpu.memory_space<vmem>>[vector<16xi32>], vector<16xf32>,
      %mul3A_168 = arith.constant 4 : i32
      %mul3A_169 = vector.broadcast %mul3A_168 : i32 to vector<16xi32>
      %mul3A_170 = arith.muli %add3A_161, %mul3A_169 : vector<16xi32>
      %add3A_171 = arith.constant 2 : i32
      %add3A_172 = vector.broadcast %add3A_171 : i32 to vector<16xi32>
      %add3A_173 = arith.addi %mul3A_170, %add3A_172 : vector<16xi32>
      tpu.vector_store_idx %arg22[%add3A_173], %broadcast_in_dim3A_158 : memref<4096xf32, #tpu.memory_space<vmem>>[vector<16xi32>], vector<16xf32>,
      %mul3A_174 = arith.constant 4 : i32
      %mul3A_175 = vector.broadcast %mul3A_174 : i32 to vector<16xi32>
      %mul3A_176 = arith.muli %add3A_161, %mul3A_175 : vector<16xi32>
      %add3A_177 = arith.constant 3 : i32
      %add3A_178 = vector.broadcast %add3A_177 : i32 to vector<16xi32>
      %add3A_179 = arith.addi %mul3A_176, %add3A_178 : vector<16xi32>
      tpu.vector_store_idx %arg22[%add3A_179], %broadcast_in_dim3A_158 : memref<4096xf32, #tpu.memory_space<vmem>>[vector<16xi32>], vector<16xf32>,
      %add3A_180 = arith.constant 1008 : i32
      %add3A_181 = vector.broadcast %add3A_180 : i32 to vector<16xi32>
      %add3A_182 = arith.addi %add3A_181, %iota3A : vector<16xi32>
      %mul3A_183 = arith.constant 4 : i32
      %mul3A_184 = vector.broadcast %mul3A_183 : i32 to vector<16xi32>
      %mul3A_185 = arith.muli %add3A_182, %mul3A_184 : vector<16xi32>
      %add3A_186 = arith.constant 1 : i32
      %add3A_187 = vector.broadcast %add3A_186 : i32 to vector<16xi32>
      %add3A_188 = arith.addi %mul3A_185, %add3A_187 : vector<16xi32>
      tpu.vector_store_idx %arg22[%add3A_188], %broadcast_in_dim3A_158 : memref<4096xf32, #tpu.memory_space<vmem>>[vector<16xi32>], vector<16xf32>,
      %mul3A_189 = arith.constant 4 : i32
      %mul3A_190 = vector.broadcast %mul3A_189 : i32 to vector<16xi32>
      %mul3A_191 = arith.muli %add3A_182, %mul3A_190 : vector<16xi32>
      %add3A_192 = arith.constant 2 : i32
      %add3A_193 = vector.broadcast %add3A_192 : i32 to vector<16xi32>
      %add3A_194 = arith.addi %mul3A_191, %add3A_193 : vector<16xi32>
      tpu.vector_store_idx %arg22[%add3A_194], %broadcast_in_dim3A_158 : memref<4096xf32, #tpu.memory_space<vmem>>[vector<16xi32>], vector<16xf32>,
      %mul3A_195 = arith.constant 4 : i32
      %mul3A_196 = vector.broadcast %mul3A_195 : i32 to vector<16xi32>
      %mul3A_197 = arith.muli %add3A_182, %mul3A_196 : vector<16xi32>
      %add3A_198 = arith.constant 3 : i32
      %add3A_199 = vector.broadcast %add3A_198 : i32 to vector<16xi32>
      %add3A_200 = arith.addi %mul3A_197, %add3A_199 : vector<16xi32>
      tpu.vector_store_idx %arg22[%add3A_200], %broadcast_in_dim3A_158 : memref<4096xf32, #tpu.memory_space<vmem>>[vector<16xi32>], vector<16xf32>,
      %scan3A_201 = arith.constant 0 : i32
      %scan3A_202 = arith.constant 31 : i32
      %scan3A_203 = arith.addi %scan3A_201, %scan3A_202 : i32
      %scan3A_204 = arith.constant 1 : i32
      scf.for %scan3A_206 = %scan3A_201 to %scan3A_203 step %scan3A_204  : i32 {
        %mul3A_207 = arith.constant 1 : i32
        %mul3A_208 = arith.muli %scan3A_206, %mul3A_207 : i32
        %add3A_209 = arith.constant 1 : i32
        %add3A_210 = arith.addi %add3A_209, %mul3A_208 : i32
        %sub3A = arith.constant 31 : i32
        %sub3A_211 = arith.subi %sub3A, %add3A_210 : i32
        %mul3A_212 = arith.constant 32 : i32
        %mul3A_213 = arith.muli %sub3A_211, %mul3A_212 : i32
        %add3A_214 = arith.constant 0 : i32
        %add3A_215 = arith.addi %mul3A_213, %add3A_214 : i32
        %add3A_216 = vector.broadcast %add3A_215 : i32 to vector<16xi32>
        %add3A_217 = arith.addi %add3A_216, %iota3A : vector<16xi32>
        %add3A_218 = arith.constant 0 : i32
        %add3A_219 = vector.broadcast %add3A_218 : i32 to vector<16xi32>
        %add3A_220 = arith.addi %add3A_219, %iota3A : vector<16xi32>
        %add3A_221 = arith.constant 0 : i32
        %add3A_222 = arith.addi %mul3A_213, %add3A_221 : i32
        %get3A_223 = arith.index_cast %add3A_222 : i32 to index
        %get3A_224 = tpu.vector_load %arg19[%get3A_223] {strides = array<i32>} : memref<1024xf32, #tpu.memory_space<vmem>>, vector<16xf32>,
        %lt3A_225 = arith.constant 31 : i32
        %lt3A_226 = vector.broadcast %lt3A_225 : i32 to vector<16xi32>
        %lt3A_227 = arith.cmpi slt, %add3A_220, %lt3A_226 : vector<16xi32>
        %add3A_228 = arith.constant 32 : i32
        %add3A_229 = vector.broadcast %add3A_228 : i32 to vector<16xi32>
        %add3A_230 = arith.addi %add3A_217, %add3A_229 : vector<16xi32>
        %add3A_231 = arith.constant 1 : i32
        %add3A_232 = vector.broadcast %add3A_231 : i32 to vector<16xi32>
        %add3A_233 = arith.addi %add3A_230, %add3A_232 : vector<16xi32>
        %jit3A_234 = arith.constant 0 : i32
        %jit3A_235 = arith.constant 1023 : i32
        %max3A_236 = vector.broadcast %jit3A_234 : i32 to vector<16xi32>
        %max3A_237 = arith.maxsi %max3A_236, %add3A_233 : vector<16xi32>
        %min3A_238 = vector.broadcast %jit3A_235 : i32 to vector<16xi32>
        %min3A_239 = arith.minsi %min3A_238, %max3A_237 : vector<16xi32>
        %gather3A_240 = tpu.vector_load_idx %arg20[%min3A_239] : memref<1024xf32, #tpu.memory_space<vmem>>[vector<16xi32>], vector<16xf32>,
        %get3A_241 = arith.index_cast %add3A_222 : i32 to index
        %get3A_242 = tpu.vector_load %arg13[%get3A_241] {strides = array<i32>} : memref<1024xf32, #tpu.memory_space<vmem>>, vector<16xf32>,
        %mul3A_243 = arith.mulf %gather3A_240, %get3A_242 : vector<16xf32>
        %jit3A_244 = arith.constant 0.000000e+00 : f32
        %broadcast_in_dim3A_245 = vector.broadcast %jit3A_244 : f32 to vector<16xf32>
        %select_n3A_246 = arith.select %lt3A_227, %mul3A_243, %broadcast_in_dim3A_245 : vector<16xi1>, vector<16xf32>
        %add3A_247 = arith.constant 32 : i32
        %add3A_248 = vector.broadcast %add3A_247 : i32 to vector<16xi32>
        %add3A_249 = arith.addi %add3A_217, %add3A_248 : vector<16xi32>
        %jit3A_250 = arith.constant 0 : i32
        %jit3A_251 = arith.constant 1023 : i32
        %max3A_252 = vector.broadcast %jit3A_250 : i32 to vector<16xi32>
        %max3A_253 = arith.maxsi %max3A_252, %add3A_249 : vector<16xi32>
        %min3A_254 = vector.broadcast %jit3A_251 : i32 to vector<16xi32>
        %min3A_255 = arith.minsi %min3A_254, %max3A_253 : vector<16xi32>
        %gather3A_256 = tpu.vector_load_idx %arg20[%min3A_255] : memref<1024xf32, #tpu.memory_space<vmem>>[vector<16xi32>], vector<16xf32>,
        %get3A_257 = arith.index_cast %add3A_222 : i32 to index
        %get3A_258 = tpu.vector_load %arg14[%get3A_257] {strides = array<i32>} : memref<1024xf32, #tpu.memory_space<vmem>>, vector<16xf32>,
        %mul3A_259 = arith.mulf %gather3A_256, %get3A_258 : vector<16xf32>
        %gt3A = arith.constant 0 : i32
        %gt3A_260 = vector.broadcast %gt3A : i32 to vector<16xi32>
        %gt3A_261 = arith.cmpi sgt, %add3A_220, %gt3A_260 : vector<16xi32>
        %add3A_262 = arith.constant 32 : i32
        %add3A_263 = vector.broadcast %add3A_262 : i32 to vector<16xi32>
        %add3A_264 = arith.addi %add3A_217, %add3A_263 : vector<16xi32>
        %sub3A_265 = arith.constant 1 : i32
        %sub3A_266 = vector.broadcast %sub3A_265 : i32 to vector<16xi32>
        %sub3A_267 = arith.subi %add3A_264, %sub3A_266 : vector<16xi32>
        %jit3A_268 = arith.constant 0 : i32
        %jit3A_269 = arith.constant 1023 : i32
        %max3A_270 = vector.broadcast %jit3A_268 : i32 to vector<16xi32>
        %max3A_271 = arith.maxsi %max3A_270, %sub3A_267 : vector<16xi32>
        %min3A_272 = vector.broadcast %jit3A_269 : i32 to vector<16xi32>
        %min3A_273 = arith.minsi %min3A_272, %max3A_271 : vector<16xi32>
        %gather3A_274 = tpu.vector_load_idx %arg20[%min3A_273] : memref<1024xf32, #tpu.memory_space<vmem>>[vector<16xi32>], vector<16xf32>,
        %get3A_275 = arith.index_cast %add3A_222 : i32 to index
        %get3A_276 = tpu.vector_load %arg15[%get3A_275] {strides = array<i32>} : memref<1024xf32, #tpu.memory_space<vmem>>, vector<16xf32>,
        %mul3A_277 = arith.mulf %gather3A_274, %get3A_276 : vector<16xf32>
        %jit3A_278 = arith.constant 0.000000e+00 : f32
        %broadcast_in_dim3A_279 = vector.broadcast %jit3A_278 : f32 to vector<16xf32>
        %select_n3A_280 = arith.select %gt3A_261, %mul3A_277, %broadcast_in_dim3A_279 : vector<16xi1>, vector<16xf32>
        %mul3A_281 = arith.constant 4 : i32
        %mul3A_282 = vector.broadcast %mul3A_281 : i32 to vector<16xi32>
        %mul3A_283 = arith.muli %add3A_217, %mul3A_282 : vector<16xi32>
        %add3A_284 = arith.constant 1 : i32
        %add3A_285 = vector.broadcast %add3A_284 : i32 to vector<16xi32>
        %add3A_286 = arith.addi %mul3A_283, %add3A_285 : vector<16xi32>
        %mul3A_287 = arith.mulf %get3A_224, %select_n3A_246 : vector<16xf32>
        tpu.vector_store_idx %arg22[%add3A_286], %mul3A_287 : memref<4096xf32, #tpu.memory_space<vmem>>[vector<16xi32>], vector<16xf32>,
        %mul3A_288 = arith.constant 4 : i32
        %mul3A_289 = vector.broadcast %mul3A_288 : i32 to vector<16xi32>
        %mul3A_290 = arith.muli %add3A_217, %mul3A_289 : vector<16xi32>
        %add3A_291 = arith.constant 2 : i32
        %add3A_292 = vector.broadcast %add3A_291 : i32 to vector<16xi32>
        %add3A_293 = arith.addi %mul3A_290, %add3A_292 : vector<16xi32>
        %mul3A_294 = arith.mulf %get3A_224, %mul3A_259 : vector<16xf32>
        tpu.vector_store_idx %arg22[%add3A_293], %mul3A_294 : memref<4096xf32, #tpu.memory_space<vmem>>[vector<16xi32>], vector<16xf32>,
        %mul3A_295 = arith.constant 4 : i32
        %mul3A_296 = vector.broadcast %mul3A_295 : i32 to vector<16xi32>
        %mul3A_297 = arith.muli %add3A_217, %mul3A_296 : vector<16xi32>
        %add3A_298 = arith.constant 3 : i32
        %add3A_299 = vector.broadcast %add3A_298 : i32 to vector<16xi32>
        %add3A_300 = arith.addi %mul3A_297, %add3A_299 : vector<16xi32>
        %mul3A_301 = arith.mulf %get3A_224, %select_n3A_280 : vector<16xf32>
        tpu.vector_store_idx %arg22[%add3A_300], %mul3A_301 : memref<4096xf32, #tpu.memory_space<vmem>>[vector<16xi32>], vector<16xf32>,
        %add3A_302 = arith.addf %select_n3A_246, %mul3A_259 : vector<16xf32>
        %add3A_303 = arith.addf %add3A_302, %select_n3A_280 : vector<16xf32>
        %get3A_304 = arith.index_cast %add3A_222 : i32 to index
        %get3A_305 = tpu.vector_load %arg18[%get3A_304] {strides = array<i32>} : memref<1024xf32, #tpu.memory_space<vmem>>, vector<16xf32>,
        %mul3A_306 = arith.mulf %add3A_303, %get3A_305 : vector<16xf32>
        %add3A_307 = arith.constant 16 : i32
        %add3A_308 = arith.addi %mul3A_213, %add3A_307 : i32
        %add3A_309 = vector.broadcast %add3A_308 : i32 to vector<16xi32>
        %add3A_310 = arith.addi %add3A_309, %iota3A : vector<16xi32>
        %add3A_311 = arith.constant 16 : i32
        %add3A_312 = vector.broadcast %add3A_311 : i32 to vector<16xi32>
        %add3A_313 = arith.addi %add3A_312, %iota3A : vector<16xi32>
        %add3A_314 = arith.constant 16 : i32
        %add3A_315 = arith.addi %mul3A_213, %add3A_314 : i32
        %get3A_316 = arith.index_cast %add3A_315 : i32 to index
        %get3A_317 = tpu.vector_load %arg19[%get3A_316] {strides = array<i32>} : memref<1024xf32, #tpu.memory_space<vmem>>, vector<16xf32>,
        %lt3A_318 = arith.constant 31 : i32
        %lt3A_319 = vector.broadcast %lt3A_318 : i32 to vector<16xi32>
        %lt3A_320 = arith.cmpi slt, %add3A_313, %lt3A_319 : vector<16xi32>
        %add3A_321 = arith.constant 32 : i32
        %add3A_322 = vector.broadcast %add3A_321 : i32 to vector<16xi32>
        %add3A_323 = arith.addi %add3A_310, %add3A_322 : vector<16xi32>
        %add3A_324 = arith.constant 1 : i32
        %add3A_325 = vector.broadcast %add3A_324 : i32 to vector<16xi32>
        %add3A_326 = arith.addi %add3A_323, %add3A_325 : vector<16xi32>
        %jit3A_327 = arith.constant 0 : i32
        %jit3A_328 = arith.constant 1023 : i32
        %max3A_329 = vector.broadcast %jit3A_327 : i32 to vector<16xi32>
        %max3A_330 = arith.maxsi %max3A_329, %add3A_326 : vector<16xi32>
        %min3A_331 = vector.broadcast %jit3A_328 : i32 to vector<16xi32>
        %min3A_332 = arith.minsi %min3A_331, %max3A_330 : vector<16xi32>
        %gather3A_333 = tpu.vector_load_idx %arg20[%min3A_332] : memref<1024xf32, #tpu.memory_space<vmem>>[vector<16xi32>], vector<16xf32>,
        %get3A_334 = arith.index_cast %add3A_315 : i32 to index
        %get3A_335 = tpu.vector_load %arg13[%get3A_334] {strides = array<i32>} : memref<1024xf32, #tpu.memory_space<vmem>>, vector<16xf32>,
        %mul3A_336 = arith.mulf %gather3A_333, %get3A_335 : vector<16xf32>
        %jit3A_337 = arith.constant 0.000000e+00 : f32
        %broadcast_in_dim3A_338 = vector.broadcast %jit3A_337 : f32 to vector<16xf32>
        %select_n3A_339 = arith.select %lt3A_320, %mul3A_336, %broadcast_in_dim3A_338 : vector<16xi1>, vector<16xf32>
        %add3A_340 = arith.constant 32 : i32
        %add3A_341 = vector.broadcast %add3A_340 : i32 to vector<16xi32>
        %add3A_342 = arith.addi %add3A_310, %add3A_341 : vector<16xi32>
        %jit3A_343 = arith.constant 0 : i32
        %jit3A_344 = arith.constant 1023 : i32
        %max3A_345 = vector.broadcast %jit3A_343 : i32 to vector<16xi32>
        %max3A_346 = arith.maxsi %max3A_345, %add3A_342 : vector<16xi32>
        %min3A_347 = vector.broadcast %jit3A_344 : i32 to vector<16xi32>
        %min3A_348 = arith.minsi %min3A_347, %max3A_346 : vector<16xi32>
        %gather3A_349 = tpu.vector_load_idx %arg20[%min3A_348] : memref<1024xf32, #tpu.memory_space<vmem>>[vector<16xi32>], vector<16xf32>,
        %get3A_350 = arith.index_cast %add3A_315 : i32 to index
        %get3A_351 = tpu.vector_load %arg14[%get3A_350] {strides = array<i32>} : memref<1024xf32, #tpu.memory_space<vmem>>, vector<16xf32>,
        %mul3A_352 = arith.mulf %gather3A_349, %get3A_351 : vector<16xf32>
        %gt3A_353 = arith.constant 0 : i32
        %gt3A_354 = vector.broadcast %gt3A_353 : i32 to vector<16xi32>
        %gt3A_355 = arith.cmpi sgt, %add3A_313, %gt3A_354 : vector<16xi32>
        %add3A_356 = arith.constant 32 : i32
        %add3A_357 = vector.broadcast %add3A_356 : i32 to vector<16xi32>
        %add3A_358 = arith.addi %add3A_310, %add3A_357 : vector<16xi32>
        %sub3A_359 = arith.constant 1 : i32
        %sub3A_360 = vector.broadcast %sub3A_359 : i32 to vector<16xi32>
        %sub3A_361 = arith.subi %add3A_358, %sub3A_360 : vector<16xi32>
        %jit3A_362 = arith.constant 0 : i32
        %jit3A_363 = arith.constant 1023 : i32
        %max3A_364 = vector.broadcast %jit3A_362 : i32 to vector<16xi32>
        %max3A_365 = arith.maxsi %max3A_364, %sub3A_361 : vector<16xi32>
        %min3A_366 = vector.broadcast %jit3A_363 : i32 to vector<16xi32>
        %min3A_367 = arith.minsi %min3A_366, %max3A_365 : vector<16xi32>
        %gather3A_368 = tpu.vector_load_idx %arg20[%min3A_367] : memref<1024xf32, #tpu.memory_space<vmem>>[vector<16xi32>], vector<16xf32>,
        %get3A_369 = arith.index_cast %add3A_315 : i32 to index
        %get3A_370 = tpu.vector_load %arg15[%get3A_369] {strides = array<i32>} : memref<1024xf32, #tpu.memory_space<vmem>>, vector<16xf32>,
        %mul3A_371 = arith.mulf %gather3A_368, %get3A_370 : vector<16xf32>
        %jit3A_372 = arith.constant 0.000000e+00 : f32
        %broadcast_in_dim3A_373 = vector.broadcast %jit3A_372 : f32 to vector<16xf32>
        %select_n3A_374 = arith.select %gt3A_355, %mul3A_371, %broadcast_in_dim3A_373 : vector<16xi1>, vector<16xf32>
        %mul3A_375 = arith.constant 4 : i32
        %mul3A_376 = vector.broadcast %mul3A_375 : i32 to vector<16xi32>
        %mul3A_377 = arith.muli %add3A_310, %mul3A_376 : vector<16xi32>
        %add3A_378 = arith.constant 1 : i32
        %add3A_379 = vector.broadcast %add3A_378 : i32 to vector<16xi32>
        %add3A_380 = arith.addi %mul3A_377, %add3A_379 : vector<16xi32>
        %mul3A_381 = arith.mulf %get3A_317, %select_n3A_339 : vector<16xf32>
        tpu.vector_store_idx %arg22[%add3A_380], %mul3A_381 : memref<4096xf32, #tpu.memory_space<vmem>>[vector<16xi32>], vector<16xf32>,
        %mul3A_382 = arith.constant 4 : i32
        %mul3A_383 = vector.broadcast %mul3A_382 : i32 to vector<16xi32>
        %mul3A_384 = arith.muli %add3A_310, %mul3A_383 : vector<16xi32>
        %add3A_385 = arith.constant 2 : i32
        %add3A_386 = vector.broadcast %add3A_385 : i32 to vector<16xi32>
        %add3A_387 = arith.addi %mul3A_384, %add3A_386 : vector<16xi32>
        %mul3A_388 = arith.mulf %get3A_317, %mul3A_352 : vector<16xf32>
        tpu.vector_store_idx %arg22[%add3A_387], %mul3A_388 : memref<4096xf32, #tpu.memory_space<vmem>>[vector<16xi32>], vector<16xf32>,
        %mul3A_389 = arith.constant 4 : i32
        %mul3A_390 = vector.broadcast %mul3A_389 : i32 to vector<16xi32>
        %mul3A_391 = arith.muli %add3A_310, %mul3A_390 : vector<16xi32>
        %add3A_392 = arith.constant 3 : i32
        %add3A_393 = vector.broadcast %add3A_392 : i32 to vector<16xi32>
        %add3A_394 = arith.addi %mul3A_391, %add3A_393 : vector<16xi32>
        %mul3A_395 = arith.mulf %get3A_317, %select_n3A_374 : vector<16xf32>
        tpu.vector_store_idx %arg22[%add3A_394], %mul3A_395 : memref<4096xf32, #tpu.memory_space<vmem>>[vector<16xi32>], vector<16xf32>,
        %add3A_396 = arith.addf %select_n3A_339, %mul3A_352 : vector<16xf32>
        %add3A_397 = arith.addf %add3A_396, %select_n3A_374 : vector<16xf32>
        %get3A_398 = arith.index_cast %add3A_315 : i32 to index
        %get3A_399 = tpu.vector_load %arg18[%get3A_398] {strides = array<i32>} : memref<1024xf32, #tpu.memory_space<vmem>>, vector<16xf32>,
        %mul3A_400 = arith.mulf %add3A_397, %get3A_399 : vector<16xf32>
        %reduce_max3A_401 = arith.constant true
        %reduce_max3A_402 = vector.broadcast %reduce_max3A_401 : i1 to vector<16xi1>
        %reduce_max3A_403 = tpu.scan <max>, %mul3A_306 masked %reduce_max3A_402 : vector<16xf32>, vector<16xi1> -> vector<16xf32>
        %reduce_max3A_404 = vector.extract %reduce_max3A_403[15] : f32 from vector<16xf32>
        %reduce_max3A_405 = arith.constant true
        %reduce_max3A_406 = vector.broadcast %reduce_max3A_405 : i1 to vector<16xi1>
        %reduce_max3A_407 = tpu.scan <max>, %mul3A_400 masked %reduce_max3A_406 : vector<16xf32>, vector<16xi1> -> vector<16xf32>
        %reduce_max3A_408 = vector.extract %reduce_max3A_407[15] : f32 from vector<16xf32>
        %max3A_409 = arith.maximumf %reduce_max3A_404, %reduce_max3A_408 : f32
        %div3A_410 = vector.broadcast %max3A_409 : f32 to vector<16xf32>
        %div3A_411 = arith.divf %mul3A_306, %div3A_410 : vector<16xf32>
        %div3A_412 = vector.broadcast %max3A_409 : f32 to vector<16xf32>
        %div3A_413 = arith.divf %mul3A_400, %div3A_412 : vector<16xf32>
        %rev3A_414 = arith.constant 15 : i32
        %rev3A_415 = vector.broadcast %rev3A_414 : i32 to vector<16xi32>
        %rev3A_416 = tpu.iota {dimensions = array<i32: 0>} : vector<16xi32>
        %rev3A_417 = arith.subi %rev3A_415, %rev3A_416 : vector<16xi32>
        %rev3A_418 = tpu.dynamic_gather %div3A_413[%rev3A_417] in [0] : vector<16xf32>, vector<16xi32> -> vector<16xf32>
        %broadcast_in_dim3A_419 = arith.constant true
        %broadcast_in_dim3A_420 = vector.broadcast %broadcast_in_dim3A_419 : i1 to vector<16xi1>
        %masked_cumsum3A_421 = tpu.scan <sum>, %rev3A_418 masked %broadcast_in_dim3A_420 : vector<16xf32>, vector<16xi1> -> vector<16xf32>
        %rev3A_422 = arith.constant 15 : i32
        %rev3A_423 = vector.broadcast %rev3A_422 : i32 to vector<16xi32>
        %rev3A_424 = tpu.iota {dimensions = array<i32: 0>} : vector<16xi32>
        %rev3A_425 = arith.subi %rev3A_423, %rev3A_424 : vector<16xi32>
        %rev3A_426 = tpu.dynamic_gather %masked_cumsum3A_421[%rev3A_425] in [0] : vector<16xf32>, vector<16xi32> -> vector<16xf32>
        %rev3A_427 = arith.constant 15 : i32
        %rev3A_428 = vector.broadcast %rev3A_427 : i32 to vector<16xi32>
        %rev3A_429 = tpu.iota {dimensions = array<i32: 0>} : vector<16xi32>
        %rev3A_430 = arith.subi %rev3A_428, %rev3A_429 : vector<16xi32>
        %rev3A_431 = tpu.dynamic_gather %div3A_411[%rev3A_430] in [0] : vector<16xf32>, vector<16xi32> -> vector<16xf32>
        %broadcast_in_dim3A_432 = arith.constant true
        %broadcast_in_dim3A_433 = vector.broadcast %broadcast_in_dim3A_432 : i1 to vector<16xi1>
        %masked_cumsum3A_434 = tpu.scan <sum>, %rev3A_431 masked %broadcast_in_dim3A_433 : vector<16xf32>, vector<16xi1> -> vector<16xf32>
        %rev3A_435 = arith.constant 15 : i32
        %rev3A_436 = vector.broadcast %rev3A_435 : i32 to vector<16xi32>
        %rev3A_437 = tpu.iota {dimensions = array<i32: 0>} : vector<16xi32>
        %rev3A_438 = arith.subi %rev3A_436, %rev3A_437 : vector<16xi32>
        %rev3A_439 = tpu.dynamic_gather %masked_cumsum3A_434[%rev3A_438] in [0] : vector<16xf32>, vector<16xi32> -> vector<16xf32>
        %reduce_sum3A_440 = arith.constant true
        %reduce_sum3A_441 = vector.broadcast %reduce_sum3A_440 : i1 to vector<16xi1>
        %reduce_sum3A_442 = tpu.scan <sum>, %div3A_413 masked %reduce_sum3A_441 : vector<16xf32>, vector<16xi1> -> vector<16xf32>
        %reduce_sum3A_443 = vector.extract %reduce_sum3A_442[15] : f32 from vector<16xf32>
        %add3A_444 = vector.broadcast %reduce_sum3A_443 : f32 to vector<16xf32>
        %add3A_445 = arith.addf %rev3A_439, %add3A_444 : vector<16xf32>
        %add3A_446 = arith.constant 16 : i32
        %add3A_447 = arith.addi %mul3A_213, %add3A_446 : i32
        %get3A_448 = arith.index_cast %mul3A_213 : i32 to index
        %get3A_449 = tpu.vector_load %arg17[%get3A_448] {strides = array<i32>} : memref<1024xf32, #tpu.memory_space<vmem>>, vector<16xf32>,
        %mul3A_450 = arith.mulf %get3A_449, %add3A_445 : vector<16xf32>
        %mul3A_451 = vector.broadcast %max3A_409 : f32 to vector<16xf32>
        %mul3A_452 = arith.mulf %mul3A_450, %mul3A_451 : vector<16xf32>
        %swap3A_453 = arith.index_cast %mul3A_213 : i32 to index
        %swap3A_454 = tpu.vector_load %arg20[%swap3A_453] {strides = array<i32>} : memref<1024xf32, #tpu.memory_space<vmem>>, vector<16xf32>,
        tpu.vector_store %arg20[%swap3A_453], %mul3A_452 {strides = array<i32>} : memref<1024xf32, #tpu.memory_space<vmem>>, vector<16xf32>,
        %get3A_455 = arith.index_cast %add3A_447 : i32 to index
        %get3A_456 = tpu.vector_load %arg17[%get3A_455] {strides = array<i32>} : memref<1024xf32, #tpu.memory_space<vmem>>, vector<16xf32>,
        %mul3A_457 = arith.mulf %get3A_456, %rev3A_426 : vector<16xf32>
        %mul3A_458 = vector.broadcast %max3A_409 : f32 to vector<16xf32>
        %mul3A_459 = arith.mulf %mul3A_457, %mul3A_458 : vector<16xf32>
        %swap3A_460 = arith.index_cast %add3A_447 : i32 to index
        %swap3A_461 = tpu.vector_load %arg20[%swap3A_460] {strides = array<i32>} : memref<1024xf32, #tpu.memory_space<vmem>>, vector<16xf32>,
        tpu.vector_store %arg20[%swap3A_460], %mul3A_459 {strides = array<i32>} : memref<1024xf32, #tpu.memory_space<vmem>>, vector<16xf32>,
        %add3A_462 = arith.constant 0 : i32
        %add3A_463 = arith.addi %mul3A_213, %add3A_462 : i32
        %add3A_464 = vector.broadcast %add3A_463 : i32 to vector<16xi32>
        %add3A_465 = arith.addi %add3A_464, %iota3A : vector<16xi32>
        %add3A_466 = arith.constant 0 : i32
        %add3A_467 = vector.broadcast %add3A_466 : i32 to vector<16xi32>
        %add3A_468 = arith.addi %add3A_467, %iota3A : vector<16xi32>
        %add3A_469 = arith.constant 0 : i32
        %add3A_470 = arith.addi %mul3A_213, %add3A_469 : i32
        %lt3A_471 = arith.constant 31 : i32
        %lt3A_472 = vector.broadcast %lt3A_471 : i32 to vector<16xi32>
        %lt3A_473 = arith.cmpi slt, %add3A_468, %lt3A_472 : vector<16xi32>
        %get3A_474 = arith.index_cast %add3A_470 : i32 to index
        %get3A_475 = tpu.vector_load %arg19[%get3A_474] {strides = array<i32>} : memref<1024xf32, #tpu.memory_space<vmem>>, vector<16xf32>,
        %get3A_476 = arith.index_cast %add3A_470 : i32 to index
        %get3A_477 = tpu.vector_load %arg12[%get3A_476] {strides = array<i32>} : memref<1024xf32, #tpu.memory_space<vmem>>, vector<16xf32>,
        %mul3A_478 = arith.mulf %get3A_475, %get3A_477 : vector<16xf32>
        %add3A_479 = arith.constant 1 : i32
        %add3A_480 = vector.broadcast %add3A_479 : i32 to vector<16xi32>
        %add3A_481 = arith.addi %add3A_465, %add3A_480 : vector<16xi32>
        %jit3A_482 = arith.constant 0 : i32
        %jit3A_483 = arith.constant 1023 : i32
        %max3A_484 = vector.broadcast %jit3A_482 : i32 to vector<16xi32>
        %max3A_485 = arith.maxsi %max3A_484, %add3A_481 : vector<16xi32>
        %min3A_486 = vector.broadcast %jit3A_483 : i32 to vector<16xi32>
        %min3A_487 = arith.minsi %min3A_486, %max3A_485 : vector<16xi32>
        %gather3A_488 = tpu.vector_load_idx %arg20[%min3A_487] : memref<1024xf32, #tpu.memory_space<vmem>>[vector<16xi32>], vector<16xf32>,
        %mul3A_489 = arith.mulf %mul3A_478, %gather3A_488 : vector<16xf32>
        %jit3A_490 = arith.constant 0.000000e+00 : f32
        %broadcast_in_dim3A_491 = vector.broadcast %jit3A_490 : f32 to vector<16xf32>
        %select_n3A_492 = arith.select %lt3A_473, %mul3A_489, %broadcast_in_dim3A_491 : vector<16xi1>, vector<16xf32>
        %mul3A_493 = arith.constant 4 : i32
        %mul3A_494 = vector.broadcast %mul3A_493 : i32 to vector<16xi32>
        %mul3A_495 = arith.muli %add3A_465, %mul3A_494 : vector<16xi32>
        tpu.vector_store_idx %arg22[%mul3A_495], %select_n3A_492 : memref<4096xf32, #tpu.memory_space<vmem>>[vector<16xi32>], vector<16xf32>,
        %add3A_496 = arith.constant 16 : i32
        %add3A_497 = arith.addi %mul3A_213, %add3A_496 : i32
        %add3A_498 = vector.broadcast %add3A_497 : i32 to vector<16xi32>
        %add3A_499 = arith.addi %add3A_498, %iota3A : vector<16xi32>
        %add3A_500 = arith.constant 16 : i32
        %add3A_501 = vector.broadcast %add3A_500 : i32 to vector<16xi32>
        %add3A_502 = arith.addi %add3A_501, %iota3A : vector<16xi32>
        %add3A_503 = arith.constant 16 : i32
        %add3A_504 = arith.addi %mul3A_213, %add3A_503 : i32
        %lt3A_505 = arith.constant 31 : i32
        %lt3A_506 = vector.broadcast %lt3A_505 : i32 to vector<16xi32>
        %lt3A_507 = arith.cmpi slt, %add3A_502, %lt3A_506 : vector<16xi32>
        %get3A_508 = arith.index_cast %add3A_504 : i32 to index
        %get3A_509 = tpu.vector_load %arg19[%get3A_508] {strides = array<i32>} : memref<1024xf32, #tpu.memory_space<vmem>>, vector<16xf32>,
        %get3A_510 = arith.index_cast %add3A_504 : i32 to index
        %get3A_511 = tpu.vector_load %arg12[%get3A_510] {strides = array<i32>} : memref<1024xf32, #tpu.memory_space<vmem>>, vector<16xf32>,
        %mul3A_512 = arith.mulf %get3A_509, %get3A_511 : vector<16xf32>
        %add3A_513 = arith.constant 1 : i32
        %add3A_514 = vector.broadcast %add3A_513 : i32 to vector<16xi32>
        %add3A_515 = arith.addi %add3A_499, %add3A_514 : vector<16xi32>
        %jit3A_516 = arith.constant 0 : i32
        %jit3A_517 = arith.constant 1023 : i32
        %max3A_518 = vector.broadcast %jit3A_516 : i32 to vector<16xi32>
        %max3A_519 = arith.maxsi %max3A_518, %add3A_515 : vector<16xi32>
        %min3A_520 = vector.broadcast %jit3A_517 : i32 to vector<16xi32>
        %min3A_521 = arith.minsi %min3A_520, %max3A_519 : vector<16xi32>
        %gather3A_522 = tpu.vector_load_idx %arg20[%min3A_521] : memref<1024xf32, #tpu.memory_space<vmem>>[vector<16xi32>], vector<16xf32>,
        %mul3A_523 = arith.mulf %mul3A_512, %gather3A_522 : vector<16xf32>
        %jit3A_524 = arith.constant 0.000000e+00 : f32
        %broadcast_in_dim3A_525 = vector.broadcast %jit3A_524 : f32 to vector<16xf32>
        %select_n3A_526 = arith.select %lt3A_507, %mul3A_523, %broadcast_in_dim3A_525 : vector<16xi1>, vector<16xf32>
        %mul3A_527 = arith.constant 4 : i32
        %mul3A_528 = vector.broadcast %mul3A_527 : i32 to vector<16xi32>
        %mul3A_529 = arith.muli %add3A_499, %mul3A_528 : vector<16xi32>
        tpu.vector_store_idx %arg22[%mul3A_529], %select_n3A_526 : memref<4096xf32, #tpu.memory_space<vmem>>[vector<16xi32>], vector<16xf32>,
      }
      %scan3A_205 = arith.constant 31 : i32
      "tpu.region"() ({
        %run_scoped3A = tpu.sem_alloc : memref<!tpu.dma_semaphore, #tpu.memory_space<semaphore_mem>>
        tpu.enqueue_dma source(%arg22 : memref<4096xf32, #tpu.memory_space<vmem>>) target(%arg3 : memref<4096xf32, #tpu.memory_space<hbm>>) target_semaphore(%run_scoped3A : memref<!tpu.dma_semaphore, #tpu.memory_space<semaphore_mem>>)
        tpu.wait_dma2 semaphore(%run_scoped3A : memref<!tpu.dma_semaphore, #tpu.memory_space<semaphore_mem>>) src(%arg22 : memref<4096xf32, #tpu.memory_space<vmem>>) dst(%arg3 : memref<4096xf32, #tpu.memory_space<hbm>>)
        tpu.yield
      }) : () -> ()
    } else {
    }
    %convert_element_type3A_9 = arith.extui %and3A_7 : i1 to i32
    %cond3A_10 = arith.constant 0 : i32
    %cond3A_11 = arith.cmpi ne, %convert_element_type3A_9, %cond3A_10 : i32
    scf.if %cond3A_11 {
      "tpu.region"() ({
        %run_scoped3A = tpu.sem_alloc : memref<!tpu.dma_semaphore, #tpu.memory_space<semaphore_mem>>
        tpu.enqueue_dma source(%arg2 : memref<1024xf32, #tpu.memory_space<hbm>>) target(%arg6 : memref<1024xf32, #tpu.memory_space<vmem>>) target_semaphore(%run_scoped3A : memref<!tpu.dma_semaphore, #tpu.memory_space<semaphore_mem>>)
        tpu.wait_dma2 semaphore(%run_scoped3A : memref<!tpu.dma_semaphore, #tpu.memory_space<semaphore_mem>>) src(%arg2 : memref<1024xf32, #tpu.memory_space<hbm>>) dst(%arg6 : memref<1024xf32, #tpu.memory_space<vmem>>)
        tpu.yield
      }) : () -> ()
      %scan3A = arith.constant 0 : i32
      %scan3A_12 = arith.constant 64 : i32
      %scan3A_13 = arith.addi %scan3A, %scan3A_12 : i32
      %scan3A_14 = arith.constant 1 : i32
      scf.for %scan3A_37 = %scan3A to %scan3A_13 step %scan3A_14  : i32 {
        %mul3A = arith.constant 1 : i32
        %mul3A_38 = arith.muli %scan3A_37, %mul3A : i32
        %add3A = arith.constant 0 : i32
        %add3A_39 = arith.addi %add3A, %mul3A_38 : i32
        %mul3A_40 = arith.constant 16 : i32
        %mul3A_41 = arith.muli %add3A_39, %mul3A_40 : i32
        %get3A_42 = arith.index_cast %mul3A_41 : i32 to index
        %get3A_43 = tpu.vector_load %arg6[%get3A_42] {strides = array<i32>} : memref<1024xf32, #tpu.memory_space<vmem>>, vector<16xf32>,
        %neg3A = arith.constant 0.000000e+00 : f32
        %neg3A_44 = vector.broadcast %neg3A : f32 to vector<16xf32>
        %neg3A_45 = arith.subf %neg3A_44, %get3A_43 : vector<16xf32>
        %exp3A = math.exp %neg3A_45 : vector<16xf32>
        %add3A_46 = arith.constant 1.000000e+00 : f32
        %add3A_47 = vector.broadcast %add3A_46 : f32 to vector<16xf32>
        %add3A_48 = arith.addf %add3A_47, %exp3A : vector<16xf32>
        %div3A = arith.constant 1.000000e+00 : f32
        %div3A_49 = vector.broadcast %div3A : f32 to vector<16xf32>
        %div3A_50 = arith.divf %div3A_49, %add3A_48 : vector<16xf32>
        %swap3A_51 = arith.index_cast %mul3A_41 : i32 to index
        %swap3A_52 = tpu.vector_load %arg7[%swap3A_51] {strides = array<i32>} : memref<1024xf32, #tpu.memory_space<vmem>>, vector<16xf32>,
        tpu.vector_store %arg7[%swap3A_51], %div3A_50 {strides = array<i32>} : memref<1024xf32, #tpu.memory_space<vmem>>, vector<16xf32>,
      }
      %scan3A_15 = arith.constant 64 : i32
      %scan3A_16 = arith.constant 0 : i32
      %scan3A_17 = arith.constant 64 : i32
      %scan3A_18 = arith.addi %scan3A_16, %scan3A_17 : i32
      %scan3A_19 = arith.constant 1 : i32
      scf.for %scan3A_37 = %scan3A_16 to %scan3A_18 step %scan3A_19  : i32 {
        %mul3A = arith.constant 1 : i32
        %mul3A_38 = arith.muli %scan3A_37, %mul3A : i32
        %add3A = arith.constant 0 : i32
        %add3A_39 = arith.addi %add3A, %mul3A_38 : i32
        %mul3A_40 = arith.constant 16 : i32
        %mul3A_41 = arith.muli %add3A_39, %mul3A_40 : i32
        %add3A_42 = vector.broadcast %mul3A_41 : i32 to vector<16xi32>
        %add3A_43 = arith.addi %add3A_42, %iota3A : vector<16xi32>
        %and3A_44 = arith.constant 1 : i32
        %and3A_45 = arith.andi %add3A_39, %and3A_44 : i32
        %mul3A_46 = arith.constant 16 : i32
        %mul3A_47 = arith.muli %and3A_45, %mul3A_46 : i32
        %add3A_48 = vector.broadcast %mul3A_47 : i32 to vector<16xi32>
        %add3A_49 = arith.addi %add3A_48, %iota3A : vector<16xi32>
        %shift_right_arithmetic3A = arith.constant 1 : i32
        %shift_right_arithmetic3A_50 = arith.shrsi %add3A_39, %shift_right_arithmetic3A : i32
        %broadcast_in_dim3A = vector.broadcast %shift_right_arithmetic3A_50 : i32 to vector<16xi32>
        %lt3A = arith.constant 31 : i32
        %lt3A_51 = vector.broadcast %lt3A : i32 to vector<16xi32>
        %lt3A_52 = arith.cmpi slt, %add3A_49, %lt3A_51 : vector<16xi32>
        %lt3A_53 = arith.constant 31 : i32
        %lt3A_54 = vector.broadcast %lt3A_53 : i32 to vector<16xi32>
        %lt3A_55 = arith.cmpi slt, %broadcast_in_dim3A, %lt3A_54 : vector<16xi32>
        %get3A_56 = arith.index_cast %mul3A_41 : i32 to index
        %get3A_57 = tpu.vector_load %arg7[%get3A_56] {strides = array<i32>} : memref<1024xf32, #tpu.memory_space<vmem>>, vector<16xf32>,
        %broadcast_in_dim3A_58 = arith.constant 0.000000e+00 : f32
        %broadcast_in_dim3A_59 = vector.broadcast %broadcast_in_dim3A_58 : f32 to vector<16xf32>
        %add3A_60 = arith.constant 1 : i32
        %add3A_61 = vector.broadcast %add3A_60 : i32 to vector<16xi32>
        %add3A_62 = arith.addi %add3A_43, %add3A_61 : vector<16xi32>
        %jit3A = arith.constant 0 : i32
        %jit3A_63 = arith.constant 1023 : i32
        %max3A = vector.broadcast %jit3A : i32 to vector<16xi32>
        %max3A_64 = arith.maxsi %max3A, %add3A_62 : vector<16xi32>
        %min3A = vector.broadcast %jit3A_63 : i32 to vector<16xi32>
        %min3A_65 = arith.minsi %min3A, %max3A_64 : vector<16xi32>
        %gather3A = tpu.vector_load_idx %arg7[%min3A_65] : memref<1024xf32, #tpu.memory_space<vmem>>[vector<16xi32>], vector<16xf32>,
        %add3A_66 = arith.constant 32 : i32
        %add3A_67 = vector.broadcast %add3A_66 : i32 to vector<16xi32>
        %add3A_68 = arith.addi %add3A_43, %add3A_67 : vector<16xi32>
        %add3A_69 = arith.constant 1 : i32
        %add3A_70 = vector.broadcast %add3A_69 : i32 to vector<16xi32>
        %add3A_71 = arith.addi %add3A_68, %add3A_70 : vector<16xi32>
        %jit3A_72 = arith.constant 0 : i32
        %jit3A_73 = arith.constant 1023 : i32
        %max3A_74 = vector.broadcast %jit3A_72 : i32 to vector<16xi32>
        %max3A_75 = arith.maxsi %max3A_74, %add3A_71 : vector<16xi32>
        %min3A_76 = vector.broadcast %jit3A_73 : i32 to vector<16xi32>
        %min3A_77 = arith.minsi %min3A_76, %max3A_75 : vector<16xi32>
        %gather3A_78 = tpu.vector_load_idx %arg7[%min3A_77] : memref<1024xf32, #tpu.memory_space<vmem>>[vector<16xi32>], vector<16xf32>,
        %add3A_79 = arith.constant 32 : i32
        %add3A_80 = vector.broadcast %add3A_79 : i32 to vector<16xi32>
        %add3A_81 = arith.addi %add3A_43, %add3A_80 : vector<16xi32>
        %jit3A_82 = arith.constant 0 : i32
        %jit3A_83 = arith.constant 1023 : i32
        %max3A_84 = vector.broadcast %jit3A_82 : i32 to vector<16xi32>
        %max3A_85 = arith.maxsi %max3A_84, %add3A_81 : vector<16xi32>
        %min3A_86 = vector.broadcast %jit3A_83 : i32 to vector<16xi32>
        %min3A_87 = arith.minsi %min3A_86, %max3A_85 : vector<16xi32>
        %gather3A_88 = tpu.vector_load_idx %arg7[%min3A_87] : memref<1024xf32, #tpu.memory_space<vmem>>[vector<16xi32>], vector<16xf32>,
        %add3A_89 = arith.constant 32 : i32
        %add3A_90 = vector.broadcast %add3A_89 : i32 to vector<16xi32>
        %add3A_91 = arith.addi %add3A_43, %add3A_90 : vector<16xi32>
        %sub3A = arith.constant 1 : i32
        %sub3A_92 = vector.broadcast %sub3A : i32 to vector<16xi32>
        %sub3A_93 = arith.subi %add3A_91, %sub3A_92 : vector<16xi32>
        %jit3A_94 = arith.constant 0 : i32
        %jit3A_95 = arith.constant 1023 : i32
        %max3A_96 = vector.broadcast %jit3A_94 : i32 to vector<16xi32>
        %max3A_97 = arith.maxsi %max3A_96, %sub3A_93 : vector<16xi32>
        %min3A_98 = vector.broadcast %jit3A_95 : i32 to vector<16xi32>
        %min3A_99 = arith.minsi %min3A_98, %max3A_97 : vector<16xi32>
        %gather3A_100 = tpu.vector_load_idx %arg7[%min3A_99] : memref<1024xf32, #tpu.memory_space<vmem>>[vector<16xi32>], vector<16xf32>,
        %sub3A_101 = arith.subf %get3A_57, %gather3A : vector<16xf32>
        %sub3A_102 = arith.subf %get3A_57, %gather3A_78 : vector<16xf32>
        %sub3A_103 = arith.subf %get3A_57, %gather3A_88 : vector<16xf32>
        %sub3A_104 = arith.subf %get3A_57, %gather3A_100 : vector<16xf32>
        %mul3A_105 = arith.mulf %sub3A_101, %sub3A_101 : vector<16xf32>
        %select_n3A = arith.select %lt3A_52, %mul3A_105, %broadcast_in_dim3A_59 : vector<16xi1>, vector<16xf32>
        %and3A_106 = arith.andi %lt3A_52, %lt3A_55 : vector<16xi1>
        %mul3A_107 = arith.mulf %sub3A_102, %sub3A_102 : vector<16xf32>
        %select_n3A_108 = arith.select %and3A_106, %mul3A_107, %broadcast_in_dim3A_59 : vector<16xi1>, vector<16xf32>
        %mul3A_109 = arith.mulf %sub3A_103, %sub3A_103 : vector<16xf32>
        %select_n3A_110 = arith.select %lt3A_55, %mul3A_109, %broadcast_in_dim3A_59 : vector<16xi1>, vector<16xf32>
        %gt3A = arith.constant 0 : i32
        %gt3A_111 = vector.broadcast %gt3A : i32 to vector<16xi32>
        %gt3A_112 = arith.cmpi sgt, %add3A_49, %gt3A_111 : vector<16xi32>
        %and3A_113 = arith.andi %gt3A_112, %lt3A_55 : vector<16xi1>
        %mul3A_114 = arith.mulf %sub3A_104, %sub3A_104 : vector<16xf32>
        %select_n3A_115 = arith.select %and3A_113, %mul3A_114, %broadcast_in_dim3A_59 : vector<16xi1>, vector<16xf32>
        %mul3A_116 = arith.constant 16 : i32
        %mul3A_117 = arith.muli %add3A_39, %mul3A_116 : i32
        %swap3A_118 = arith.index_cast %mul3A_117 : i32 to index
        %swap3A_119 = tpu.vector_load %arg8[%swap3A_118] {strides = array<i32>} : memref<1024xf32, #tpu.memory_space<vmem>>, vector<16xf32>,
        tpu.vector_store %arg8[%swap3A_118], %select_n3A {strides = array<i32>} : memref<1024xf32, #tpu.memory_space<vmem>>, vector<16xf32>,
        %swap3A_120 = arith.index_cast %mul3A_117 : i32 to index
        %swap3A_121 = tpu.vector_load %arg9[%swap3A_120] {strides = array<i32>} : memref<1024xf32, #tpu.memory_space<vmem>>, vector<16xf32>,
        tpu.vector_store %arg9[%swap3A_120], %select_n3A_108 {strides = array<i32>} : memref<1024xf32, #tpu.memory_space<vmem>>, vector<16xf32>,
        %swap3A_122 = arith.index_cast %mul3A_117 : i32 to index
        %swap3A_123 = tpu.vector_load %arg10[%swap3A_122] {strides = array<i32>} : memref<1024xf32, #tpu.memory_space<vmem>>, vector<16xf32>,
        tpu.vector_store %arg10[%swap3A_122], %select_n3A_110 {strides = array<i32>} : memref<1024xf32, #tpu.memory_space<vmem>>, vector<16xf32>,
        %swap3A_124 = arith.index_cast %mul3A_117 : i32 to index
        %swap3A_125 = tpu.vector_load %arg11[%swap3A_124] {strides = array<i32>} : memref<1024xf32, #tpu.memory_space<vmem>>, vector<16xf32>,
        tpu.vector_store %arg11[%swap3A_124], %select_n3A_115 {strides = array<i32>} : memref<1024xf32, #tpu.memory_space<vmem>>, vector<16xf32>,
      }
      %scan3A_20 = arith.constant 64 : i32
      %scan3A_21 = arith.constant 0 : i32
      %scan3A_22 = arith.constant 32 : i32
      %scan3A_23 = arith.addi %scan3A_21, %scan3A_22 : i32
      %scan3A_24 = arith.constant 1 : i32
      scf.for %scan3A_37 = %scan3A_21 to %scan3A_23 step %scan3A_24  : i32 {
        %mul3A = arith.constant 1 : i32
        %mul3A_38 = arith.muli %scan3A_37, %mul3A : i32
        %add3A = arith.constant 0 : i32
        %add3A_39 = arith.addi %add3A, %mul3A_38 : i32
        %mul3A_40 = arith.constant 32 : i32
        %mul3A_41 = arith.muli %add3A_39, %mul3A_40 : i32
        %mul3A_42 = arith.constant 32 : i32
        %mul3A_43 = arith.muli %add3A_39, %mul3A_42 : i32
        %add3A_44 = vector.broadcast %mul3A_43 : i32 to vector<16xi32>
        %add3A_45 = arith.addi %add3A_44, %iota3A : vector<16xi32>
        %gt3A = arith.constant 0 : i32
        %gt3A_46 = vector.broadcast %gt3A : i32 to vector<16xi32>
        %gt3A_47 = arith.cmpi sgt, %iota3A, %gt3A_46 : vector<16xi32>
        %sub3A = arith.constant 1 : i32
        %sub3A_48 = vector.broadcast %sub3A : i32 to vector<16xi32>
        %sub3A_49 = arith.subi %add3A_45, %sub3A_48 : vector<16xi32>
        %jit3A = arith.constant 0 : i32
        %jit3A_50 = arith.constant 1023 : i32
        %max3A = vector.broadcast %jit3A : i32 to vector<16xi32>
        %max3A_51 = arith.maxsi %max3A, %sub3A_49 : vector<16xi32>
        %min3A = vector.broadcast %jit3A_50 : i32 to vector<16xi32>
        %min3A_52 = arith.minsi %min3A, %max3A_51 : vector<16xi32>
        %gather3A = tpu.vector_load_idx %arg8[%min3A_52] : memref<1024xf32, #tpu.memory_space<vmem>>[vector<16xi32>], vector<16xf32>,
        %jit3A_53 = arith.constant 0.000000e+00 : f32
        %broadcast_in_dim3A = vector.broadcast %jit3A_53 : f32 to vector<16xf32>
        %select_n3A = arith.select %gt3A_47, %gather3A, %broadcast_in_dim3A : vector<16xi1>, vector<16xf32>
        %add3A_54 = arith.constant 16 : i32
        %add3A_55 = arith.addi %mul3A_43, %add3A_54 : i32
        %sub3A_56 = arith.constant 1 : i32
        %sub3A_57 = arith.subi %add3A_55, %sub3A_56 : i32
        %get3A_58 = arith.index_cast %sub3A_57 : i32 to index
        %get3A_59 = tpu.vector_load %arg8[%get3A_58] {strides = array<i32>} : memref<1024xf32, #tpu.memory_space<vmem>>, vector<16xf32>,
        %broadcast_in_dim3A_60 = arith.constant true
        %broadcast_in_dim3A_61 = vector.broadcast %broadcast_in_dim3A_60 : i1 to vector<16xi1>
        %masked_cumsum3A = tpu.scan <sum>, %select_n3A masked %broadcast_in_dim3A_61 : vector<16xf32>, vector<16xi1> -> vector<16xf32>
        %broadcast_in_dim3A_62 = arith.constant true
        %broadcast_in_dim3A_63 = vector.broadcast %broadcast_in_dim3A_62 : i1 to vector<16xi1>
        %masked_cumsum3A_64 = tpu.scan <sum>, %get3A_59 masked %broadcast_in_dim3A_63 : vector<16xf32>, vector<16xi1> -> vector<16xf32>
        %reduce_sum3A = arith.constant true
        %reduce_sum3A_65 = vector.broadcast %reduce_sum3A : i1 to vector<16xi1>
        %reduce_sum3A_66 = tpu.scan <sum>, %select_n3A masked %reduce_sum3A_65 : vector<16xf32>, vector<16xi1> -> vector<16xf32>
        %reduce_sum3A_67 = vector.extract %reduce_sum3A_66[15] : f32 from vector<16xf32>
        %add3A_68 = vector.broadcast %reduce_sum3A_67 : f32 to vector<16xf32>
        %add3A_69 = arith.addf %masked_cumsum3A_64, %add3A_68 : vector<16xf32>
        %swap3A_70 = arith.index_cast %mul3A_41 : i32 to index
        %swap3A_71 = tpu.vector_load %arg16[%swap3A_70] {strides = array<i32>} : memref<1024xf32, #tpu.memory_space<vmem>>, vector<16xf32>,
        tpu.vector_store %arg16[%swap3A_70], %masked_cumsum3A {strides = array<i32>} : memref<1024xf32, #tpu.memory_space<vmem>>, vector<16xf32>,
        %add3A_72 = arith.constant 16 : i32
        %add3A_73 = arith.addi %mul3A_41, %add3A_72 : i32
        %swap3A_74 = arith.index_cast %add3A_73 : i32 to index
        %swap3A_75 = tpu.vector_load %arg16[%swap3A_74] {strides = array<i32>} : memref<1024xf32, #tpu.memory_space<vmem>>, vector<16xf32>,
        tpu.vector_store %arg16[%swap3A_74], %add3A_69 {strides = array<i32>} : memref<1024xf32, #tpu.memory_space<vmem>>, vector<16xf32>,
      }
      %scan3A_25 = arith.constant 32 : i32
      %get3A = arith.constant 0 : index
      %get3A_26 = tpu.vector_load %arg16[%get3A] {strides = array<i32>} : memref<1024xf32, #tpu.memory_space<vmem>>, vector<16xf32>,
      %swap3A = arith.constant 0 : index
      %swap3A_27 = tpu.vector_load %arg21[%swap3A] {strides = array<i32>} : memref<1024xf32, #tpu.memory_space<vmem>>, vector<16xf32>,
      tpu.vector_store %arg21[%swap3A], %get3A_26 {strides = array<i32>} : memref<1024xf32, #tpu.memory_space<vmem>>, vector<16xf32>,
      %get3A_28 = arith.constant 16 : index
      %get3A_29 = tpu.vector_load %arg16[%get3A_28] {strides = array<i32>} : memref<1024xf32, #tpu.memory_space<vmem>>, vector<16xf32>,
      %swap3A_30 = arith.constant 16 : index
      %swap3A_31 = tpu.vector_load %arg21[%swap3A_30] {strides = array<i32>} : memref<1024xf32, #tpu.memory_space<vmem>>, vector<16xf32>,
      tpu.vector_store %arg21[%swap3A_30], %get3A_29 {strides = array<i32>} : memref<1024xf32, #tpu.memory_space<vmem>>, vector<16xf32>,
      %scan3A_32 = arith.constant 0 : i32
      %scan3A_33 = arith.constant 31 : i32
      %scan3A_34 = arith.addi %scan3A_32, %scan3A_33 : i32
      %scan3A_35 = arith.constant 1 : i32
      scf.for %scan3A_37 = %scan3A_32 to %scan3A_34 step %scan3A_35  : i32 {
        %mul3A = arith.constant 1 : i32
        %mul3A_38 = arith.muli %scan3A_37, %mul3A : i32
        %add3A = arith.constant 1 : i32
        %add3A_39 = arith.addi %add3A, %mul3A_38 : i32
        %mul3A_40 = arith.constant 32 : i32
        %mul3A_41 = arith.muli %add3A_39, %mul3A_40 : i32
        %add3A_42 = arith.constant 0 : i32
        %add3A_43 = arith.addi %mul3A_41, %add3A_42 : i32
        %add3A_44 = vector.broadcast %add3A_43 : i32 to vector<16xi32>
        %add3A_45 = arith.addi %add3A_44, %iota3A : vector<16xi32>
        %add3A_46 = arith.constant 0 : i32
        %add3A_47 = vector.broadcast %add3A_46 : i32 to vector<16xi32>
        %add3A_48 = arith.addi %add3A_47, %iota3A : vector<16xi32>
        %sub3A = arith.constant 32 : i32
        %sub3A_49 = vector.broadcast %sub3A : i32 to vector<16xi32>
        %sub3A_50 = arith.subi %add3A_45, %sub3A_49 : vector<16xi32>
        %jit3A = arith.constant 0 : i32
        %jit3A_51 = arith.constant 1023 : i32
        %max3A = vector.broadcast %jit3A : i32 to vector<16xi32>
        %max3A_52 = arith.maxsi %max3A, %sub3A_50 : vector<16xi32>
        %min3A = vector.broadcast %jit3A_51 : i32 to vector<16xi32>
        %min3A_53 = arith.minsi %min3A, %max3A_52 : vector<16xi32>
        %gather3A = tpu.vector_load_idx %arg21[%min3A_53] : memref<1024xf32, #tpu.memory_space<vmem>>[vector<16xi32>], vector<16xf32>,
        %sub3A_54 = arith.constant 32 : i32
        %sub3A_55 = vector.broadcast %sub3A_54 : i32 to vector<16xi32>
        %sub3A_56 = arith.subi %add3A_45, %sub3A_55 : vector<16xi32>
        %jit3A_57 = arith.constant 0 : i32
        %jit3A_58 = arith.constant 1023 : i32
        %max3A_59 = vector.broadcast %jit3A_57 : i32 to vector<16xi32>
        %max3A_60 = arith.maxsi %max3A_59, %sub3A_56 : vector<16xi32>
        %min3A_61 = vector.broadcast %jit3A_58 : i32 to vector<16xi32>
        %min3A_62 = arith.minsi %min3A_61, %max3A_60 : vector<16xi32>
        %gather3A_63 = tpu.vector_load_idx %arg10[%min3A_62] : memref<1024xf32, #tpu.memory_space<vmem>>[vector<16xi32>], vector<16xf32>,
        %add3A_64 = arith.addf %gather3A, %gather3A_63 : vector<16xf32>
        %gt3A = arith.constant 0 : i32
        %gt3A_65 = vector.broadcast %gt3A : i32 to vector<16xi32>
        %gt3A_66 = arith.cmpi sgt, %add3A_48, %gt3A_65 : vector<16xi32>
        %sub3A_67 = arith.constant 32 : i32
        %sub3A_68 = vector.broadcast %sub3A_67 : i32 to vector<16xi32>
        %sub3A_69 = arith.subi %add3A_45, %sub3A_68 : vector<16xi32>
        %sub3A_70 = arith.constant 1 : i32
        %sub3A_71 = vector.broadcast %sub3A_70 : i32 to vector<16xi32>
        %sub3A_72 = arith.subi %sub3A_69, %sub3A_71 : vector<16xi32>
        %jit3A_73 = arith.constant 0 : i32
        %jit3A_74 = arith.constant 1023 : i32
        %max3A_75 = vector.broadcast %jit3A_73 : i32 to vector<16xi32>
        %max3A_76 = arith.maxsi %max3A_75, %sub3A_72 : vector<16xi32>
        %min3A_77 = vector.broadcast %jit3A_74 : i32 to vector<16xi32>
        %min3A_78 = arith.minsi %min3A_77, %max3A_76 : vector<16xi32>
        %gather3A_79 = tpu.vector_load_idx %arg21[%min3A_78] : memref<1024xf32, #tpu.memory_space<vmem>>[vector<16xi32>], vector<16xf32>,
        %sub3A_80 = arith.constant 32 : i32
        %sub3A_81 = vector.broadcast %sub3A_80 : i32 to vector<16xi32>
        %sub3A_82 = arith.subi %add3A_45, %sub3A_81 : vector<16xi32>
        %sub3A_83 = arith.constant 1 : i32
        %sub3A_84 = vector.broadcast %sub3A_83 : i32 to vector<16xi32>
        %sub3A_85 = arith.subi %sub3A_82, %sub3A_84 : vector<16xi32>
        %jit3A_86 = arith.constant 0 : i32
        %jit3A_87 = arith.constant 1023 : i32
        %max3A_88 = vector.broadcast %jit3A_86 : i32 to vector<16xi32>
        %max3A_89 = arith.maxsi %max3A_88, %sub3A_85 : vector<16xi32>
        %min3A_90 = vector.broadcast %jit3A_87 : i32 to vector<16xi32>
        %min3A_91 = arith.minsi %min3A_90, %max3A_89 : vector<16xi32>
        %gather3A_92 = tpu.vector_load_idx %arg9[%min3A_91] : memref<1024xf32, #tpu.memory_space<vmem>>[vector<16xi32>], vector<16xf32>,
        %add3A_93 = arith.addf %gather3A_79, %gather3A_92 : vector<16xf32>
        %jit3A_94 = arith.constant 3.000000e+38 : f32
        %broadcast_in_dim3A = vector.broadcast %jit3A_94 : f32 to vector<16xf32>
        %select_n3A = arith.select %gt3A_66, %add3A_93, %broadcast_in_dim3A : vector<16xi1>, vector<16xf32>
        %min3A_95 = arith.minimumf %add3A_64, %select_n3A : vector<16xf32>
        %lt3A = arith.constant 31 : i32
        %lt3A_96 = vector.broadcast %lt3A : i32 to vector<16xi32>
        %lt3A_97 = arith.cmpi slt, %add3A_48, %lt3A_96 : vector<16xi32>
        %sub3A_98 = arith.constant 32 : i32
        %sub3A_99 = vector.broadcast %sub3A_98 : i32 to vector<16xi32>
        %sub3A_100 = arith.subi %add3A_45, %sub3A_99 : vector<16xi32>
        %add3A_101 = arith.constant 1 : i32
        %add3A_102 = vector.broadcast %add3A_101 : i32 to vector<16xi32>
        %add3A_103 = arith.addi %sub3A_100, %add3A_102 : vector<16xi32>
        %jit3A_104 = arith.constant 0 : i32
        %jit3A_105 = arith.constant 1023 : i32
        %max3A_106 = vector.broadcast %jit3A_104 : i32 to vector<16xi32>
        %max3A_107 = arith.maxsi %max3A_106, %add3A_103 : vector<16xi32>
        %min3A_108 = vector.broadcast %jit3A_105 : i32 to vector<16xi32>
        %min3A_109 = arith.minsi %min3A_108, %max3A_107 : vector<16xi32>
        %gather3A_110 = tpu.vector_load_idx %arg21[%min3A_109] : memref<1024xf32, #tpu.memory_space<vmem>>[vector<16xi32>], vector<16xf32>,
        %sub3A_111 = arith.constant 32 : i32
        %sub3A_112 = vector.broadcast %sub3A_111 : i32 to vector<16xi32>
        %sub3A_113 = arith.subi %add3A_45, %sub3A_112 : vector<16xi32>
        %add3A_114 = arith.constant 1 : i32
        %add3A_115 = vector.broadcast %add3A_114 : i32 to vector<16xi32>
        %add3A_116 = arith.addi %sub3A_113, %add3A_115 : vector<16xi32>
        %jit3A_117 = arith.constant 0 : i32
        %jit3A_118 = arith.constant 1023 : i32
        %max3A_119 = vector.broadcast %jit3A_117 : i32 to vector<16xi32>
        %max3A_120 = arith.maxsi %max3A_119, %add3A_116 : vector<16xi32>
        %min3A_121 = vector.broadcast %jit3A_118 : i32 to vector<16xi32>
        %min3A_122 = arith.minsi %min3A_121, %max3A_120 : vector<16xi32>
        %gather3A_123 = tpu.vector_load_idx %arg11[%min3A_122] : memref<1024xf32, #tpu.memory_space<vmem>>[vector<16xi32>], vector<16xf32>,
        %add3A_124 = arith.addf %gather3A_110, %gather3A_123 : vector<16xf32>
        %jit3A_125 = arith.constant 3.000000e+38 : f32
        %broadcast_in_dim3A_126 = vector.broadcast %jit3A_125 : f32 to vector<16xf32>
        %select_n3A_127 = arith.select %lt3A_97, %add3A_124, %broadcast_in_dim3A_126 : vector<16xi1>, vector<16xf32>
        %min3A_128 = arith.minimumf %min3A_95, %select_n3A_127 : vector<16xf32>
        %add3A_129 = arith.constant 0 : i32
        %add3A_130 = arith.addi %mul3A_41, %add3A_129 : i32
        %get3A_131 = arith.index_cast %add3A_130 : i32 to index
        %get3A_132 = tpu.vector_load %arg16[%get3A_131] {strides = array<i32>} : memref<1024xf32, #tpu.memory_space<vmem>>, vector<16xf32>,
        %sub3A_133 = arith.subf %min3A_128, %get3A_132 : vector<16xf32>
        %add3A_134 = arith.constant 16 : i32
        %add3A_135 = arith.addi %mul3A_41, %add3A_134 : i32
        %add3A_136 = vector.broadcast %add3A_135 : i32 to vector<16xi32>
        %add3A_137 = arith.addi %add3A_136, %iota3A : vector<16xi32>
        %add3A_138 = arith.constant 16 : i32
        %add3A_139 = vector.broadcast %add3A_138 : i32 to vector<16xi32>
        %add3A_140 = arith.addi %add3A_139, %iota3A : vector<16xi32>
        %sub3A_141 = arith.constant 32 : i32
        %sub3A_142 = vector.broadcast %sub3A_141 : i32 to vector<16xi32>
        %sub3A_143 = arith.subi %add3A_137, %sub3A_142 : vector<16xi32>
        %jit3A_144 = arith.constant 0 : i32
        %jit3A_145 = arith.constant 1023 : i32
        %max3A_146 = vector.broadcast %jit3A_144 : i32 to vector<16xi32>
        %max3A_147 = arith.maxsi %max3A_146, %sub3A_143 : vector<16xi32>
        %min3A_148 = vector.broadcast %jit3A_145 : i32 to vector<16xi32>
        %min3A_149 = arith.minsi %min3A_148, %max3A_147 : vector<16xi32>
        %gather3A_150 = tpu.vector_load_idx %arg21[%min3A_149] : memref<1024xf32, #tpu.memory_space<vmem>>[vector<16xi32>], vector<16xf32>,
        %sub3A_151 = arith.constant 32 : i32
        %sub3A_152 = vector.broadcast %sub3A_151 : i32 to vector<16xi32>
        %sub3A_153 = arith.subi %add3A_137, %sub3A_152 : vector<16xi32>
        %jit3A_154 = arith.constant 0 : i32
        %jit3A_155 = arith.constant 1023 : i32
        %max3A_156 = vector.broadcast %jit3A_154 : i32 to vector<16xi32>
        %max3A_157 = arith.maxsi %max3A_156, %sub3A_153 : vector<16xi32>
        %min3A_158 = vector.broadcast %jit3A_155 : i32 to vector<16xi32>
        %min3A_159 = arith.minsi %min3A_158, %max3A_157 : vector<16xi32>
        %gather3A_160 = tpu.vector_load_idx %arg10[%min3A_159] : memref<1024xf32, #tpu.memory_space<vmem>>[vector<16xi32>], vector<16xf32>,
        %add3A_161 = arith.addf %gather3A_150, %gather3A_160 : vector<16xf32>
        %gt3A_162 = arith.constant 0 : i32
        %gt3A_163 = vector.broadcast %gt3A_162 : i32 to vector<16xi32>
        %gt3A_164 = arith.cmpi sgt, %add3A_140, %gt3A_163 : vector<16xi32>
        %sub3A_165 = arith.constant 32 : i32
        %sub3A_166 = vector.broadcast %sub3A_165 : i32 to vector<16xi32>
        %sub3A_167 = arith.subi %add3A_137, %sub3A_166 : vector<16xi32>
        %sub3A_168 = arith.constant 1 : i32
        %sub3A_169 = vector.broadcast %sub3A_168 : i32 to vector<16xi32>
        %sub3A_170 = arith.subi %sub3A_167, %sub3A_169 : vector<16xi32>
        %jit3A_171 = arith.constant 0 : i32
        %jit3A_172 = arith.constant 1023 : i32
        %max3A_173 = vector.broadcast %jit3A_171 : i32 to vector<16xi32>
        %max3A_174 = arith.maxsi %max3A_173, %sub3A_170 : vector<16xi32>
        %min3A_175 = vector.broadcast %jit3A_172 : i32 to vector<16xi32>
        %min3A_176 = arith.minsi %min3A_175, %max3A_174 : vector<16xi32>
        %gather3A_177 = tpu.vector_load_idx %arg21[%min3A_176] : memref<1024xf32, #tpu.memory_space<vmem>>[vector<16xi32>], vector<16xf32>,
        %sub3A_178 = arith.constant 32 : i32
        %sub3A_179 = vector.broadcast %sub3A_178 : i32 to vector<16xi32>
        %sub3A_180 = arith.subi %add3A_137, %sub3A_179 : vector<16xi32>
        %sub3A_181 = arith.constant 1 : i32
        %sub3A_182 = vector.broadcast %sub3A_181 : i32 to vector<16xi32>
        %sub3A_183 = arith.subi %sub3A_180, %sub3A_182 : vector<16xi32>
        %jit3A_184 = arith.constant 0 : i32
        %jit3A_185 = arith.constant 1023 : i32
        %max3A_186 = vector.broadcast %jit3A_184 : i32 to vector<16xi32>
        %max3A_187 = arith.maxsi %max3A_186, %sub3A_183 : vector<16xi32>
        %min3A_188 = vector.broadcast %jit3A_185 : i32 to vector<16xi32>
        %min3A_189 = arith.minsi %min3A_188, %max3A_187 : vector<16xi32>
        %gather3A_190 = tpu.vector_load_idx %arg9[%min3A_189] : memref<1024xf32, #tpu.memory_space<vmem>>[vector<16xi32>], vector<16xf32>,
        %add3A_191 = arith.addf %gather3A_177, %gather3A_190 : vector<16xf32>
        %jit3A_192 = arith.constant 3.000000e+38 : f32
        %broadcast_in_dim3A_193 = vector.broadcast %jit3A_192 : f32 to vector<16xf32>
        %select_n3A_194 = arith.select %gt3A_164, %add3A_191, %broadcast_in_dim3A_193 : vector<16xi1>, vector<16xf32>
        %min3A_195 = arith.minimumf %add3A_161, %select_n3A_194 : vector<16xf32>
        %lt3A_196 = arith.constant 31 : i32
        %lt3A_197 = vector.broadcast %lt3A_196 : i32 to vector<16xi32>
        %lt3A_198 = arith.cmpi slt, %add3A_140, %lt3A_197 : vector<16xi32>
        %sub3A_199 = arith.constant 32 : i32
        %sub3A_200 = vector.broadcast %sub3A_199 : i32 to vector<16xi32>
        %sub3A_201 = arith.subi %add3A_137, %sub3A_200 : vector<16xi32>
        %add3A_202 = arith.constant 1 : i32
        %add3A_203 = vector.broadcast %add3A_202 : i32 to vector<16xi32>
        %add3A_204 = arith.addi %sub3A_201, %add3A_203 : vector<16xi32>
        %jit3A_205 = arith.constant 0 : i32
        %jit3A_206 = arith.constant 1023 : i32
        %max3A_207 = vector.broadcast %jit3A_205 : i32 to vector<16xi32>
        %max3A_208 = arith.maxsi %max3A_207, %add3A_204 : vector<16xi32>
        %min3A_209 = vector.broadcast %jit3A_206 : i32 to vector<16xi32>
        %min3A_210 = arith.minsi %min3A_209, %max3A_208 : vector<16xi32>
        %gather3A_211 = tpu.vector_load_idx %arg21[%min3A_210] : memref<1024xf32, #tpu.memory_space<vmem>>[vector<16xi32>], vector<16xf32>,
        %sub3A_212 = arith.constant 32 : i32
        %sub3A_213 = vector.broadcast %sub3A_212 : i32 to vector<16xi32>
        %sub3A_214 = arith.subi %add3A_137, %sub3A_213 : vector<16xi32>
        %add3A_215 = arith.constant 1 : i32
        %add3A_216 = vector.broadcast %add3A_215 : i32 to vector<16xi32>
        %add3A_217 = arith.addi %sub3A_214, %add3A_216 : vector<16xi32>
        %jit3A_218 = arith.constant 0 : i32
        %jit3A_219 = arith.constant 1023 : i32
        %max3A_220 = vector.broadcast %jit3A_218 : i32 to vector<16xi32>
        %max3A_221 = arith.maxsi %max3A_220, %add3A_217 : vector<16xi32>
        %min3A_222 = vector.broadcast %jit3A_219 : i32 to vector<16xi32>
        %min3A_223 = arith.minsi %min3A_222, %max3A_221 : vector<16xi32>
        %gather3A_224 = tpu.vector_load_idx %arg11[%min3A_223] : memref<1024xf32, #tpu.memory_space<vmem>>[vector<16xi32>], vector<16xf32>,
        %add3A_225 = arith.addf %gather3A_211, %gather3A_224 : vector<16xf32>
        %jit3A_226 = arith.constant 3.000000e+38 : f32
        %broadcast_in_dim3A_227 = vector.broadcast %jit3A_226 : f32 to vector<16xf32>
        %select_n3A_228 = arith.select %lt3A_198, %add3A_225, %broadcast_in_dim3A_227 : vector<16xi1>, vector<16xf32>
        %min3A_229 = arith.minimumf %min3A_195, %select_n3A_228 : vector<16xf32>
        %add3A_230 = arith.constant 16 : i32
        %add3A_231 = arith.addi %mul3A_41, %add3A_230 : i32
        %get3A_232 = arith.index_cast %add3A_231 : i32 to index
        %get3A_233 = tpu.vector_load %arg16[%get3A_232] {strides = array<i32>} : memref<1024xf32, #tpu.memory_space<vmem>>, vector<16xf32>,
        %sub3A_234 = arith.subf %min3A_229, %get3A_233 : vector<16xf32>
        %neg3A = arith.constant 0.000000e+00 : f32
        %neg3A_235 = vector.broadcast %neg3A : f32 to vector<16xf32>
        %neg3A_236 = arith.subf %neg3A_235, %sub3A_133 : vector<16xf32>
        %broadcast_in_dim3A_237 = arith.constant true
        %broadcast_in_dim3A_238 = vector.broadcast %broadcast_in_dim3A_237 : i1 to vector<16xi1>
        %masked_cummax3A = tpu.scan <max>, %neg3A_236 masked %broadcast_in_dim3A_238 : vector<16xf32>, vector<16xi1> -> vector<16xf32>
        %neg3A_239 = arith.constant 0.000000e+00 : f32
        %neg3A_240 = vector.broadcast %neg3A_239 : f32 to vector<16xf32>
        %neg3A_241 = arith.subf %neg3A_240, %masked_cummax3A : vector<16xf32>
        %neg3A_242 = arith.constant 0.000000e+00 : f32
        %neg3A_243 = vector.broadcast %neg3A_242 : f32 to vector<16xf32>
        %neg3A_244 = arith.subf %neg3A_243, %sub3A_234 : vector<16xf32>
        %broadcast_in_dim3A_245 = arith.constant true
        %broadcast_in_dim3A_246 = vector.broadcast %broadcast_in_dim3A_245 : i1 to vector<16xi1>
        %masked_cummax3A_247 = tpu.scan <max>, %neg3A_244 masked %broadcast_in_dim3A_246 : vector<16xf32>, vector<16xi1> -> vector<16xf32>
        %neg3A_248 = arith.constant 0.000000e+00 : f32
        %neg3A_249 = vector.broadcast %neg3A_248 : f32 to vector<16xf32>
        %neg3A_250 = arith.subf %neg3A_249, %masked_cummax3A_247 : vector<16xf32>
        %reduce_min3A = arith.constant true
        %reduce_min3A_251 = vector.broadcast %reduce_min3A : i1 to vector<16xi1>
        %reduce_min3A_252 = tpu.scan <min>, %sub3A_133 masked %reduce_min3A_251 : vector<16xf32>, vector<16xi1> -> vector<16xf32>
        %reduce_min3A_253 = vector.extract %reduce_min3A_252[15] : f32 from vector<16xf32>
        %min3A_254 = vector.broadcast %reduce_min3A_253 : f32 to vector<16xf32>
        %min3A_255 = arith.minimumf %neg3A_250, %min3A_254 : vector<16xf32>
        %get3A_256 = arith.index_cast %mul3A_41 : i32 to index
        %get3A_257 = tpu.vector_load %arg16[%get3A_256] {strides = array<i32>} : memref<1024xf32, #tpu.memory_space<vmem>>, vector<16xf32>,
        %add3A_258 = arith.addf %get3A_257, %neg3A_241 : vector<16xf32>
        %swap3A_259 = arith.index_cast %mul3A_41 : i32 to index
        %swap3A_260 = tpu.vector_load %arg21[%swap3A_259] {strides = array<i32>} : memref<1024xf32, #tpu.memory_space<vmem>>, vector<16xf32>,
        tpu.vector_store %arg21[%swap3A_259], %add3A_258 {strides = array<i32>} : memref<1024xf32, #tpu.memory_space<vmem>>, vector<16xf32>,
        %add3A_261 = arith.constant 16 : i32
        %add3A_262 = arith.addi %mul3A_41, %add3A_261 : i32
        %get3A_263 = arith.index_cast %add3A_262 : i32 to index
        %get3A_264 = tpu.vector_load %arg16[%get3A_263] {strides = array<i32>} : memref<1024xf32, #tpu.memory_space<vmem>>, vector<16xf32>,
        %add3A_265 = arith.addf %get3A_264, %min3A_255 : vector<16xf32>
        %add3A_266 = arith.constant 16 : i32
        %add3A_267 = arith.addi %mul3A_41, %add3A_266 : i32
        %swap3A_268 = arith.index_cast %add3A_267 : i32 to index
        %swap3A_269 = tpu.vector_load %arg21[%swap3A_268] {strides = array<i32>} : memref<1024xf32, #tpu.memory_space<vmem>>, vector<16xf32>,
        tpu.vector_store %arg21[%swap3A_268], %add3A_265 {strides = array<i32>} : memref<1024xf32, #tpu.memory_space<vmem>>, vector<16xf32>,
      }
      %scan3A_36 = arith.constant 31 : i32
      "tpu.region"() ({
        %run_scoped3A = tpu.sem_alloc : memref<!tpu.dma_semaphore, #tpu.memory_space<semaphore_mem>>
        %dma_start3A = arith.constant 1008 : i32
        %dma_start3A_37 = tpu.memref_slice %arg21[%dma_start3A] : memref<1024xf32, #tpu.memory_space<vmem>> -> memref<16xf32, #tpu.memory_space<vmem>>
        %dma_start3A_38 = arith.constant 1008 : i32
        %dma_start3A_39 = tpu.memref_slice %arg21[%dma_start3A_38] : memref<1024xf32, #tpu.memory_space<vmem>> -> memref<16xf32, #tpu.memory_space<vmem>>
        tpu.enqueue_dma source(%dma_start3A_39 : memref<16xf32, #tpu.memory_space<vmem>>) target(%arg5 : memref<16xf32, #tpu.memory_space<hbm>>) target_semaphore(%run_scoped3A : memref<!tpu.dma_semaphore, #tpu.memory_space<semaphore_mem>>)
        %dma_wait3A = arith.constant 1008 : i32
        %dma_wait3A_40 = tpu.memref_slice %arg21[%dma_wait3A] : memref<1024xf32, #tpu.memory_space<vmem>> -> memref<16xf32, #tpu.memory_space<vmem>>
        %dma_wait3A_41 = arith.constant 1008 : i32
        %dma_wait3A_42 = tpu.memref_slice %arg21[%dma_wait3A_41] : memref<1024xf32, #tpu.memory_space<vmem>> -> memref<16xf32, #tpu.memory_space<vmem>>
        tpu.wait_dma2 semaphore(%run_scoped3A : memref<!tpu.dma_semaphore, #tpu.memory_space<semaphore_mem>>) src(%dma_wait3A_42 : memref<16xf32, #tpu.memory_space<vmem>>) dst(%arg5 : memref<16xf32, #tpu.memory_space<hbm>>)
        tpu.yield
      }) : () -> ()
    } else {
    }
    return
  }
}

</mosaic_0001>

<sc_bundles>
// kernel: kernel.3.cloned.1.call-start
scs
__scs_entry_jumppad:
0x0: {  	(pc) =	sbr.rel $0x88, $3  }
0x1: {  	(tag) =	ssettag $0x0;
	lr =	simm.s32 $0x1  }
0x2: {  	[smem:$0x3FA0] =	sst lr;
	_ =	strace $0xD0000000  }
0x3: {  	_ = 	snop  }
0x4: {  	_ = 	snop  }
0x5: {  	_ = 	snop  }
0x6: {  	_ = 	snop  }
0x7: {  	_ = 	snop  }
__scs_overlays_trampoline_lowered:
0x8: {  	[smem:$0x3FAF] =	sst s0  }
0x9: {  	[smem:$0x3FB0] =	sst s1  }
0xa: {  	[smem:$0x3FB1] =	sst s2  }
0xb: {  	[smem:$0x3FB2] =	sst s3  }
0xc: {  	[smem:$0x3FB3] =	sst s4  }
0xd: {  	[smem:$0x3FB4] =	sst s5  }
0xe: {  	[smem:$0x3FB5] =	sst s6  }
0xf: {  	[smem:$0x3FB6] =	sst s7  }
0x10: {  	[smem:$0x3FB7] =	sst s8  }
0x11: {  	[smem:$0x3FB8] =	sst s9;
	s0 =	simm.s32 @!p0 $0x0  }
0x12: {  	s1 =	sld [smem:$0x3F9E];
	s0 =	simm.s32 @p0 $0x1  }
0x13: {  	[smem:$0x3FB9] =	sst s0;
	s0 =	simm.s32 @!p1 $0x0  }
0x14: {  	s2 =	sld [smem:$0x3F9D];
	s0 =	simm.s32 @p1 $0x1  }
0x15: {  	[smem:$0x3FBA] =	sst s0;
	s0 =	simm.s32 @!p2 $0x0  }
0x16: {  	s3 =	sld [smem:$0x3FDB];
	s0 =	simm.s32 @p2 $0x1  }
0x17: {  	s4 =	simm.s32 $0x1BF5;
	[smem:$0x3FBC] =	sst s0  }
0x18: {  	s0 =	sld [smem:$0x3F9F];
	_ =	swait.ge [sflag:s4], $0x0  }
0x19: {  	s7 =	sld [smem:$0x3FA0]  }
0x1a: {  	s8 =	sadd.s32 $0xFFFFE003, lr  }
0x1b: {  	s9 =	sadd.s32 $0xFFFFFEF7, lr;
	s5 =	simm.s32 $0xFFFFFFFF;
	p2 =	slt.u32 s8, $0xFFFFF086  }
0x1c: {  	p1 =	slt.u32 s9, $0xF7A;
	s5 =	simm.s32 @!p2 $0x0  }
0x1d: {  	s5 =	simm.s32 @p1 $0x1;
	p0 =	seq.s32 s7, s2  }
0x1e: {  	s7 =	smul.u32 @!p0 $0xF7A, s2;
	p2 =	seq.s32 @!p0 s5, $0x0  }
0x1f: {  	s9 =	smul.u32 $0xF7A, s1;
	s8 =	simm.s32 @!p0 $0x1BF5;
	p2 =	por !p2, p0  }
0x20: {  	[sflag:s8] =	ssyncset.s32 @!p0 $0xFFFFF086;
	s6 =	sadd.s32 @!p0 s3, s7;
	s7 =	simm.s32 @!p0 $0x108  }
0x21: {  	s3 =	sadd.s32 s3, s9;
	s6 =	sadd.s32 @!p0 $0x88, s6;
	s7 =	simm.s32 @p2 $0x1082  }
0x22: {  	[simem:s7], [sflag:s8] =	dma.local @!p0 [hbm:s6], $0xF7A  }
0x23: {  	s9 =	sor.u32 $0xD0000000, s2;
	s6 =	simm.s32 $0x108;
	_ =	swait.ge @!p0 [sflag:s8], $0x0  }
0x24: {  	s3 =	sadd.s32 $0x88, s3;
	s6 =	simm.s32 @!p1 $0x1082;
	[sflag:s4] =	ssyncset.s32 $0xFFFFF086  }
0x25: {  	[simem:s6], [sflag:s4] =	dma.local [hbm:s3], $0xF7A  }
0x26: {  	[smem:$0x3FA0] =	sst s1;
	(tag) =	ssettag s2;
	_ =	strace s9  }
0x27: {  	s1 =	sld [smem:$0x3FB0]  }
0x28: {  	s2 =	sld [smem:$0x3FB1]  }
0x29: {  	s4 =	sld [smem:$0x3FB3]  }
0x2a: {  	p0 =	seq.s32 s5, $0x0;
	s5 =	sld [smem:$0x3FB4]  }
0x2b: {  	s6 =	sld [smem:$0x3FB5]  }
0x2c: {  	s7 =	sld [smem:$0x3FB6]  }
0x2d: {  	s3 =	simm.s32 $0x108;
	s8 =	sld [smem:$0x3FB7]  }
0x2e: {  	s3 =	simm.s32 @!p0 $0x1082;
	s9 =	sld [smem:$0x3FB8]  }
0x2f: {  	lr =	sadd.s32 s0, s3;
	s0 =	sld [smem:$0x3FAF]  }
0x30: {  	s3 =	sld [smem:$0x3FB2]  }
0x31: {  	[smem:$0x3FBB] =	sst s10  }
0x32: {  	s10 =	sld [smem:$0x3FB9];
	_ =	sdelay $0x3  }
0x33: {  	p0 =	seq.s32 s10, $0x1;
	s10 =	sld [smem:$0x3FBB];
	_ =	sdelay $0x3  }
0x34: {  	[smem:$0x3FBB] =	sst s10  }
0x35: {  	s10 =	sld [smem:$0x3FBA];
	_ =	sdelay $0x3  }
0x36: {  	p1 =	seq.s32 s10, $0x1;
	s10 =	sld [smem:$0x3FBB];
	_ =	sdelay $0x3  }
0x37: {  	[smem:$0x3FBB] =	sst s10  }
0x38: {  	s10 =	sld [smem:$0x3FBC]  }
0x39: {  	_ = 	snop;
	(pc) =	sbr.ind lr, $3  }
0x3a: {  	_ = 	snop  }
0x3b: {  	_ = 	snop  }
0x3c: {  	p2 =	seq.s32 s10, $0x1;
	s10 =	sld [smem:$0x3FBB]  }
0x3d: {  	_ =	shalt  }
0x3e: {  	_ =	shalt  }
0x3f: {  	_ =	shalt  }
0x40: {  	_ =	shalt  }
0x41: {  	_ =	shalt  }
0x42: {  	_ =	shalt  }
0x43: {  	_ =	shalt  }
0x44: {  	_ =	shalt  }
0x45: {  	_ =	shalt  }
0x46: {  	_ =	shalt  }
0x47: {  	_ =	shalt  }
0x48: {  	_ =	shalt  }
0x49: {  	_ =	shalt  }
0x4a: {  	_ =	shalt  }
0x4b: {  	_ =	shalt  }
0x4c: {  	_ =	shalt  }
0x4d: {  	_ =	shalt  }
0x4e: {  	_ =	shalt  }
0x4f: {  	_ =	shalt  }
0x50: {  	_ =	shalt  }
0x51: {  	_ =	shalt  }
0x52: {  	_ =	shalt  }
0x53: {  	_ =	shalt  }
0x54: {  	_ =	shalt  }
0x55: {  	_ =	shalt  }
0x56: {  	_ =	shalt  }
0x57: {  	_ =	shalt  }
0x58: {  	_ =	shalt  }
0x59: {  	_ =	shalt  }
0x5a: {  	_ =	shalt  }
0x5b: {  	_ =	shalt  }
0x5c: {  	_ =	shalt  }
0x5d: {  	_ =	shalt  }
0x5e: {  	_ =	shalt  }
0x5f: {  	_ =	shalt  }
0x60: {  	_ =	shalt  }
0x61: {  	_ =	shalt  }
0x62: {  	_ =	shalt  }
0x63: {  	_ =	shalt  }
0x64: {  	_ =	shalt  }
0x65: {  	_ =	shalt  }
0x66: {  	_ =	shalt  }
0x67: {  	_ =	shalt  }
0x68: {  	_ =	shalt  }
0x69: {  	_ =	shalt  }
0x6a: {  	_ =	shalt  }
0x6b: {  	_ =	shalt  }
0x6c: {  	_ =	shalt  }
0x6d: {  	_ =	shalt  }
0x6e: {  	_ =	shalt  }
0x6f: {  	_ =	shalt  }
0x70: {  	_ =	shalt  }
0x71: {  	_ =	shalt  }
0x72: {  	_ =	shalt  }
0x73: {  	_ =	shalt  }
0x74: {  	_ =	shalt  }
0x75: {  	_ =	shalt  }
0x76: {  	_ =	shalt  }
0x77: {  	_ =	shalt  }
0x78: {  	_ =	shalt  }
0x79: {  	_ =	shalt  }
0x7a: {  	_ =	shalt  }
0x7b: {  	_ =	shalt  }
0x7c: {  	_ =	shalt  }
0x7d: {  	_ =	shalt  }
0x7e: {  	_ =	shalt  }
0x7f: {  	_ =	shalt  }
0x80: {  	_ =	shalt  }
0x81: {  	_ =	shalt  }
0x82: {  	_ =	shalt  }
0x83: {  	_ =	shalt  }
0x84: {  	_ =	shalt  }
0x85: {  	_ =	shalt  }
0x86: {  	_ =	shalt  }
0x87: {  	_ =	shalt  }
.Lfunc_end0:
.L_simem_size_0:
called_computation_lowered:
.L_overlay_start_0:
0x88: {  	s0 =	sld [smem:$0x3FD9]  }
0x89: {  	s1 =	sld [smem:$0x3FFE];
	_ =	sdelay $0x3  }
0x8a: {  	s0 =	sadd.s32 s1, s0  }
0x8b: {  	[smem:$0x3FC7] =	sst s0  }
0x8c: {  	_ = 	snop  }
0x8d: {  	s0 =	sld [smem:$0x3FD0];
	_ =	sdelay $0x2  }
0x8e: {  	s13 =	simm.s32 $0xA;
	s2 =	simm.s32 $0x10  }
0x8f: {  	[smem:s2], [sflag:s13] =	dma.local [hbm:s0], $0x1  }
0x90: {  	_ =	swait.eq [sflag:s13], $0x1  }
0x91: {  	s14 =	sld [smem:$0x10];
	[sflag:s13] =	ssyncset.done $0x0  }
0x92: {  	s15 =	sld [smem:$0x11];
	[sflag:s13] =	ssyncadd.s32 $0xFFFFFFFF  }
0x93: {  	s16 =	sld [smem:$0x12];
	(tm) =	ssettm $0x1  }
0x94: {  	s3 =	sld [smem:$0x3FFB];
	_ =	sdelay $0x3  }
0x95: {  	_ =	strace s3  }
0x96: {  	s3 =	sld [smem:$0x3FFC];
	_ =	sdelay $0x3  }
0x97: {  	_ =	strace s3  }
0x98: {  	s3 =	sld [smem:$0x3FFD];
	_ =	sdelay $0x3  }
0x99: {  	_ =	strace s3  }
0x9a: {  	_ =	strace $0x8FFFFFFF  }
0x9b: {  	s17 =	sld [smem:$0x3FDB];
	_ =	sdelay $0x1  }
0x9c: {  	s4 =	simm.s32 $_scs_section_size  }
0x9d: {  	s5 =	simm.s32 $_size__tile_overlayer_lowered;
	s6 =	simm.s32 $_tile_overlayer_lowered  }
0x9e: {  	s20 =	simm.s32 $0x1BFF;
	s19 =	sshll.u32 s6, $0x1;
	s3 =	sadd.s32 s4, s17  }
0x9f: {  	s7 =	simm.s32 $0x0;
	s18 =	sshll.u32 s5, $0x1;
	s5 =	sadd.s32 s19, s3  }
0xa0: {  	[timem:s7], [sflag:s20] =	dma.local [hbm:s5], s18  }
0xa1: {  	_ =	swait.ge [sflag:s20], s18  }
0xa2: {  	s4 =	ssub.s32 $0x0, s18;
	[sflag:s20] =	ssyncset.done $0x0  }
0xa3: {  	[sflag:s20] =	ssyncadd.s32 s4;
	_ =	sdelay $0x1  }
0xa4: {  	s21 =	simm.s32 $0x1B8B  }
0xa5: {  	_ =	swait.ge [sflag:s21], $0x1  }
0xa6: {  	[sflag:s21] =	ssyncset.done $0x0  }
0xa7: {  	s23 =	simm.s32 $0x1B8E;
	s22 =	sld [smem:$0x3FFE];
	[sflag:s21] =	ssyncadd.s32 $0xFFFFFFFF  }
0xa8: {  	s24 =	simm.s32 $execute0_lowered;
	[smem:$0x3FD2] =	sst s23  }
0xa9: {  	s5 =	sshll.u32 s24, $0x1;
	_ =	strace $0x80000046;
	[dreg:$0x1] =	wrdreg $0xFFFFFFFF  }
0xaa: {  	s25 =	simm.s32 $_size_execute0_lowered;
	s3 =	sadd.s32 s3, s5;
	[dreg:$0x0] =	wrdreg $0x0  }
0xab: {  	s5 =	sshll.u32 s25, $0x1;
	[dreg:$0x2] =	wrdreg s3  }
0xac: {  	[dreg:$0x3] =	wrdreg s5  }
0xad: {  	[dreg:$0x4] =	wrdreg $0xC0  }
0xae: {  	_ =	task [dreg:s7], $0x5FFFF  }
0xaf: {  	[dreg:$0x1] =	wrdreg $0xFFFFFFFF  }
0xb0: {  	[dreg:$0x0] =	wrdreg $0x60  }
0xb1: {  	[dreg:$0x2] =	wrdreg s22  }
0xb2: {  	[dreg:$0x3] =	wrdreg s15  }
0xb3: {  	[dreg:$0x4] =	wrdreg s14  }
0xb4: {  	[dreg:$0x5] =	wrdreg s16  }
0xb5: {  	[dreg:$0x6] =	wrdreg $0x9  }
0xb6: {  	_ =	task.clear_ibuf [dreg:s7], $0x7FFFF;
	_ =	strace $0x90000046  }
0xb7: {  	s26 =	simm.s32 $0x9;
	_ =	strace $0x80000048  }
0xb8: {  	_ =	swait.ge [sflag:s26], $0x1  }
0xb9: {  	[sflag:s26] =	ssyncadd.s32 $0xFFFFFFFF  }
0xba: {  	_ =	strace $0x90000048  }
0xbb: {  	_ =	sfence  }
0xbc: {  	s28 =	sld [smem:$0x0];
	_ =	sdelay $0x1  }
0xbd: {  	s29 =	srdreg.scid  }
0xbe: {  	s30 =	sshll.u32 s29, $0xD;
	s31 =	sshrl.u32 s29, $0x2  }
0xbf: {  	s1 =	sand.u32 $0x1, s29;
	s2 =	sand.u32 $0x4000, s30;
	s0 =	sadd.s32 s31, s28  }
0xc0: {  	s1 =	sor.u32 s2, s1;
	s0 =	sshll.u32 s0, $0x11  }
0xc1: {  	s0 =	sor.u32 s0, s1  }
0xc2: {  	s0 =	sadd.s32 $0x8F2B, s0  }
0xc3: {  	[sflag:s0] =	ssyncadd.remote.s32 $0x1  }
0xc4: {  	_ =	sfence.sel $0xFFFF  }
0xc5: {  	[dreg:$0x0] =	wrdreg $0xFFFFFFFF;
	(pc) =	sbr.abs _section_cstart, $3  }
0xc6: {  	[dreg:$0x1] =	wrdreg $0xFFFFFFFF  }
0xc7: {  	_ =	task.clear_ibuf [dreg:s7], $0x2FFFF;
	_ =	strace $0x9FFFFFFF  }
0xc8: {  	(tm) =	ssettm $0x7FFFFFFF  }
0xc9: {  	_ =	shalt  }
tec
execute0_lowered:
.L_overlay_start_1:
0x0: {  	(tag) =	ssettag $0x1  }
0x1: {  	s1 =	stileid.u32  }
0x2: {  	p0 =	sgt.u32 s1, $0x1  }
.Ltmp0:
0x3: {  	s4 =	rddreg [dreg:$0x0];
	(pc) =	sbr.rel @p0 .LBB2_22-.Ltmp0, $4  }
0x4: {  	s2 =	rddreg [dreg:$0x1]  }
0x5: {  	s3 =	rddreg [dreg:$0x2]  }
0x6: {  	s5 =	rddreg [dreg:$0x3]  }
0x7: {  	s0 =	rddreg [dreg:$0x4];
	_ =	strace $0x80000047  }
0x8: {  	v0 =	vimm.f32 $0.0e+00  }
0x9: {  	(xrf0) =	vmax.scan.msk.f32 $0xffff, v0;
	_ =	sdelay $0x5  }
0xa: {  	v0, _, _ =	vpop (xrf0)  }
0xb: {  	(v2sf) =	vpush v0, $0xF;
	_ =	sdelay $0xa  }
0xc: {  	s4 =	sadd.s32 $0xC00, s4;
	s6 =	simm.s32 $0x0;
	s7 =	sand.u32 $0x1, s1  }
0xd: {  	[tilespmem:s6], [sflag:$0x1] =	stream.linear.gather [hbm4b:s4+s6], $0x400, $0x38;
	[tilespmem:$0x5000] =	vst v63  }
0xe: {  	p0 =	seq.s32 s7, $0x1  }
.Ltmp1:
0xf: {  	_ = 	snop;
	(pc) =	sbr.rel @!p0 .LBB2_2-.Ltmp1, $4  }
0x10: {  	s31 =	simm.s32 $0x1;
	s4 =	spop (v2sf)  }
0x11: {  	_ =	swait.ge [sflag:s31], $0x400  }
0x12: {  	[sflag:s31] =	ssyncset.done $0x0  }
0x13: {  	[sflag:s31] =	ssyncadd.s32 $0xFFFFFC00  }
0x14: {  	s3 =	simm.s32 $0x0  }
0x15: {  	v0 =	vld [tilespmem:s3+$0x0];
	_ =	sdelay $0x1  }
0x16: {  	s2 =	simm.s32 $0x10  }
0x17: {  	v1 =	vld [tilespmem:s2+$0x0];
	_ =	sdelay $0x1  }
0x18: {  	v0 =	vsub.f32 $0.0e+00, v0;
	_ =	sdelay $0x1  }
0x19: {  	v0 =	vmul.f32 $1.442695020e+00, v0  }
0x1a: {  	v1 =	vsub.f32 $0.0e+00, v1  }
0x1b: {  	s4 =	simm.s32 $0x20;
	(erf) = vpow2.f32 v0  }
0x1c: {  	v0 =	vmul.f32 $1.442695020e+00, v1;
	v1 =	vld [tilespmem:s4+$0x0];
	_ =	sdelay $0x1  }
0x1d: {  	(erf) = vpow2.f32 v0  }
0x1e: {  	s6 =	simm.s32 $0x30  }
0x1f: {  	v0 =	vld [tilespmem:s6+$0x0]  }
0x20: {  	v1 =	vsub.f32 $0.0e+00, v1;
	_ =	sdelay $0x1  }
0x21: {  	v1 =	vmul.f32 $1.442695020e+00, v1  }
0x22: {  	v2 =	vpop (erf)  }
0x23: {  	v0 =	vsub.f32 $0.0e+00, v0;
	v2 =	vadd.f32 $1.000000000e+00, v2  }
0x24: {  	(erf) = vpow2.f32 v1  }
0x25: {  	v0 =	vmul.f32 $1.442695020e+00, v0;
	v1 =	vpop (erf);
	(erf) = vrcp.f32 v2  }
0x26: {  	s7 =	simm.s32 $0x40;
	v1 =	vadd.f32 $1.000000000e+00, v1  }
0x27: {  	(erf) = vpow2.f32 v0;
	v0 =	vld [tilespmem:s7+$0x0]  }
0x28: {  	(erf) = vrcp.f32 v1;
	_ =	sdelay $0x2  }
0x29: {  	s8 =	simm.s32 $0x140  }
.LBB2_14:
0x2a: {  	s9 =	sshra.s32 s8, $0x2;
	v1 =	vsub.f32 $0.0e+00, v0;
	p0 =	sne.s32 s8, $0xFC0  }
.Ltmp2:
0x2b: {  	s8 =	sadd.s32 $0x40, s8;
	v0 =	vld [tilespmem:s9+$0x0];
	v2 =	vpop (erf);
	(pc) =	sbr.rel @p0 .LBB2_14-.Ltmp2, $4  }
0x2c: {  	v1 =	vmul.f32 $1.442695020e+00, v1;
	v3 =	vpop (erf)  }
0x2d: {  	v2 =	vadd.f32 $1.000000000e+00, v2;
	[tilespmem:s3+$0x400] =	vst v3;
	s3 =	smov.u32 s2;
	s2 =	smov.u32 s4;
	s4 =	smov.u32 s6  }
0x2e: {  	s6 =	smov.u32 s7;
	s7 =	smov.u32 s9;
	(erf) = vpow2.f32 v1  }
0x2f: {  	(erf) = vrcp.f32 v2  }
0x30: {  	v0 =	vsub.f32 $0.0e+00, v0;
	_ =	sdelay $0x1  }
0x31: {  	v0 =	vmul.f32 $1.442695020e+00, v0;
	_ =	sdelay $0x1  }
0x32: {  	(erf) = vpow2.f32 v0;
	_ =	sdelay $0x4  }
0x33: {  	v0 =	vpop (erf)  }
0x34: {  	v2 =	vpop (erf)  }
0x35: {  	v1 =	vpop (erf)  }
0x36: {  	v0 =	vadd.f32 $1.000000000e+00, v0;
	v3 =	vpop (erf)  }
0x37: {  	v1 =	vadd.f32 $1.000000000e+00, v1;
	v4 =	vpop (erf)  }
0x38: {  	(erf) = vrcp.f32 v0;
	v0 =	vadd.f32 $1.000000000e+00, v4  }
0x39: {  	(erf) = vrcp.f32 v1  }
0x3a: {  	(erf) = vrcp.f32 v0;
	_ =	sdelay $0x1  }
0x3b: {  	v0 =	vlaneseq.u32  }
0x3c: {  	s8 =	simm.s32 $0x0;
	v1 =	vadd.s32 $0x1, v0  }
0x3d: {  	v5 =	vadd.s32 s8, v1  }
0x3e: {  	v4 =	vadd.s32 $0x21, v0;
	vm0 =	vlt.s32 v5, $0x3FF  }
0x3f: {  	[tilespmem:s3+$0x400] =	vst v2;
	v2 =	vor.u32 $0x20, v0;
	v6 =	vadd.s32 s8, v4;
	v5 =	vnsel vm0, $0x3FF, v5  }
0x40: {  	[tilespmem:s2+$0x400] =	vst v3;
	v7 =	vpop (erf);
	v8 =	vadd.s32 s8, v2;
	vm0 =	vlt.s32 v6, $0x3FF  }
0x41: {  	v3 =	vadd.s32 $0x1F, v0;
	[tilespmem:s4+$0x400] =	vst v7;
	v7 =	vpop (erf);
	v6 =	vnsel vm0, $0x3FF, v6;
	vm0 =	vlt.s32 v8, $0x3FF  }
0x42: {  	v9 =	vadd.s32 s8, v3;
	[tilespmem:s6+$0x400] =	vst v7;
	v8 =	vnsel vm0, $0x3FF, v8;
	v7 =	vpop (erf)  }
0x43: {  	s2 =	simm.s32 $0x400;
	vm0 =	vlt.s32 v9, $0x3FF;
	[tilespmem:s7+$0x400] =	vst v7  }
0x44: {  	v7 =	vnsel vm0, $0x3FF, v9;
	v9 =	vld.idx.msk [tilespmem:v5+s2+$0x0], $0xffff  }
0x45: {  	v10 =	vld [tilespmem:s2+$0x0]  }
0x46: {  	s31 =	sand.u32 $0x10, s8;
	v6 =	vld.idx.msk [tilespmem:v6+s2+$0x0], $0xffff  }
0x47: {  	v11 =	vmov s31;
	v5 =	vmul.u32 $0xFFFFFFFF, v0;
	v12 =	vld.idx.msk [tilespmem:v8+s2+$0x0], $0xffff  }
0x48: {  	vm4 =	vne.s32 v11, v0;
	s8 =	simm.s32 $0x10;
	vm0 =	vmxor vm0, vm0  }
0x49: {  	p0 =	por $0x1, $0x1;
	vm1 =	vmmov vm0;
	v8 =	vadd.s32 s8, v4;
	v5 =	vadd.s32 $0x1F, v5;
	v13 =	vld.idx.msk [tilespmem:v7+s2+$0x0], $0xffff  }
0x4a: {  	vm1 =	vmneg @p0 vm1;
	vm3 =	vne.s32 v11, v5;
	v7 =	vadd.s32 s8, v1  }
0x4b: {  	s9 =	simm.s32 $0x1000;
	s10 =	simm.s32 $0x1400;
	s12 =	sand.u32 $0x10, s8;
	vm2 =	vmand vm1, vm3;
	vm5 =	vlt.s32 v7, $0x3FF;
	v9 =	vsub.f32 v10, v9  }
0x4c: {  	s11 =	simm.s32 $0x1;
	s13 =	simm.s32 $0x2;
	s15 =	simm.s32 $0x800;
	v14 =	vsub.f32 v10, v6;
	v11 =	vsub.f32 v10, v12;
	v6 =	vmov s12  }
0x4d: {  	s14 =	simm.s32 $0xC00;
	s3 =	simm.s32 $0xC00;
	s4 =	simm.s32 $0x800;
	v7 =	vnsel vm5, $0x3FF, v7;
	vm5 =	vlt.s32 v8, $0x3FF;
	v12 =	vmul.f32 v9, v9  }
0x4e: {  	s6 =	simm.s32 $0x1010;
	s7 =	simm.s32 $0x1410;
	s12 =	simm.s32 $0x400;
	v8 =	vnsel vm5, $0x3FF, v8;
	v9 =	vsub.f32 v10, v13;
	v10 =	vmul.f32 v14, v14  }
.LBB2_16:
0x4f: {  	v12 =	vnsel vm3, $0x0, v12;
	s12 =	sadd.s32 $0x10, s12  }
0x50: {  	v11 =	vmul.f32 v11, v11;
	vm1 =	vmand vm1, vm4;
	s4 =	sadd.s32 $0x10, s4;
	s3 =	sadd.s32 $0x10, s3;
	s16 =	smov.u32 s13;
	v13 =	vadd.s32 s8, v2  }
0x51: {  	p1 =	sne.s32 s13, $0x3F;
	s13 =	sadd.s32 $0x1, s13;
	s11 =	sshrl.u32 s11, $0x1;
	v10 =	vnsel vm2, $0x0, v10;
	v9 =	vmul.f32 v9, v9;
	[tilespmem:s15+$0x0] =	vst v12;
	vm2 =	vlt.s32 v13, $0x3FF  }
0x52: {  	v12 =	vadd.s32 s8, v3;
	s15 =	smov.u32 s4;
	v11 =	vpsel !p0, $0x0, v11;
	p0 =	slt.s32 s11, $0x1F;
	[tilespmem:s14+$0x0] =	vst v10;
	s14 =	smov.u32 s3;
	v10 =	vnsel vm2, $0x3FF, v13  }
0x53: {  	vm2 =	vlt.s32 v12, $0x3FF;
	s11 =	smov.u32 s16;
	v9 =	vnsel vm1, $0x0, v9;
	[tilespmem:s9+$0x0] =	vst v11;
	s9 =	smov.u32 s6;
	vm1 =	vmmov vm0  }
0x54: {  	vm3 =	vne.s32 v6, v5;
	v11 =	vnsel vm2, $0x3FF, v12;
	vm1 =	vmneg @p0 vm1;
	[tilespmem:s10+$0x0] =	vst v9;
	s10 =	smov.u32 s7  }
0x55: {  	v7 =	vld.idx.msk [tilespmem:v7+s2+$0x0], $0xffff;
	vm2 =	vmand vm1, vm3  }
0x56: {  	v8 =	vld.idx.msk [tilespmem:v8+s2+$0x0], $0xffff  }
0x57: {  	v9 =	vld [tilespmem:s12+$0x0]  }
0x58: {  	v10 =	vld.idx.msk [tilespmem:v10+s2+$0x0], $0xffff  }
0x59: {  	v13 =	vld.idx.msk [tilespmem:v11+s2+$0x0], $0xffff  }
0x5a: {  	s8 =	sadd.s32 $0x10, s8  }
.Ltmp3:
0x5b: {  	vm4 =	vne.s32 v6, v0;
	v11 =	vadd.s32 s8, v1;
	(pc) =	sbr.rel @p1 .LBB2_16-.Ltmp3, $4  }
0x5c: {  	v6 =	vadd.s32 s8, v4;
	vm5 =	vlt.s32 v11, $0x3FF;
	v12 =	vsub.f32 v9, v7  }
0x5d: {  	v7 =	vnsel vm5, $0x3FF, v11;
	vm5 =	vlt.s32 v6, $0x3FF;
	v14 =	vsub.f32 v9, v8  }
0x5e: {  	s16 =	sand.u32 $0x10, s8;
	v8 =	vnsel vm5, $0x3FF, v6;
	v11 =	vsub.f32 v9, v10;
	v12 =	vmul.f32 v12, v12  }
0x5f: {  	s6 =	sadd.s32 $0x10, s6;
	s7 =	sadd.s32 $0x10, s7;
	v6 =	vmov s16;
	v9 =	vsub.f32 v9, v13;
	v10 =	vmul.f32 v14, v14  }
0x60: {  	v1 =	vnsel vm3, $0x0, v12;
	v4 =	vmul.f32 v11, v11;
	vm1 =	vmand vm1, vm4  }
0x61: {  	v2 =	vadd.s32 s8, v2;
	v10 =	vnsel vm2, $0x0, v10;
	v9 =	vmul.f32 v9, v9;
	[tilespmem:s15+$0x0] =	vst v1  }
0x62: {  	vm2 =	vlt.s32 v2, $0x3FF;
	v1 =	vadd.s32 s8, v3;
	v3 =	vpsel !p0, $0x0, v4;
	[tilespmem:s14+$0x0] =	vst v10  }
0x63: {  	v2 =	vnsel vm2, $0x3FF, v2;
	vm2 =	vlt.s32 v1, $0x3FF;
	v4 =	vnsel vm1, $0x0, v9;
	[tilespmem:s9+$0x0] =	vst v3  }
0x64: {  	v1 =	vnsel vm2, $0x3FF, v1;
	[tilespmem:s10+$0x0] =	vst v4  }
0x65: {  	s24 =	sadd.s32 $0x10, s12;
	v3 =	vld.idx.msk [tilespmem:v7+s2+$0x0], $0xffff  }
0x66: {  	v4 =	vld [tilespmem:s24+$0x0]  }
0x67: {  	v61 =	vld.idx.msk [tilespmem:v8+s2+$0x0], $0xffff  }
0x68: {  	v2 =	vld.idx.msk [tilespmem:v2+s2+$0x0], $0xffff  }
0x69: {  	s25 =	sshrl.u32 s11, $0x1;
	v62 =	vld.idx.msk [tilespmem:v1+s2+$0x0], $0xffff  }
0x6a: {  	vm3 =	vne.s32 v6, v0;
	p0 =	slt.s32 s25, $0x1F;
	vm1 =	vne.s32 v6, v5  }
0x6b: {  	vm0 =	vmneg @p0 vm0;
	v1 =	vlaneseq.u32;
	v3 =	vsub.f32 v4, v3  }
0x6c: {  	s26 =	simm.s32 $0x0;
	vm2 =	vmand vm0, vm1;
	v0 =	vadd.s32 $0xFFFFFFFF, v1;
	v5 =	vsub.f32 v4, v61  }
0x6d: {  	v63 =	vadd.s32 s26, v0;
	v2 =	vsub.f32 v4, v2;
	v3 =	vmul.f32 v3, v3  }
0x6e: {  	vm15 =	vgt.s32 v63, $0x0;
	v5 =	vmul.f32 v5, v5;
	v4 =	vsub.f32 v4, v62  }
0x6f: {  	s28 =	sadd.s32 $0x10, s4;
	v6 =	vnsel vm15, $0x0, v63;
	v3 =	vnsel vm1, $0x0, v3;
	v2 =	vmul.f32 v2, v2  }
0x70: {  	s3 =	sadd.s32 $0x10, s3;
	v5 =	vnsel vm2, $0x0, v5;
	v4 =	vmul.f32 v4, v4;
	[tilespmem:s28+$0x0] =	vst v3;
	v3 =	vmin.u32 v6, $0x3FF  }
0x71: {  	vm0 =	vmand vm0, vm3;
	v2 =	vpsel !p0, $0x0, v2;
	[tilespmem:s3+$0x0] =	vst v5  }
0x72: {  	v4 =	vnsel vm0, $0x0, v4;
	[tilespmem:s6+$0x0] =	vst v2  }
0x73: {  	s29 =	simm.s32 $0x80F;
	[tilespmem:s7+$0x0] =	vst v4  }
0x74: {  	s2 =	simm.s32 $0x800;
	v2 =	vld [tilespmem:s29+$0x0]  }
0x75: {  	v3 =	vld.idx.msk [tilespmem:v3+s2+$0x0], $0xffff;
	_ =	sdelay $0x3  }
0x76: {  	vm0 =	veq.s32 v1, $0x0  }
0x77: {  	(xrf2) =	vadd.scan.msk.f32 $0xffff, v2;
	v2 =	vsel vm0, $0x0, v3  }
0x78: {  	(xrf2) =	vadd.scan.msk.f32 $0xffff, v2;
	_ =	sdelay $0x8  }
0x79: {  	v2, _, _ =	vpop (xrf2)  }
0x7a: {  	v3, _, _ =	vpop (xrf2)  }
0x7b: {  	v4 =	vbroadcast v3, $0xF  }
0x7c: {  	s30 =	simm.s32 $0x20;
	s3 =	simm.s32 $0x2810  }
0x7d: {  	[tilespmem:s3+$0xFFFFFFF0] =	vst v3;
	v3 =	vadd.s32 s30, v0;
	v2 =	vadd.f32 v4, v2  }
0x7e: {  	vm1 =	vgt.s32 v3, $0x0  }
0x7f: {  	s4 =	simm.s32 $0x82F;
	v3 =	vnsel vm1, $0x0, v3;
	[tilespmem:s3+$0x0] =	vst v2  }
0x80: {  	v3 =	vmin.u32 v3, $0x3FF;
	v2 =	vld [tilespmem:s4+$0x0];
	_ =	sdelay $0x4  }
0x81: {  	(xrf2) =	vadd.scan.msk.f32 $0xffff, v2;
	v2 =	vld.idx.msk [tilespmem:v3+s2+$0x0], $0xffff;
	_ =	sdelay $0x4  }
0x82: {  	v2 =	vsel vm0, $0x0, v2  }
0x83: {  	(xrf2) =	vadd.scan.msk.f32 $0xffff, v2;
	_ =	sdelay $0x7  }
0x84: {  	s31 =	simm.s32 $0x40  }
0x85: {  	s6 =	simm.s32 $0x60;
	v3 =	vadd.s32 s31, v0;
	v2, _, _ =	vpop (xrf2)  }
.LBB2_18:
0x86: {  	p0 =	sne.s32 s6, $0x3E0;
	vm1 =	vgt.s32 v3, $0x0;
	v4, _, _ =	vpop (xrf2);
	s3 =	sadd.s32 $0x20, s3  }
0x87: {  	v3 =	vnsel vm1, $0x0, v3;
	v5 =	vbroadcast v4, $0xF;
	[tilespmem:s3+$0xFFFFFFF0] =	vst v4  }
0x88: {  	v3 =	vmin.u32 v3, $0x3FF  }
0x89: {  	v2 =	vadd.f32 v5, v2;
	_ =	sdelay $0x1  }
0x8a: {  	s4 =	sadd.s32 $0x20, s4;
	[tilespmem:s3+$0x0] =	vst v2  }
0x8b: {  	v2 =	vld [tilespmem:s4+$0x0]  }
0x8c: {  	v3 =	vld.idx.msk [tilespmem:v3+s2+$0x0], $0xffff;
	_ =	sdelay $0x3  }
0x8d: {  	(xrf2) =	vadd.scan.msk.f32 $0xffff, v2;
	_ =	sdelay $0x1  }
0x8e: {  	v2 =	vsel vm0, $0x0, v3  }
0x8f: {  	(xrf2) =	vadd.scan.msk.f32 $0xffff, v2;
	_ =	sdelay $0x4  }
.Ltmp4:
0x90: {  	(pc) =	sbr.rel @p0 .LBB2_18-.Ltmp4, $3  }
0x91: {  	_ = 	snop  }
0x92: {  	v2, _, _ =	vpop (xrf2);
	_ =	sdelay $0x1  }
0x93: {  	v3 =	vadd.s32 s6, v0;
	s6 =	sadd.s32 $0x20, s6  }
0x94: {  	vm0 =	vgt.s32 v3, $0x0;
	v0, _, _ =	vpop (xrf2)  }
0x95: {  	v3 =	vnsel vm0, $0x0, v3;
	v4 =	vbroadcast v0, $0xF  }
0x96: {  	v3 =	vmin.u32 v3, $0x3FF  }
0x97: {  	s3 =	sadd.s32 $0x20, s3;
	v2 =	vadd.f32 v4, v2  }
0x98: {  	[tilespmem:s3+$0xFFFFFFF0] =	vst v0  }
0x99: {  	s4 =	sadd.s32 $0x20, s4;
	[tilespmem:s3+$0x0] =	vst v2  }
0x9a: {  	v0 =	vld [tilespmem:s4+$0x0]  }
0x9b: {  	v2 =	vld.idx.msk [tilespmem:v3+s2+$0x0], $0xffff;
	_ =	sdelay $0x3  }
0x9c: {  	vm0 =	veq.s32 v1, $0x0  }
0x9d: {  	(xrf2) =	vadd.scan.msk.f32 $0xffff, v0;
	v0 =	vsel vm0, $0x0, v2  }
0x9e: {  	(xrf2) =	vadd.scan.msk.f32 $0xffff, v0;
	_ =	sdelay $0x8  }
0x9f: {  	v0, _, _ =	vpop (xrf2)  }
0xa0: {  	v1, _, _ =	vpop (xrf2)  }
0xa1: {  	v2 =	vbroadcast v1, $0xF;
	_ =	sdelay $0x1  }
0xa2: {  	s30 =	sadd.s32 $0x20, s3;
	v3 =	vadd.f32 v2, v0;
	v0 =	vlaneseq.u32  }
0xa3: {  	s6 =	simm.s32 $0x30;
	[tilespmem:s30+$0xFFFFFFF0] =	vst v1;
	v2 =	vadd.s32 $0xFFFFFFDF, v0  }
0xa4: {  	s31 =	simm.s32 $0x20;
	[tilespmem:s30+$0x0] =	vst v3;
	v3 =	vadd.s32 s6, v2  }
0xa5: {  	v5 =	vadd.s32 s31, v2;
	v4 =	vld [tilespmem:$0x2800];
	vm0 =	vgt.s32 v3, $0x0  }
0xa6: {  	v6 =	vld [tilespmem:$0x2810];
	vm1 =	vgt.s32 v5, $0x0;
	v3 =	vnsel vm0, $0x0, v3  }
0xa7: {  	v1 =	vor.u32 $0xFFFFFFE0, v0;
	v5 =	vnsel vm1, $0x0, v5;
	v8 =	vmin.u32 v3, $0x3FF  }
0xa8: {  	v7 =	vadd.s32 s31, v1;
	v5 =	vmin.u32 v5, $0x3FF  }
0xa9: {  	vm0 =	vgt.s32 v7, $0x0;
	v3 =	vadd.s32 $0xFFFFFFE1, v0  }
0xaa: {  	v7 =	vnsel vm0, $0x0, v7;
	v9 =	vadd.s32 s31, v3;
	[tilespmem:$0x3C00] =	vst v4  }
0xab: {  	s2 =	simm.s32 $0x3C00;
	v7 =	vmin.u32 v7, $0x3FF;
	vm0 =	vgt.s32 v9, $0x0;
	[tilespmem:$0x3C10] =	vst v6  }
0xac: {  	v6 =	vnsel vm0, $0x0, v9;
	v9 =	vld.idx.msk [tilespmem:v8+s2+$0x0], $0xffff  }
0xad: {  	s4 =	simm.s32 $0xC00;
	v4 =	vadd.s32 s6, v3;
	v6 =	vmin.u32 v6, $0x3FF;
	v10 =	vld.idx.msk [tilespmem:v5+s2+$0x0], $0xffff  }
0xae: {  	vm0 =	vgt.s32 v4, $0x0;
	v5 =	vld.idx.msk [tilespmem:v5+s4+$0x0], $0xffff  }
0xaf: {  	s3 =	simm.s32 $0x1000;
	v12 =	vadd.s32 s6, v1;
	v4 =	vnsel vm0, $0x0, v4;
	v8 =	vld.idx.msk [tilespmem:v8+s4+$0x0], $0xffff  }
0xb0: {  	vm0 =	vgt.s32 v12, $0x0;
	v11 =	vld.idx.msk [tilespmem:v7+s3+$0x0], $0xffff;
	v4 =	vmin.u32 v4, $0x3FF  }
0xb1: {  	v7 =	vld.idx.msk [tilespmem:v7+s2+$0x0], $0xffff;
	v12 =	vnsel vm0, $0x0, v12  }
0xb2: {  	s6 =	simm.s32 $0x1400;
	v12 =	vmin.u32 v12, $0x3FF;
	v13 =	vld.idx.msk [tilespmem:v6+s2+$0x0], $0xffff  }
0xb3: {  	s7 =	simm.s32 $0x2830;
	v6 =	vld.idx.msk [tilespmem:v6+s6+$0x0], $0xffff  }
0xb4: {  	v10 =	vadd.f32 v5, v10;
	v5 =	vld [tilespmem:s7+$0xFFFFFFF0]  }
0xb5: {  	v14 =	vld.idx.msk [tilespmem:v4+s6+$0x0], $0xffff  }
0xb6: {  	vm0 =	veq.s32 v0, $0x0;
	v4 =	vld.idx.msk [tilespmem:v4+s2+$0x0], $0xffff;
	v7 =	vadd.f32 v11, v7  }
0xb7: {  	v10 =	vsel vm0, $0x7F61B1E6, v10;
	v11 =	vld.idx.msk [tilespmem:v12+s3+$0x0], $0xffff  }
0xb8: {  	v7 =	vmin.f32 v7, v10;
	v10 =	vld.idx.msk [tilespmem:v12+s2+$0x0], $0xffff;
	v6 =	vadd.f32 v6, v13;
	_ =	sdelay $0x1  }
0xb9: {  	v6 =	vmin.f32 v7, v6  }
0xba: {  	v6 =	vsub.f32 v6, v5  }
0xbb: {  	v8 =	vadd.f32 v8, v9;
	v4 =	vadd.f32 v14, v4;
	v7 =	vld [tilespmem:s7+$0x0]  }
0xbc: {  	v63 =	vsub.f32 $0.0e+00, v6;
	(xrf0) =	vmin.scan.msk.f32 $0xffff, v6;
	v6 =	vadd.f32 v11, v10  }
0xbd: {  	vm1 =	veq.s32 v0, $0xF  }
0xbe: {  	v4 =	vsel vm1, $0x7F61B1E6, v4;
	(xrf0) =	vmax.scan.msk.f32 $0xffff, v63;
	v6 =	vmin.f32 v6, v8  }
0xbf: {  	s9 =	simm.s32 $0x50;
	v4 =	vmin.f32 v6, v4  }
0xc0: {  	v6 =	vadd.s32 s9, v3;
	v7 =	vsub.f32 v7, v4  }
0xc1: {  	s8 =	simm.s32 $0x40  }
0xc2: {  	v9 =	vadd.s32 s8, v1;
	vm2 =	vgt.s32 v6, $0x0;
	v8 =	vadd.f32 $0.0e+00, v7  }
0xc3: {  	v11 =	vadd.s32 s8, v2;
	v4 =	vnsel vm2, $0x0, v6;
	vm2 =	vgt.s32 v9, $0x0;
	v6, _, _ =	vpop (xrf0)  }
0xc4: {  	s13 =	simm.s32 $0x70;
	vm3 =	vgt.s32 v11, $0x0;
	v7 =	vadd.s32 s8, v3;
	v10, _, _ =	vpop (xrf0);
	(xrf0) =	vmax.scan.msk.f32 $0xffff, v8;
	v8 =	vnsel vm2, $0x0, v9  }
0xc5: {  	s10 =	simm.s32 $0x3C30;
	s11 =	simm.s32 $0x2830;
	s8 =	simm.s32 $0x3C30;
	v9 =	vnsel vm3, $0x0, v11;
	vm2 =	vgt.s32 v7, $0x0;
	v10 =	vsub.f32 $0.0e+00, v10  }
.LBB2_20:
0xc6: {  	s8 =	sadd.s32 $0x20, s8  }
0xc7: {  	v9 =	vmin.u32 v9, $0x3FF;
	v7 =	vnsel vm2, $0x0, v7;
	v5 =	vadd.f32 v10, v5;
	s7 =	sadd.s32 $0x20, s7;
	s14 =	smov.u32 s13;
	s12 =	sadd.s32 $0x20, s13  }
0xc8: {  	p0 =	sne.s32 s13, $0x3F0;
	v8 =	vmin.u32 v8, $0x3FF;
	v10 =	vadd.s32 s14, v3  }
0xc9: {  	vm2 =	vgt.s32 v10, $0x0;
	[tilespmem:s10+$0xFFFFFFF0] =	vst v5  }
0xca: {  	v5 =	vnsel vm2, $0x0, v10;
	v10 =	vadd.s32 s9, v2;
	v11 =	vld [tilespmem:s11+$0x0];
	s11 =	smov.u32 s7  }
0xcb: {  	v7 =	vmin.u32 v7, $0x3FF;
	vm2 =	vgt.s32 v10, $0x0;
	v12, _, _ =	vpop (xrf0)  }
0xcc: {  	v6 =	vbroadcast v6, $0xF;
	v10 =	vnsel vm2, $0x0, v10;
	v12 =	vsub.f32 $0.0e+00, v12  }
0xcd: {  	v10 =	vmin.u32 v10, $0x3FF  }
0xce: {  	v6 =	vmin.f32 v12, v6  }
0xcf: {  	v6 =	vadd.f32 v6, v11;
	_ =	sdelay $0x1  }
0xd0: {  	[tilespmem:s10+$0x0] =	vst v6;
	s10 =	smov.u32 s8  }
0xd1: {  	v6 =	vld.idx.msk [tilespmem:v10+s2+$0x0], $0xffff  }
0xd2: {  	v11 =	vld.idx.msk [tilespmem:v9+s2+$0x0], $0xffff  }
0xd3: {  	v13 =	vmin.u32 v4, $0x3FF;
	v4 =	vmov v5;
	v12 =	vld.idx.msk [tilespmem:v8+s3+$0x0], $0xffff  }
0xd4: {  	v5 =	vld.idx.msk [tilespmem:v9+s4+$0x0], $0xffff;
	v9 =	vadd.s32 s9, v1;
	s9 =	smov.u32 s14  }
0xd5: {  	v8 =	vld.idx.msk [tilespmem:v8+s2+$0x0], $0xffff;
	vm2 =	vgt.s32 v9, $0x0  }
0xd6: {  	v14 =	vld.idx.msk [tilespmem:v7+s2+$0x0], $0xffff;
	v9 =	vnsel vm2, $0x0, v9  }
0xd7: {  	v7 =	vld.idx.msk [tilespmem:v7+s6+$0x0], $0xffff;
	v9 =	vmin.u32 v9, $0x3FF  }
0xd8: {  	v15 =	vld.idx.msk [tilespmem:v13+s6+$0x0], $0xffff  }
0xd9: {  	v13 =	vld.idx.msk [tilespmem:v13+s2+$0x0], $0xffff  }
0xda: {  	v11 =	vadd.f32 v5, v11;
	v10 =	vld.idx.msk [tilespmem:v10+s4+$0x0], $0xffff  }
0xdb: {  	v8 =	vadd.f32 v12, v8;
	v5 =	vld [tilespmem:s7+$0xFFFFFFF0]  }
0xdc: {  	v11 =	vsel vm0, $0x7F61B1E6, v11;
	v12 =	vld.idx.msk [tilespmem:v9+s3+$0x0], $0xffff  }
0xdd: {  	v8 =	vmin.f32 v8, v11;
	v7 =	vadd.f32 v7, v14;
	v9 =	vld.idx.msk [tilespmem:v9+s2+$0x0], $0xffff;
	_ =	sdelay $0x1  }
0xde: {  	v7 =	vmin.f32 v8, v7;
	v8 =	vadd.f32 v15, v13  }
0xdf: {  	v6 =	vadd.f32 v10, v6;
	v7 =	vsub.f32 v7, v5;
	_ =	sdelay $0x1  }
0xe0: {  	v10 =	vld [tilespmem:s7+$0x0];
	v11 =	vsub.f32 $0.0e+00, v7;
	(xrf0) =	vmin.scan.msk.f32 $0xffff, v7  }
0xe1: {  	v7 =	vadd.f32 v12, v9  }
0xe2: {  	(xrf0) =	vmax.scan.msk.f32 $0xffff, v11  }
0xe3: {  	v6 =	vmin.f32 v7, v6;
	v7 =	vsel vm1, $0x7F61B1E6, v8  }
0xe4: {  	v8 =	vmin.f32 v6, v7  }
0xe5: {  	v7 =	vsub.f32 v10, v8  }
.Ltmp5:
0xe6: {  	v6, _, _ =	vpop (xrf0);
	(pc) =	sbr.rel @p0 .LBB2_20-.Ltmp5, $4  }
0xe7: {  	s13 =	sadd.s32 $0xFFFFFFF0, s9;
	v8 =	vadd.f32 $0.0e+00, v7  }
0xe8: {  	v9 =	vadd.s32 s13, v1;
	v11 =	vadd.s32 s13, v2;
	v7 =	vadd.s32 s13, v3;
	v10, _, _ =	vpop (xrf0)  }
0xe9: {  	vm2 =	vgt.s32 v9, $0x0;
	vm3 =	vgt.s32 v11, $0x0;
	v10 =	vsub.f32 $0.0e+00, v10;
	(xrf0) =	vmax.scan.msk.f32 $0xffff, v8  }
0xea: {  	s13 =	smov.u32 s12;
	v8 =	vnsel vm2, $0x0, v9;
	v9 =	vnsel vm3, $0x0, v11;
	vm2 =	vgt.s32 v7, $0x0  }
0xeb: {  	v3 =	vadd.f32 v10, v5;
	_ =	sdelay $0x1  }
0xec: {  	[tilespmem:s10+$0xFFFFFFF0] =	vst v3  }
0xed: {  	v2 =	vadd.s32 s9, v2;
	v3 =	vld [tilespmem:s11+$0x0]  }
0xee: {  	vm0 =	vgt.s32 v2, $0x0;
	v47, _, _ =	vpop (xrf0)  }
0xef: {  	v6 =	vbroadcast v6, $0xF;
	v2 =	vnsel vm0, $0x0, v2;
	v5 =	vsub.f32 $0.0e+00, v47  }
0xf0: {  	v2 =	vmin.u32 v2, $0x3FF  }
0xf1: {  	v9 =	vmin.u32 v9, $0x3FF;
	v5 =	vmin.f32 v5, v6  }
0xf2: {  	v48 =	vmin.u32 v8, $0x3FF;
	v3 =	vadd.f32 v5, v3;
	_ =	sdelay $0x1  }
0xf3: {  	v49 =	vnsel vm2, $0x0, v7;
	[tilespmem:s10+$0x0] =	vst v3  }
0xf4: {  	v50 =	vmin.u32 v49, $0x3FF;
	v51 =	vld.idx.msk [tilespmem:v2+s2+$0x0], $0xffff  }
0xf5: {  	v52 =	vld.idx.msk [tilespmem:v9+s2+$0x0], $0xffff  }
0xf6: {  	v4 =	vmin.u32 v4, $0x3FF;
	v8 =	vld.idx.msk [tilespmem:v48+s3+$0x0], $0xffff  }
0xf7: {  	v1 =	vadd.s32 s9, v1;
	v9 =	vld.idx.msk [tilespmem:v9+s4+$0x0], $0xffff  }
0xf8: {  	vm13 =	vgt.s32 v1, $0x0;
	v6 =	vld.idx.msk [tilespmem:v48+s2+$0x0], $0xffff  }
0xf9: {  	v1 =	vnsel vm13, $0x0, v1;
	v53 =	vld.idx.msk [tilespmem:v50+s2+$0x0], $0xffff  }
0xfa: {  	v1 =	vmin.u32 v1, $0x3FF;
	v3 =	vld.idx.msk [tilespmem:v50+s6+$0x0], $0xffff  }
0xfb: {  	v11 =	vld.idx.msk [tilespmem:v4+s6+$0x0], $0xffff  }
0xfc: {  	s26 =	sadd.s32 $0x20, s7;
	v4 =	vld.idx.msk [tilespmem:v4+s2+$0x0], $0xffff  }
0xfd: {  	v54 =	vld [tilespmem:s26+$0xFFFFFFF0];
	v7 =	vadd.f32 v9, v52  }
0xfe: {  	vm14 =	veq.s32 v0, $0x0;
	v2 =	vld.idx.msk [tilespmem:v2+s4+$0x0], $0xffff;
	v6 =	vadd.f32 v8, v6  }
0xff: {  	v55 =	vld.idx.msk [tilespmem:v1+s3+$0x0], $0xffff;
	v3 =	vadd.f32 v3, v53;
	v7 =	vsel vm14, $0x7F61B1E6, v7  }
0x100: {  	v1 =	vld.idx.msk [tilespmem:v1+s2+$0x0], $0xffff;
	v6 =	vmin.f32 v6, v7  }
0x101: {  	v3 =	vmin.f32 v6, v3  }
0x102: {  	v3 =	vsub.f32 v3, v54;
	_ =	sdelay $0x1  }
0x103: {  	v56 =	vld [tilespmem:s26+$0x0];
	v4 =	vadd.f32 v11, v4;
	v57 =	vsub.f32 $0.0e+00, v3  }
0x104: {  	v2 =	vadd.f32 v2, v51;
	v1 =	vadd.f32 v55, v1;
	(xrf0) =	vmin.scan.msk.f32 $0xffff, v3  }
0x105: {  	vm15 =	veq.s32 v0, $0xF;
	(xrf0) =	vmax.scan.msk.f32 $0xffff, v57  }
0x106: {  	v58 =	vmin.f32 v1, v2;
	v59 =	vsel vm15, $0x7F61B1E6, v4  }
0x107: {  	v0 =	vmin.f32 v58, v59  }
0x108: {  	v0 =	vsub.f32 v56, v0;
	_ =	sdelay $0x1  }
0x109: {  	v0 =	vadd.f32 $0.0e+00, v0;
	v60, _, _ =	vpop (xrf0)  }
0x10a: {  	v61, _, _ =	vpop (xrf0)  }
0x10b: {  	(xrf0) =	vmax.scan.msk.f32 $0xffff, v0;
	v2 =	vsub.f32 $0.0e+00, v61;
	_ =	sdelay $0x1  }
0x10c: {  	v62 =	vadd.f32 v2, v54  }
0x10d: {  	s28 =	sadd.s32 $0x20, s8  }
0x10e: {  	[tilespmem:s28+$0xFFFFFFF0] =	vst v62  }
0x10f: {  	v0 =	vld [tilespmem:s26+$0x0]  }
0x110: {  	v63, _, _ =	vpop (xrf0)  }
0x111: {  	v1 =	vbroadcast v60, $0xF;
	v2 =	vsub.f32 $0.0e+00, v63;
	_ =	sdelay $0x1  }
0x112: {  	v1 =	vmin.f32 v2, v1  }
0x113: {  	v0 =	vadd.f32 v1, v0  }
0x114: {  	s29 =	simm.s32 $0x0  }
.Ltmp6:
0x115: {  	s30 =	simm.s32 $0x3FF0;
	s31 =	simm.s32 $0x1;
	[tilespmem:s28+$0x0] =	vst v0;
	(pc) =	sbr.rel .LBB2_22-.Ltmp6, $4  }
0x116: {  	[hbm4b:s5+s29] =	stream.linear.scatter [tilespmem:s30], [sflag:$0x1], $0x10, $0x38;
	[tilespmem:$0x5000] =	vst v63  }
0x117: {  	_ =	swait.ge [sflag:s31], $0x10  }
0x118: {  	[sflag:s31] =	ssyncset.done $0x0  }
0x119: {  	[sflag:s31] =	ssyncadd.s32 $0xFFFFFFF0  }
.LBB2_2:
0x11a: {  	s6 =	simm.s32 $0x0  }
0x11b: {  	v0 =	vld [tilespmem:s6+$0x0];
	_ =	sdelay $0x1  }
0x11c: {  	s5 =	simm.s32 $0x10  }
0x11d: {  	v1 =	vld [tilespmem:s5+$0x0];
	_ =	sdelay $0x1  }
0x11e: {  	v0 =	vsub.f32 $0.0e+00, v0;
	_ =	sdelay $0x1  }
0x11f: {  	v0 =	vmul.f32 $1.442695020e+00, v0  }
0x120: {  	v1 =	vsub.f32 $0.0e+00, v1  }
0x121: {  	s7 =	simm.s32 $0x20;
	(erf) = vpow2.f32 v0  }
0x122: {  	v0 =	vmul.f32 $1.442695020e+00, v1;
	v1 =	vld [tilespmem:s7+$0x0];
	_ =	sdelay $0x1  }
0x123: {  	(erf) = vpow2.f32 v0  }
0x124: {  	s8 =	simm.s32 $0x30  }
0x125: {  	v0 =	vld [tilespmem:s8+$0x0]  }
0x126: {  	v1 =	vsub.f32 $0.0e+00, v1;
	_ =	sdelay $0x1  }
0x127: {  	v1 =	vmul.f32 $1.442695020e+00, v1  }
0x128: {  	v2 =	vpop (erf)  }
0x129: {  	v0 =	vsub.f32 $0.0e+00, v0;
	v2 =	vadd.f32 $1.000000000e+00, v2  }
0x12a: {  	(erf) = vpow2.f32 v1  }
0x12b: {  	v0 =	vmul.f32 $1.442695020e+00, v0;
	v1 =	vpop (erf);
	(erf) = vrcp.f32 v2  }
0x12c: {  	s9 =	simm.s32 $0x40;
	v1 =	vadd.f32 $1.000000000e+00, v1  }
0x12d: {  	(erf) = vpow2.f32 v0;
	v0 =	vld [tilespmem:s9+$0x0]  }
0x12e: {  	(erf) = vrcp.f32 v1;
	_ =	sdelay $0x2  }
0x12f: {  	s10 =	simm.s32 $0x140  }
.LBB2_3:
0x130: {  	s11 =	sshra.s32 s10, $0x2;
	v1 =	vsub.f32 $0.0e+00, v0;
	p0 =	sne.s32 s10, $0xFC0  }
.Ltmp7:
0x131: {  	s10 =	sadd.s32 $0x40, s10;
	v0 =	vld [tilespmem:s11+$0x0];
	v2 =	vpop (erf);
	(pc) =	sbr.rel @p0 .LBB2_3-.Ltmp7, $4  }
0x132: {  	v1 =	vmul.f32 $1.442695020e+00, v1;
	v3 =	vpop (erf)  }
0x133: {  	v2 =	vadd.f32 $1.000000000e+00, v2;
	[tilespmem:s6+$0x400] =	vst v3;
	s6 =	smov.u32 s5;
	s5 =	smov.u32 s7;
	s7 =	smov.u32 s8  }
0x134: {  	s8 =	smov.u32 s9;
	s9 =	smov.u32 s11;
	(erf) = vpow2.f32 v1  }
0x135: {  	(erf) = vrcp.f32 v2  }
0x136: {  	v0 =	vsub.f32 $0.0e+00, v0;
	_ =	sdelay $0x1  }
0x137: {  	v0 =	vmul.f32 $1.442695020e+00, v0;
	_ =	sdelay $0x1  }
0x138: {  	(erf) = vpow2.f32 v0;
	_ =	sdelay $0x4  }
0x139: {  	v0 =	vpop (erf)  }
0x13a: {  	v4 =	vpop (erf)  }
0x13b: {  	v1 =	vpop (erf)  }
0x13c: {  	v0 =	vadd.f32 $1.000000000e+00, v0;
	v5 =	vpop (erf)  }
0x13d: {  	v1 =	vadd.f32 $1.000000000e+00, v1;
	v2 =	vpop (erf)  }
0x13e: {  	(erf) = vrcp.f32 v0;
	v0 =	vadd.f32 $1.000000000e+00, v2  }
0x13f: {  	(erf) = vrcp.f32 v1  }
0x140: {  	(erf) = vrcp.f32 v0;
	_ =	sdelay $0x2  }
0x141: {  	v0 =	vlaneseq.u32  }
0x142: {  	s10 =	simm.s32 $0x0;
	v1 =	vadd.s32 $0x1, v0  }
0x143: {  	v2 =	vor.u32 $0x20, v0;
	v3 =	vadd.s32 $0x21, v0;
	v6 =	vadd.s32 s10, v1  }
0x144: {  	[tilespmem:s6+$0x400] =	vst v4;
	v4 =	vadd.s32 $0x1F, v0;
	v7 =	vadd.s32 s10, v3;
	vm0 =	vlt.s32 v6, $0x3FF  }
0x145: {  	[tilespmem:s5+$0x400] =	vst v5;
	v5 =	vpop (erf);
	v8 =	vadd.s32 s10, v2;
	v6 =	vnsel vm0, $0x3FF, v6;
	vm0 =	vlt.s32 v7, $0x3FF  }
0x146: {  	v9 =	vadd.s32 s10, v4;
	[tilespmem:s7+$0x400] =	vst v5;
	v5 =	vpop (erf);
	v7 =	vnsel vm0, $0x3FF, v7;
	vm0 =	vlt.s32 v8, $0x3FF  }
0x147: {  	[tilespmem:s8+$0x400] =	vst v5;
	v8 =	vnsel vm0, $0x3FF, v8;
	vm0 =	vlt.s32 v9, $0x3FF;
	v5 =	vpop (erf)  }
0x148: {  	s5 =	simm.s32 $0x400;
	[tilespmem:s9+$0x400] =	vst v5;
	v5 =	vnsel vm0, $0x3FF, v9  }
0x149: {  	v9 =	vld [tilespmem:s5+$0x0]  }
0x14a: {  	v6 =	vld.idx.msk [tilespmem:v6+s5+$0x0], $0xffff  }
0x14b: {  	v7 =	vld.idx.msk [tilespmem:v7+s5+$0x0], $0xffff  }
0x14c: {  	v8 =	vld.idx.msk [tilespmem:v8+s5+$0x0], $0xffff  }
0x14d: {  	v10 =	vld.idx.msk [tilespmem:v5+s5+$0x0], $0xffff;
	_ =	sdelay $0x1  }
0x14e: {  	s31 =	sand.u32 $0x10, s10;
	v5 =	vmul.u32 $0xFFFFFFFF, v0;
	v6 =	vsub.f32 v9, v6  }
0x14f: {  	v11 =	vmov s31;
	vm0 =	vmxor vm0, vm0;
	v7 =	vsub.f32 v9, v7  }
0x150: {  	v8 =	vsub.f32 v9, v8;
	v5 =	vadd.s32 $0x1F, v5;
	v6 =	vmul.f32 v6, v6  }
0x151: {  	v7 =	vmul.f32 v7, v7;
	vm1 =	vne.s32 v11, v5;
	v9 =	vsub.f32 v9, v10  }
0x152: {  	vm2 =	vmmov vm0;
	v8 =	vmul.f32 v8, v8;
	v10 =	vnsel vm1, $0x0, v6  }
0x153: {  	p0 =	por $0x1, $0x1;
	v7 =	vsub.f32 $0.0e+00, v7;
	v6 =	vmul.f32 v9, v9;
	v9 =	vsub.f32 $0.0e+00, v10  }
0x154: {  	vm2 =	vmneg @p0 vm2;
	v8 =	vsub.f32 $0.0e+00, v8  }
0x155: {  	v7 =	vmul.f32 $1.442695020e+00, v7;
	v6 =	vsub.f32 $0.0e+00, v6;
	v9 =	vmul.f32 $1.442695020e+00, v9  }
0x156: {  	vm3 =	vne.s32 v11, v0;
	vm1 =	vmand vm2, vm1;
	v8 =	vmul.f32 $1.442695020e+00, v8  }
0x157: {  	v7 =	vnsel vm1, $0x0, v7;
	v6 =	vmul.f32 $1.442695020e+00, v6;
	(erf) = vpow2.f32 v9  }
0x158: {  	vm1 =	vmand vm2, vm3;
	v8 =	vpsel !p0, $0x0, v8;
	(erf) = vpow2.f32 v7  }
0x159: {  	s11 =	simm.s32 $0x10;
	v6 =	vnsel vm1, $0x0, v6;
	(erf) = vpow2.f32 v8  }
0x15a: {  	s14 =	simm.s32 $0x1C00;
	s15 =	simm.s32 $0x2000;
	s13 =	simm.s32 $0x2400;
	v11 =	vadd.s32 s11, v2;
	v7 =	vadd.s32 s11, v1;
	(erf) = vpow2.f32 v6  }
0x15b: {  	s12 =	simm.s32 $0x1;
	s16 =	simm.s32 $0x2;
	s17 =	simm.s32 $0x400;
	vm2 =	vlt.s32 v11, $0x3FF;
	vm1 =	vlt.s32 v7, $0x3FF;
	v8 =	vadd.s32 s11, v3  }
0x15c: {  	s18 =	simm.s32 $0x1800;
	s6 =	simm.s32 $0x1800;
	s7 =	simm.s32 $0x800;
	v9 =	vadd.s32 s11, v4;
	v6 =	vnsel vm1, $0x3FF, v7;
	vm1 =	vlt.s32 v8, $0x3FF  }
0x15d: {  	s10 =	simm.s32 $0x2410;
	s8 =	simm.s32 $0x2010;
	s9 =	simm.s32 $0x1C10;
	[tilespmem:s7+$0x0] =	vst v10;
	v7 =	vnsel vm1, $0x3FF, v8;
	v8 =	vnsel vm2, $0x3FF, v11;
	vm1 =	vlt.s32 v9, $0x3FF  }
.LBB2_5:
0x15e: {  	v9 =	vnsel vm1, $0x3FF, v9;
	s17 =	sadd.s32 $0x10, s17;
	s7 =	sadd.s32 $0x10, s7;
	s6 =	sadd.s32 $0x10, s6  }
0x15f: {  	p0 =	sne.s32 s16, $0x3F;
	s19 =	smov.u32 s16;
	s16 =	sadd.s32 $0x1, s16  }
0x160: {  	v10 =	vpop (erf)  }
0x161: {  	[tilespmem:s18+$0x0] =	vst v10;
	v10 =	vpop (erf);
	s18 =	smov.u32 s6  }
0x162: {  	[tilespmem:s14+$0x0] =	vst v10;
	v10 =	vpop (erf);
	s14 =	smov.u32 s9  }
0x163: {  	[tilespmem:s15+$0x0] =	vst v10;
	v10 =	vpop (erf);
	s15 =	smov.u32 s8  }
0x164: {  	[tilespmem:s13+$0x0] =	vst v10;
	s13 =	smov.u32 s10  }
0x165: {  	v10 =	vld [tilespmem:s17+$0x0]  }
0x166: {  	v6 =	vld.idx.msk [tilespmem:v6+s5+$0x0], $0xffff  }
0x167: {  	s20 =	sand.u32 $0x10, s11;
	v7 =	vld.idx.msk [tilespmem:v7+s5+$0x0], $0xffff  }
0x168: {  	v11 =	vmov s20;
	v8 =	vld.idx.msk [tilespmem:v8+s5+$0x0], $0xffff  }
0x169: {  	vm1 =	vne.s32 v11, v5;
	v9 =	vld.idx.msk [tilespmem:v9+s5+$0x0], $0xffff;
	_ =	sdelay $0x1  }
0x16a: {  	s20 =	sshrl.u32 s12, $0x1;
	s12 =	smov.u32 s19  }
0x16b: {  	p1 =	slt.s32 s20, $0x1F;
	v6 =	vsub.f32 v10, v6  }
0x16c: {  	vm2 =	vmmov vm0;
	v7 =	vsub.f32 v10, v7  }
0x16d: {  	vm2 =	vmneg @p1 vm2;
	v8 =	vsub.f32 v10, v8;
	v6 =	vmul.f32 v6, v6  }
0x16e: {  	vm3 =	vmand vm2, vm1;
	v9 =	vsub.f32 v10, v9;
	v7 =	vmul.f32 v7, v7  }
0x16f: {  	v6 =	vnsel vm1, $0x0, v6;
	v8 =	vmul.f32 v8, v8  }
0x170: {  	v9 =	vmul.f32 v9, v9;
	v7 =	vsub.f32 $0.0e+00, v7;
	[tilespmem:s7+$0x0] =	vst v6;
	v6 =	vsub.f32 $0.0e+00, v6  }
0x171: {  	v8 =	vsub.f32 $0.0e+00, v8  }
0x172: {  	v7 =	vmul.f32 $1.442695020e+00, v7;
	v9 =	vsub.f32 $0.0e+00, v9;
	v6 =	vmul.f32 $1.442695020e+00, v6  }
0x173: {  	vm1 =	vne.s32 v11, v0;
	v8 =	vmul.f32 $1.442695020e+00, v8  }
0x174: {  	v7 =	vnsel vm3, $0x0, v7;
	v9 =	vmul.f32 $1.442695020e+00, v9;
	(erf) = vpow2.f32 v6  }
0x175: {  	s11 =	sadd.s32 $0x10, s11;
	vm1 =	vmand vm2, vm1;
	v6 =	vpsel !p1, $0x0, v8;
	(erf) = vpow2.f32 v7  }
.Ltmp8:
0x176: {  	v7 =	vadd.s32 s11, v1;
	v8 =	vnsel vm1, $0x0, v9;
	(erf) = vpow2.f32 v6;
	(pc) =	sbr.rel @p0 .LBB2_5-.Ltmp8, $4  }
0x177: {  	v9 =	vadd.s32 s11, v3;
	vm1 =	vlt.s32 v7, $0x3FF;
	(erf) = vpow2.f32 v8  }
0x178: {  	v6 =	vnsel vm1, $0x3FF, v7;
	v8 =	vadd.s32 s11, v2;
	vm1 =	vlt.s32 v9, $0x3FF  }
0x179: {  	v7 =	vnsel vm1, $0x3FF, v9;
	vm1 =	vlt.s32 v8, $0x3FF;
	v9 =	vadd.s32 s11, v4  }
0x17a: {  	s9 =	sadd.s32 $0x10, s9;
	s8 =	sadd.s32 $0x10, s8;
	s10 =	sadd.s32 $0x10, s10;
	v8 =	vnsel vm1, $0x3FF, v8;
	vm1 =	vlt.s32 v9, $0x3FF  }
0x17b: {  	_ =	sdelay $0x1  }
0x17c: {  	v1 =	vpop (erf)  }
0x17d: {  	[tilespmem:s18+$0x0] =	vst v1;
	v1 =	vpop (erf)  }
0x17e: {  	[tilespmem:s14+$0x0] =	vst v1;
	v1 =	vpop (erf)  }
0x17f: {  	[tilespmem:s15+$0x0] =	vst v1;
	v1 =	vpop (erf)  }
0x180: {  	v2 =	vnsel vm1, $0x3FF, v9;
	s24 =	sadd.s32 $0x10, s17;
	[tilespmem:s13+$0x0] =	vst v1  }
0x181: {  	v1 =	vld [tilespmem:s24+$0x0]  }
0x182: {  	v3 =	vld.idx.msk [tilespmem:v6+s5+$0x0], $0xffff  }
0x183: {  	v4 =	vld.idx.msk [tilespmem:v7+s5+$0x0], $0xffff  }
0x184: {  	v62 =	vld.idx.msk [tilespmem:v8+s5+$0x0], $0xffff  }
0x185: {  	v2 =	vld.idx.msk [tilespmem:v2+s5+$0x0], $0xffff;
	_ =	sdelay $0x1  }
0x186: {  	v3 =	vsub.f32 v1, v3  }
0x187: {  	s25 =	sand.u32 $0x10, s11;
	v4 =	vsub.f32 v1, v4  }
0x188: {  	v63 =	vmov s25;
	v6 =	vsub.f32 v1, v62;
	v3 =	vmul.f32 v3, v3  }
0x189: {  	vm1 =	vne.s32 v63, v5;
	v1 =	vsub.f32 v1, v2;
	v2 =	vmul.f32 v4, v4  }
0x18a: {  	s26 =	sshrl.u32 s12, $0x1;
	v4 =	vmul.f32 v6, v6;
	v3 =	vnsel vm1, $0x0, v3  }
0x18b: {  	p0 =	slt.s32 s26, $0x1F;
	v1 =	vmul.f32 v1, v1;
	v2 =	vsub.f32 $0.0e+00, v2;
	v5 =	vsub.f32 $0.0e+00, v3  }
0x18c: {  	vm0 =	vmneg @p0 vm0;
	v4 =	vsub.f32 $0.0e+00, v4  }
0x18d: {  	v1 =	vsub.f32 $0.0e+00, v1;
	v2 =	vmul.f32 $1.442695020e+00, v2;
	v5 =	vmul.f32 $1.442695020e+00, v5  }
0x18e: {  	vm2 =	vne.s32 v63, v0;
	vm1 =	vmand vm0, vm1;
	v0 =	vmul.f32 $1.442695020e+00, v4  }
0x18f: {  	v1 =	vmul.f32 $1.442695020e+00, v1;
	v2 =	vnsel vm1, $0x0, v2;
	(erf) = vpow2.f32 v5  }
0x190: {  	vm0 =	vmand vm0, vm2;
	v0 =	vpsel !p0, $0x0, v0;
	(erf) = vpow2.f32 v2  }
0x191: {  	v1 =	vnsel vm0, $0x0, v1;
	(erf) = vpow2.f32 v0  }
0x192: {  	(erf) = vpow2.f32 v1  }
0x193: {  	v0 =	vlaneseq.u32  }
0x194: {  	s28 =	simm.s32 $0x0;
	v1 =	vadd.s32 $0xFFFFFFFF, v0  }
0x195: {  	v2 =	vadd.s32 s28, v1  }
0x196: {  	vm0 =	vgt.s32 v2, $0x0  }
0x197: {  	s29 =	sadd.s32 $0x10, s7;
	v2 =	vnsel vm0, $0x0, v2  }
0x198: {  	s6 =	sadd.s32 $0x10, s6;
	[tilespmem:s29+$0x0] =	vst v3;
	v2 =	vmin.u32 v2, $0x3FF;
	v3 =	vpop (erf)  }
0x199: {  	[tilespmem:s6+$0x0] =	vst v3;
	v3 =	vpop (erf)  }
0x19a: {  	[tilespmem:s9+$0x0] =	vst v3;
	v3 =	vpop (erf)  }
0x19b: {  	[tilespmem:s8+$0x0] =	vst v3;
	v3 =	vpop (erf)  }
0x19c: {  	s5 =	simm.s32 $0x800;
	[tilespmem:s10+$0x0] =	vst v3  }
0x19d: {  	v2 =	vld.idx.msk [tilespmem:v2+s5+$0x0], $0xffff;
	_ =	sdelay $0x1  }
0x19e: {  	s30 =	simm.s32 $0x80F  }
0x19f: {  	v3 =	vld [tilespmem:s30+$0x0]  }
0x1a0: {  	vm0 =	veq.s32 v0, $0x0  }
0x1a1: {  	v2 =	vsel vm0, $0x0, v2  }
0x1a2: {  	(xrf2) =	vadd.scan.msk.f32 $0xffff, v2;
	_ =	sdelay $0x1  }
0x1a3: {  	(xrf2) =	vadd.scan.msk.f32 $0xffff, v3;
	_ =	sdelay $0x7  }
0x1a4: {  	v2, _, _ =	vpop (xrf2)  }
0x1a5: {  	v3 =	vbroadcast v2, $0xF  }
0x1a6: {  	v4, _, _ =	vpop (xrf2)  }
0x1a7: {  	v3 =	vadd.f32 v3, v4;
	v4 =	vmul.f32 $1.442695020e+00, v2;
	_ =	sdelay $0x1  }
0x1a8: {  	(erf) = vpow2.f32 v4  }
0x1a9: {  	v2 =	vsub.f32 $0.0e+00, v2  }
0x1aa: {  	v5 =	vmul.f32 $1.442695020e+00, v3  }
0x1ab: {  	v2 =	vmul.f32 $1.442695020e+00, v2  }
0x1ac: {  	(erf) = vpow2.f32 v5  }
0x1ad: {  	(erf) = vpow2.f32 v2;
	v2 =	vsub.f32 $0.0e+00, v3;
	_ =	sdelay $0x1  }
0x1ae: {  	v2 =	vmul.f32 $1.442695020e+00, v2;
	_ =	sdelay $0x1  }
0x1af: {  	v4 =	vpop (erf);
	(erf) = vpow2.f32 v2  }
0x1b0: {  	s31 =	simm.s32 $0x20  }
0x1b1: {  	v3 =	vadd.s32 s31, v1  }
0x1b2: {  	vm1 =	vgt.s32 v3, $0x0  }
0x1b3: {  	v3 =	vnsel vm1, $0x0, v3  }
0x1b4: {  	s6 =	simm.s32 $0x2C10  }
0x1b5: {  	s11 =	simm.s32 $0x40;
	v2 =	vmin.u32 v3, $0x3FF;
	[tilespmem:s6+$0xFFFFFFF0] =	vst v4;
	v4 =	vpop (erf)  }
0x1b6: {  	s7 =	simm.s32 $0x3010;
	s9 =	simm.s32 $0x82F;
	s8 =	simm.s32 $0x3010;
	[tilespmem:s6+$0x0] =	vst v4;
	v3 =	vpop (erf)  }
.LBB2_7:
0x1b7: {  	s7 =	sadd.s32 $0x20, s7  }
0x1b8: {  	[tilespmem:s8+$0xFFFFFFF0] =	vst v3;
	s6 =	sadd.s32 $0x20, s6;
	v3 =	vpop (erf);
	s12 =	smov.u32 s11;
	s10 =	sadd.s32 $0x20, s11  }
0x1b9: {  	p0 =	sne.s32 s11, $0x3E0;
	[tilespmem:s8+$0x0] =	vst v3;
	s8 =	smov.u32 s7  }
0x1ba: {  	v2 =	vld.idx.msk [tilespmem:v2+s5+$0x0], $0xffff;
	_ =	sdelay $0x3  }
0x1bb: {  	v3 =	vld [tilespmem:s9+$0x0];
	_ =	sdelay $0x1  }
0x1bc: {  	v2 =	vsel vm0, $0x0, v2  }
0x1bd: {  	(xrf2) =	vadd.scan.msk.f32 $0xffff, v2;
	_ =	sdelay $0x2  }
0x1be: {  	(xrf2) =	vadd.scan.msk.f32 $0xffff, v3;
	_ =	sdelay $0x6  }
0x1bf: {  	v2, _, _ =	vpop (xrf2)  }
0x1c0: {  	v3 =	vbroadcast v2, $0xF;
	v4 =	vmul.f32 $1.442695020e+00, v2;
	v2 =	vsub.f32 $0.0e+00, v2;
	_ =	sdelay $0x1  }
0x1c1: {  	v2 =	vmul.f32 $1.442695020e+00, v2;
	v5, _, _ =	vpop (xrf2);
	(erf) = vpow2.f32 v4  }
0x1c2: {  	v3 =	vadd.f32 v3, v5;
	_ =	sdelay $0x1  }
0x1c3: {  	v4 =	vmul.f32 $1.442695020e+00, v3;
	v3 =	vsub.f32 $0.0e+00, v3;
	_ =	sdelay $0x1  }
0x1c4: {  	v3 =	vmul.f32 $1.442695020e+00, v3;
	(erf) = vpow2.f32 v4  }
0x1c5: {  	(erf) = vpow2.f32 v2  }
0x1c6: {  	(erf) = vpow2.f32 v3;
	_ =	sdelay $0x1  }
0x1c7: {  	v2 =	vpop (erf)  }
0x1c8: {  	v3 =	vadd.s32 s12, v1;
	[tilespmem:s6+$0xFFFFFFF0] =	vst v2  }
.Ltmp9:
0x1c9: {  	vm1 =	vgt.s32 v3, $0x0;
	(pc) =	sbr.rel @p0 .LBB2_7-.Ltmp9, $4  }
0x1ca: {  	v2 =	vnsel vm1, $0x0, v3  }
0x1cb: {  	v2 =	vmin.u32 v2, $0x3FF  }
0x1cc: {  	v3 =	vpop (erf)  }
0x1cd: {  	s11 =	smov.u32 s10;
	s9 =	sadd.s32 $0x20, s9;
	[tilespmem:s6+$0x0] =	vst v3;
	v3 =	vpop (erf)  }
0x1ce: {  	_ =	sdelay $0x1  }
0x1cf: {  	[tilespmem:s8+$0xFFFFFFF0] =	vst v3;
	v1 =	vpop (erf)  }
0x1d0: {  	[tilespmem:s8+$0x0] =	vst v1  }
0x1d1: {  	v1 =	vld.idx.msk [tilespmem:v2+s5+$0x0], $0xffff;
	_ =	sdelay $0x2  }
0x1d2: {  	v2 =	vld [tilespmem:s9+$0x0]  }
0x1d3: {  	vm0 =	veq.s32 v0, $0x0  }
0x1d4: {  	v0 =	vsel vm0, $0x0, v1  }
0x1d5: {  	(xrf2) =	vadd.scan.msk.f32 $0xffff, v0;
	_ =	sdelay $0x1  }
0x1d6: {  	(xrf2) =	vadd.scan.msk.f32 $0xffff, v2;
	_ =	sdelay $0x7  }
0x1d7: {  	v0, _, _ =	vpop (xrf2)  }
0x1d8: {  	v1 =	vbroadcast v0, $0xF  }
0x1d9: {  	v2, _, _ =	vpop (xrf2)  }
0x1da: {  	v1 =	vadd.f32 v1, v2  }
0x1db: {  	v2 =	vmul.f32 $1.442695020e+00, v0;
	v0 =	vsub.f32 $0.0e+00, v0  }
0x1dc: {  	v3 =	vmul.f32 $1.442695020e+00, v1;
	v1 =	vsub.f32 $0.0e+00, v1  }
0x1dd: {  	v0 =	vmul.f32 $1.442695020e+00, v0;
	(erf) = vpow2.f32 v2  }
0x1de: {  	v1 =	vmul.f32 $1.442695020e+00, v1;
	(erf) = vpow2.f32 v3  }
0x1df: {  	(erf) = vpow2.f32 v0  }
0x1e0: {  	(erf) = vpow2.f32 v1;
	_ =	sdelay $0x5  }
0x1e1: {  	s28 =	sadd.s32 $0x20, s6;
	v0 =	vpop (erf)  }
0x1e2: {  	[tilespmem:s28+$0xFFFFFFF0] =	vst v0;
	v0 =	vpop (erf)  }
0x1e3: {  	s29 =	sadd.s32 $0x20, s7;
	v3 =	vlaneseq.u32;
	[tilespmem:s28+$0x0] =	vst v0;
	v0 =	vpop (erf)  }
0x1e4: {  	s30 =	simm.s32 $0x30;
	v2 =	vadd.s32 $0xFFFFFFDF, v3;
	[tilespmem:s29+$0xFFFFFFF0] =	vst v0;
	v0 =	vpop (erf)  }
0x1e5: {  	v4 =	vadd.s32 s30, v2;
	[tilespmem:s29+$0x0] =	vst v0  }
0x1e6: {  	v1 =	vor.u32 $0xFFFFFFE0, v3;
	vm11 =	vgt.s32 v4, $0x0;
	v5 =	vld [tilespmem:$0x3000]  }
0x1e7: {  	v8 =	vadd.s32 s30, v1;
	v4 =	vnsel vm11, $0x0, v4;
	v0 =	vadd.s32 $0xFFFFFFE1, v3;
	v6 =	vld [tilespmem:$0x3010]  }
0x1e8: {  	vm1 =	vgt.s32 v8, $0x0;
	v4 =	vmin.u32 v4, $0x3FF;
	v7 =	vadd.s32 s30, v0  }
0x1e9: {  	v8 =	vnsel vm1, $0x0, v8;
	vm12 =	vgt.s32 v7, $0x0  }
0x1ea: {  	s31 =	simm.s32 $0x20;
	v12 =	vmin.u32 v8, $0x3FF;
	v7 =	vnsel vm12, $0x0, v7  }
0x1eb: {  	v9 =	vadd.s32 s31, v2;
	v11 =	vmin.u32 v7, $0x3FF;
	[tilespmem:$0x3400] =	vst v5  }
0x1ec: {  	s8 =	simm.s32 $0x1C00;
	vm13 =	vgt.s32 v9, $0x0;
	[tilespmem:$0x3410] =	vst v6  }
0x1ed: {  	s7 =	simm.s32 $0x3400;
	v5 =	vnsel vm13, $0x0, v9;
	v6 =	vadd.s32 s31, v1;
	v10 =	vld.idx.msk [tilespmem:v4+s8+$0x0], $0xffff  }
0x1ee: {  	v5 =	vmin.u32 v5, $0x3FF;
	vm14 =	vgt.s32 v6, $0x0;
	v13 =	vld.idx.msk [tilespmem:v4+s7+$0x0], $0xffff  }
0x1ef: {  	v7 =	vld.idx.msk [tilespmem:v12+s7+$0x0], $0xffff;
	v6 =	vnsel vm14, $0x0, v6  }
0x1f0: {  	s9 =	simm.s32 $0x2400;
	v14 =	vadd.s32 s31, v0;
	v4 =	vmin.u32 v6, $0x3FF;
	v9 =	vld.idx.msk [tilespmem:v11+s7+$0x0], $0xffff  }
0x1f1: {  	s10 =	simm.s32 $0x2000;
	vm15 =	vgt.s32 v14, $0x0;
	v6 =	vld.idx.msk [tilespmem:v11+s9+$0x0], $0xffff  }
0x1f2: {  	v14 =	vnsel vm15, $0x0, v14;
	v11 =	vld.idx.msk [tilespmem:v12+s10+$0x0], $0xffff  }
0x1f3: {  	s6 =	simm.s32 $0x3030;
	s12 =	simm.s32 $0x3430;
	v15 =	vmin.u32 v14, $0x3FF;
	v8 =	vld.idx.msk [tilespmem:v5+s7+$0x0], $0xffff  }
0x1f4: {  	s15 =	simm.s32 $0x2C30;
	s13 =	simm.s32 $0x50;
	s18 =	simm.s32 $0x70;
	v14 =	vld.idx.msk [tilespmem:v5+s8+$0x0], $0xffff  }
0x1f5: {  	s11 =	simm.s32 $0x2C50;
	s14 =	simm.s32 $0x3030;
	s5 =	simm.s32 $0x3450;
	v12 =	vld.idx.msk [tilespmem:v4+s7+$0x0], $0xffff  }
.LBB2_9:
0x1f6: {  	s19 =	sadd.s32 $0xFFFFFFF0, s13  }
0x1f7: {  	v16 =	vld.idx.msk [tilespmem:v4+s10+$0x0], $0xffff;
	v10 =	vmul.f32 v10, v13;
	s6 =	sadd.s32 $0x20, s6;
	s17 =	smov.u32 s18;
	s16 =	sadd.s32 $0x20, s18  }
0x1f8: {  	p0 =	sne.s32 s18, $0x3F0;
	v4 =	vadd.s32 s19, v1;
	v5 =	vadd.s32 s19, v2;
	v13 =	vadd.s32 s19, v0;
	v17 =	vld.idx.msk [tilespmem:v15+s9+$0x0], $0xffff  }
0x1f9: {  	v9 =	vmul.f32 v6, v9;
	vm0 =	vgt.s32 v4, $0x0;
	vm1 =	vgt.s32 v5, $0x0;
	v15 =	vld.idx.msk [tilespmem:v15+s7+$0x0], $0xffff  }
0x1fa: {  	v4 =	vnsel vm0, $0x0, v4;
	v5 =	vnsel vm1, $0x0, v5;
	vm0 =	vgt.s32 v13, $0x0  }
0x1fb: {  	v4 =	vmin.u32 v4, $0x3FF;
	v5 =	vmin.u32 v5, $0x3FF;
	v6 =	vnsel vm0, $0x0, v13  }
0x1fc: {  	v7 =	vmul.f32 v11, v7;
	v8 =	vmul.f32 v14, v8  }
0x1fd: {  	vm0 =	veq.s32 v3, $0x0;
	v11 =	vmul.f32 v16, v12;
	v12 =	vld [tilespmem:s15+$0x0]  }
0x1fe: {  	vm1 =	veq.s32 v3, $0xF;
	v7 =	vadd.f32 v10, v7;
	v8 =	vsel vm0, $0x0, v8;
	v13 =	vld [tilespmem:s15+$0xFFFFFFF0];
	s15 =	smov.u32 s11  }
0x1ff: {  	v9 =	vsel vm1, $0x0, v9;
	v8 =	vadd.f32 v8, v11;
	v10 =	vmul.f32 v17, v15  }
0x200: {  	v7 =	vadd.f32 v9, v7  }
0x201: {  	v8 =	vadd.f32 v10, v8  }
0x202: {  	v7 =	vmul.f32 v7, v12  }
0x203: {  	v8 =	vmul.f32 v8, v13  }
0x204: {  	(xrf0) =	vmax.scan.msk.f32 $0xffff, v7  }
0x205: {  	(xrf0) =	vmax.scan.msk.f32 $0xffff, v8;
	_ =	sdelay $0x4  }
0x206: {  	v9, _, _ =	vpop (xrf0)  }
0x207: {  	v10, _, _ =	vpop (xrf0);
	(v2sf) =	vpush v9, $0xF  }
0x208: {  	(v2sf) =	vpush v10, $0xF;
	_ =	sdelay $0xd  }
0x209: {  	s18 =	spop (v2sf)  }
0x20a: {  	s19 =	spop (v2sf)  }
0x20b: {  	s18 =	smax.f32 s19, s18  }
0x20c: {  	v9 =	vmov s18  }
0x20d: {  	(erf) = vrcp.f32 v9;
	_ =	sdelay $0x8  }
0x20e: {  	v9 =	vpop (erf)  }
0x20f: {  	v8 =	vmul.f32 v9, v8;
	v7 =	vmul.f32 v9, v7;
	_ =	sdelay $0x1  }
0x210: {  	(xrf2) =	vadd.scan.msk.f32 $0xffff, v8;
	_ =	sdelay $0x5  }
0x211: {  	v8 =	vld [tilespmem:s14+$0xFFFFFFF0];
	_ =	sdelay $0x1  }
0x212: {  	(xrf2) =	vadd.scan.msk.f32 $0xffff, v7;
	_ =	sdelay $0x1  }
0x213: {  	v7, _, _ =	vpop (xrf2)  }
0x214: {  	v9 =	vbroadcast v7, $0xF;
	v7 =	vmul.f32 v7, v8;
	_ =	sdelay $0x1  }
0x215: {  	v7 =	vmul.f32 s18, v7;
	_ =	sdelay $0x1  }
0x216: {  	[tilespmem:s12+$0xFFFFFFF0] =	vst v7  }
0x217: {  	v7 =	vld [tilespmem:s14+$0x0];
	s14 =	smov.u32 s6;
	_ =	sdelay $0x1  }
0x218: {  	v8 =	vadd.s32 s13, v2;
	v10, _, _ =	vpop (xrf2)  }
0x219: {  	vm2 =	vgt.s32 v8, $0x0;
	v9 =	vadd.f32 v9, v10  }
0x21a: {  	v11 =	vadd.s32 s13, v0;
	v8 =	vnsel vm2, $0x0, v8;
	v10 =	vadd.s32 s13, v1;
	s13 =	smov.u32 s17  }
0x21b: {  	vm2 =	vgt.s32 v11, $0x0;
	v8 =	vmin.u32 v8, $0x3FF;
	v7 =	vmul.f32 v9, v7  }
0x21c: {  	vm3 =	vgt.s32 v10, $0x0;
	v9 =	vnsel vm2, $0x0, v11  }
0x21d: {  	v10 =	vnsel vm3, $0x0, v10;
	v11 =	vmin.u32 v9, $0x3FF;
	v7 =	vmul.f32 s18, v7  }
0x21e: {  	v12 =	vmin.u32 v10, $0x3FF  }
0x21f: {  	[tilespmem:s12+$0x0] =	vst v7;
	s12 =	smov.u32 s5  }
0x220: {  	v10 =	vld.idx.msk [tilespmem:v8+s8+$0x0], $0xffff  }
0x221: {  	v13 =	vld.idx.msk [tilespmem:v8+s7+$0x0], $0xffff  }
0x222: {  	v9 =	vld.idx.msk [tilespmem:v11+s7+$0x0], $0xffff  }
0x223: {  	v7 =	vld.idx.msk [tilespmem:v12+s7+$0x0], $0xffff  }
.Ltmp10:
0x224: {  	v8 =	vld.idx.msk [tilespmem:v5+s7+$0x0], $0xffff;
	(pc) =	sbr.rel @p0 .LBB2_9-.Ltmp10, $4  }
0x225: {  	v15 =	vmin.u32 v6, $0x3FF;
	v6 =	vld.idx.msk [tilespmem:v11+s9+$0x0], $0xffff  }
0x226: {  	v11 =	vld.idx.msk [tilespmem:v12+s10+$0x0], $0xffff  }
0x227: {  	v12 =	vld.idx.msk [tilespmem:v4+s7+$0x0], $0xffff  }
0x228: {  	s11 =	sadd.s32 $0x20, s11;
	s18 =	smov.u32 s16;
	s5 =	sadd.s32 $0x20, s5;
	v14 =	vld.idx.msk [tilespmem:v5+s8+$0x0], $0xffff  }
0x229: {  	_ =	sdelay $0x3  }
0x22a: {  	v3 =	vld.idx.msk [tilespmem:v4+s10+$0x0], $0xffff  }
0x22b: {  	v4 =	vld.idx.msk [tilespmem:v15+s9+$0x0], $0xffff  }
0x22c: {  	v5 =	vld.idx.msk [tilespmem:v15+s7+$0x0], $0xffff  }
0x22d: {  	v10 =	vmul.f32 v10, v13  }
0x22e: {  	v7 =	vmul.f32 v11, v7;
	v8 =	vmul.f32 v14, v8  }
0x22f: {  	v6 =	vmul.f32 v6, v9;
	v9 =	vld [tilespmem:s15+$0x0];
	v3 =	vmul.f32 v3, v12  }
0x230: {  	v11 =	vld [tilespmem:s15+$0xFFFFFFF0];
	v7 =	vadd.f32 v10, v7;
	v8 =	vsel vm0, $0x0, v8  }
0x231: {  	v4 =	vmul.f32 v4, v5;
	v5 =	vsel vm1, $0x0, v6;
	v3 =	vadd.f32 v8, v3  }
0x232: {  	v5 =	vadd.f32 v5, v7  }
0x233: {  	v3 =	vadd.f32 v4, v3  }
0x234: {  	v4 =	vmul.f32 v5, v9  }
0x235: {  	v3 =	vmul.f32 v3, v11  }
0x236: {  	(xrf0) =	vmax.scan.msk.f32 $0xffff, v4  }
0x237: {  	(xrf0) =	vmax.scan.msk.f32 $0xffff, v3;
	_ =	sdelay $0x4  }
0x238: {  	v5, _, _ =	vpop (xrf0)  }
0x239: {  	(v2sf) =	vpush v5, $0xF;
	v6, _, _ =	vpop (xrf0)  }
0x23a: {  	(v2sf) =	vpush v6, $0xF;
	_ =	sdelay $0xd  }
0x23b: {  	s19 =	spop (v2sf)  }
0x23c: {  	s16 =	spop (v2sf)  }
0x23d: {  	s15 =	smax.f32 s16, s19  }
0x23e: {  	v5 =	vmov s15  }
0x23f: {  	(erf) = vrcp.f32 v5;
	_ =	sdelay $0x8  }
0x240: {  	v5 =	vpop (erf)  }
0x241: {  	v3 =	vmul.f32 v5, v3;
	_ =	sdelay $0x1  }
0x242: {  	(xrf2) =	vadd.scan.msk.f32 $0xffff, v3;
	_ =	sdelay $0x5  }
0x243: {  	v3 =	vmul.f32 v5, v4;
	v4 =	vld [tilespmem:s14+$0xFFFFFFF0];
	_ =	sdelay $0x1  }
0x244: {  	(xrf2) =	vadd.scan.msk.f32 $0xffff, v3;
	_ =	sdelay $0x1  }
0x245: {  	v3, _, _ =	vpop (xrf2)  }
0x246: {  	v4 =	vmul.f32 v3, v4;
	_ =	sdelay $0x1  }
0x247: {  	v4 =	vmul.f32 s15, v4;
	_ =	sdelay $0x1  }
0x248: {  	[tilespmem:s12+$0xFFFFFFF0] =	vst v4  }
0x249: {  	v4 =	vld [tilespmem:s14+$0x0]  }
0x24a: {  	v3 =	vbroadcast v3, $0xF  }
0x24b: {  	v5 =	vadd.s32 s13, v2;
	v6, _, _ =	vpop (xrf2)  }
0x24c: {  	s20 =	sadd.s32 $0xFFFFFFF0, s13;
	vm2 =	vgt.s32 v5, $0x0;
	v3 =	vadd.f32 v3, v6  }
0x24d: {  	v2 =	vadd.s32 s20, v2;
	v5 =	vnsel vm2, $0x0, v5  }
0x24e: {  	vm3 =	vgt.s32 v2, $0x0;
	v5 =	vmin.u32 v5, $0x3FF;
	v3 =	vmul.f32 v3, v4  }
0x24f: {  	v7 =	vadd.s32 s13, v0;
	v2 =	vnsel vm3, $0x0, v2  }
0x250: {  	vm2 =	vgt.s32 v7, $0x0;
	v2 =	vmin.u32 v2, $0x3FF;
	v3 =	vmul.f32 s15, v3  }
0x251: {  	v6 =	vadd.s32 s13, v1;
	v4 =	vnsel vm2, $0x0, v7  }
0x252: {  	vm2 =	vgt.s32 v6, $0x0;
	v4 =	vmin.u32 v4, $0x3FF;
	[tilespmem:s12+$0x0] =	vst v3  }
0x253: {  	v1 =	vadd.s32 s20, v1;
	v6 =	vnsel vm2, $0x0, v6;
	v3 =	vld.idx.msk [tilespmem:v5+s8+$0x0], $0xffff  }
0x254: {  	vm2 =	vgt.s32 v1, $0x0;
	v6 =	vmin.u32 v6, $0x3FF;
	v5 =	vld.idx.msk [tilespmem:v5+s7+$0x0], $0xffff  }
0x255: {  	v0 =	vadd.s32 s20, v0;
	v1 =	vnsel vm2, $0x0, v1;
	v9 =	vld.idx.msk [tilespmem:v2+s7+$0x0], $0xffff  }
0x256: {  	vm2 =	vgt.s32 v0, $0x0;
	v1 =	vmin.u32 v1, $0x3FF;
	v2 =	vld.idx.msk [tilespmem:v2+s8+$0x0], $0xffff  }
0x257: {  	v0 =	vnsel vm2, $0x0, v0;
	v7 =	vld.idx.msk [tilespmem:v4+s7+$0x0], $0xffff  }
0x258: {  	v0 =	vmin.u32 v0, $0x3FF;
	v4 =	vld.idx.msk [tilespmem:v4+s9+$0x0], $0xffff  }
0x259: {  	v8 =	vld.idx.msk [tilespmem:v6+s7+$0x0], $0xffff  }
0x25a: {  	v6 =	vld.idx.msk [tilespmem:v6+s10+$0x0], $0xffff  }
0x25b: {  	v10 =	vld.idx.msk [tilespmem:v1+s7+$0x0], $0xffff  }
0x25c: {  	v1 =	vld.idx.msk [tilespmem:v1+s10+$0x0], $0xffff  }
0x25d: {  	v11 =	vld.idx.msk [tilespmem:v0+s9+$0x0], $0xffff  }
0x25e: {  	v0 =	vld.idx.msk [tilespmem:v0+s7+$0x0], $0xffff  }
0x25f: {  	v3 =	vmul.f32 v3, v5  }
0x260: {  	v2 =	vmul.f32 v2, v9;
	v5 =	vmul.f32 v6, v8  }
0x261: {  	v4 =	vmul.f32 v4, v7;
	v6 =	vld [tilespmem:s11+$0x0];
	v1 =	vmul.f32 v1, v10  }
0x262: {  	v7 =	vld [tilespmem:s11+$0xFFFFFFF0];
	v2 =	vsel vm0, $0x0, v2;
	v3 =	vadd.f32 v3, v5  }
0x263: {  	v0 =	vmul.f32 v11, v0;
	v1 =	vadd.f32 v2, v1;
	v2 =	vsel vm1, $0x0, v4  }
0x264: {  	v2 =	vadd.f32 v2, v3  }
0x265: {  	v0 =	vadd.f32 v0, v1  }
0x266: {  	v1 =	vmul.f32 v2, v6  }
0x267: {  	v0 =	vmul.f32 v0, v7  }
0x268: {  	(xrf0) =	vmax.scan.msk.f32 $0xffff, v1  }
0x269: {  	(xrf0) =	vmax.scan.msk.f32 $0xffff, v0;
	_ =	sdelay $0x4  }
0x26a: {  	v2, _, _ =	vpop (xrf0)  }
0x26b: {  	v3, _, _ =	vpop (xrf0);
	(v2sf) =	vpush v2, $0xF  }
0x26c: {  	(v2sf) =	vpush v3, $0xF;
	_ =	sdelay $0xd  }
0x26d: {  	s21 =	spop (v2sf)  }
0x26e: {  	s22 =	spop (v2sf)  }
0x26f: {  	s7 =	smax.f32 s22, s21  }
0x270: {  	v2 =	vmov s7  }
0x271: {  	(erf) = vrcp.f32 v2;
	_ =	sdelay $0x8  }
0x272: {  	v2 =	vpop (erf)  }
0x273: {  	v0 =	vmul.f32 v2, v0;
	_ =	sdelay $0x1  }
0x274: {  	(xrf2) =	vadd.scan.msk.f32 $0xffff, v0;
	_ =	sdelay $0x4  }
0x275: {  	s6 =	sadd.s32 $0x20, s6  }
0x276: {  	v0 =	vmul.f32 v2, v1;
	v1 =	vld [tilespmem:s6+$0xFFFFFFF0];
	_ =	sdelay $0x1  }
0x277: {  	(xrf2) =	vadd.scan.msk.f32 $0xffff, v0;
	_ =	sdelay $0x1  }
0x278: {  	v0, _, _ =	vpop (xrf2)  }
0x279: {  	v1 =	vmul.f32 v0, v1;
	_ =	sdelay $0x1  }
0x27a: {  	v1 =	vmul.f32 s7, v1;
	_ =	sdelay $0x1  }
0x27b: {  	[tilespmem:s5+$0xFFFFFFF0] =	vst v1  }
0x27c: {  	v1 =	vld [tilespmem:s6+$0x0]  }
0x27d: {  	v0 =	vbroadcast v0, $0xF  }
0x27e: {  	v2, _, _ =	vpop (xrf2)  }
0x27f: {  	v0 =	vadd.f32 v0, v2;
	_ =	sdelay $0x1  }
0x280: {  	v0 =	vmul.f32 v0, v1;
	_ =	sdelay $0x1  }
0x281: {  	v0 =	vmul.f32 s7, v0;
	_ =	sdelay $0x1  }
0x282: {  	s23 =	simm.s32 $0x0;
	s24 =	simm.s32 $0x37F0;
	s25 =	simm.s32 $0x1;
	[tilespmem:s5+$0x0] =	vst v0  }
0x283: {  	[hbm4b:s3+s23] =	stream.linear.scatter [tilespmem:s24], [sflag:$0x1], $0x10, $0x38;
	[tilespmem:$0x5000] =	vst v63  }
0x284: {  	_ =	swait.ge [sflag:s25], $0x10  }
0x285: {  	[sflag:s25] =	ssyncset.done $0x0  }
0x286: {  	[sflag:s25] =	ssyncadd.s32 $0xFFFFFFF0  }
0x287: {  	v0 =	vld [tilespmem:$0x37F0];
	_ =	sdelay $0x4  }
0x288: {  	(erf) = vrcp.f32 v0;
	_ =	sdelay $0x4  }
0x289: {  	v0 =	vld [tilespmem:$0x33F0];
	_ =	sdelay $0x3  }
0x28a: {  	v1 =	vpop (erf)  }
0x28b: {  	v0 =	vmul.f32 v1, v0  }
0x28c: {  	vm0 =	vmmov $0x7fff  }
0x28d: {  	v0 =	vsel vm0, $0x0, v0  }
0x28e: {  	(xrf0) =	vmax.scan.msk.f32 $0xffff, v0;
	_ =	sdelay $0x5  }
0x28f: {  	v1, _, _ =	vpop (xrf0)  }
0x290: {  	(v2sf) =	vpush v1, $0xF;
	_ =	sdelay $0xe  }
0x291: {  	s26 =	spop (v2sf)  }
0x292: {  	s3 =	smax.f32 s4, s26  }
0x293: {  	v1 =	vmov s3  }
0x294: {  	(erf) = vrcp.f32 v1;
	_ =	sdelay $0x7  }
0x295: {  	v5 =	vlaneseq.u32  }
0x296: {  	v2 =	vmul.u32 $0xFFFFFFFF, v5;
	v1 =	vpop (erf)  }
0x297: {  	v3 =	vmul.f32 v1, v0  }
0x298: {  	v1 =	vmul.f32 $0.0e+00, v1;
	v0 =	vadd.s32 $0xF, v2  }
0x299: {  	v2 =	vperm.xlane v3, v0  }
0x29a: {  	v1 =	vperm.xlane v1, v0  }
0x29b: {  	(xrf2) =	vadd.scan.msk.f32 $0xffff, v2  }
0x29c: {  	(xrf2) =	vadd.scan.msk.f32 $0xffff, v1  }
0x29d: {  	(xrf2) =	vadd.scan.msk.f32 $0xffff, v3;
	_ =	sdelay $0x7  }
0x29e: {  	v1, _, _ =	vpop (xrf2)  }
0x29f: {  	v6 =	vld [tilespmem:$0x2FF0];
	v2, _, _ =	vpop (xrf2)  }
0x2a0: {  	v4 =	vld [tilespmem:$0x2FE0];
	v3, _, _ =	vpop (xrf2)  }
0x2a1: {  	v2 =	vperm.xlane v2, v0;
	v3 =	vbroadcast v3, $0xF  }
0x2a2: {  	v1 =	vperm.xlane v1, v0  }
0x2a3: {  	vm0 =	vcmask $0x300;
	v2 =	vadd.f32 v3, v2;
	v3 =	vimm.s32 $0x3FF  }
0x2a4: {  	v1 =	vmul.f32 v6, v1;
	v3 =	vsel vm0, $0x3F1, v3;
	vm0 =	vcmask $0x704  }
0x2a5: {  	v2 =	vmul.f32 v2, v4;
	v3 =	vsel vm0, $0x3F2, v3;
	vm0 =	vcmask $0xB08  }
0x2a6: {  	v4 =	vadd.s32 $0x3E1, v5;
	v3 =	vsel vm0, $0x3F3, v3;
	vm0 =	vcmask $0xF0C  }
0x2a7: {  	v2 =	vmul.f32 s3, v2;
	v3 =	vsel vm0, $0x3F4, v3;
	vm0 =	vcmask $0x1310  }
0x2a8: {  	v6 =	vld [tilespmem:$0x37E0];
	v1 =	vmul.f32 s3, v1;
	v3 =	vsel vm0, $0x3F5, v3;
	vm0 =	vcmask $0x1714  }
0x2a9: {  	[tilespmem:$0x3BE0] =	vst v2;
	v2 =	vld [tilespmem:$0x1BE0];
	v3 =	vsel vm0, $0x3F6, v3;
	vm0 =	vcmask $0x1B18  }
0x2aa: {  	[tilespmem:$0x3BF0] =	vst v1;
	s3 =	simm.s32 $0x3800;
	v3 =	vsel vm0, $0x3F7, v3;
	vm0 =	vcmask $0x1F1C  }
0x2ab: {  	v1 =	vmul.u32 $0x4, v5;
	v4 =	vld.idx.msk [tilespmem:v4+s3+$0x0], $0xffff;
	v3 =	vsel vm0, $0x3F8, v3;
	vm0 =	vcmask $0x2320  }
0x2ac: {  	v3 =	vsel vm0, $0x3F9, v3;
	vm0 =	vcmask $0x2724  }
0x2ad: {  	v7 =	vor.u32 $0xF80, v1;
	v3 =	vsel vm0, $0x3FA, v3;
	vm0 =	vcmask $0x2B28  }
0x2ae: {  	v2 =	vmul.f32 v2, v6;
	v3 =	vsel vm0, $0x3FB, v3;
	vm0 =	vcmask $0x2F2C  }
0x2af: {  	v3 =	vsel vm0, $0x3FC, v3;
	vm0 =	vcmask $0x3330  }
0x2b0: {  	v2 =	vmul.f32 v4, v2;
	v3 =	vsel vm0, $0x3FD, v3;
	vm0 =	vcmask $0x3734  }
0x2b1: {  	s4 =	simm.s32 $0x4000;
	v3 =	vsel vm0, $0x3FE, v3  }
0x2b2: {  	[tilespmem:v7+s4+$0x0] =	vst.idx.msk $0xffff, v2  }
0x2b3: {  	v2 =	vld [tilespmem:$0x37F0]  }
0x2b4: {  	v4 =	vld [tilespmem:$0x1BF0];
	_ =	sdelay $0x1  }
0x2b5: {  	v3 =	vld.idx.msk [tilespmem:v3+s3+$0x0], $0xffff;
	_ =	sdelay $0x2  }
0x2b6: {  	v2 =	vmul.f32 v4, v2;
	v4 =	vor.u32 $0xFC0, v1  }
0x2b7: {  	v6 =	vor.u32 $0xF81, v1  }
0x2b8: {  	v2 =	vmul.f32 v3, v2;
	v3 =	vor.u32 $0xF82, v1  }
0x2b9: {  	vm0 =	veq.s32 v5, $0xF;
	v7 =	vor.u32 $0xF83, v1  }
0x2ba: {  	v8 =	vor.u32 $0xFC1, v1;
	v2 =	vsel vm0, $0x0, v2  }
0x2bb: {  	v9 =	vimm.f32 $0.0e+00;
	[tilespmem:v4+s4+$0x0] =	vst.idx.msk $0xffff, v2;
	v4 =	vor.u32 $0xFC2, v1  }
0x2bc: {  	[tilespmem:v6+s4+$0x0] =	vst.idx.msk $0xffff, v9;
	v6 =	vor.u32 $0xFC3, v1  }
0x2bd: {  	[tilespmem:v3+s4+$0x0] =	vst.idx.msk $0xffff, v9  }
0x2be: {  	s5 =	simm.s32 $0x3C0;
	v2 =	vadd.s32 $0x1F, v5;
	[tilespmem:v7+s4+$0x0] =	vst.idx.msk $0xffff, v9  }
0x2bf: {  	v3 =	vadd.s32 $0x21, v5;
	v7 =	vadd.s32 s5, v2;
	[tilespmem:v8+s4+$0x0] =	vst.idx.msk $0xffff, v9  }
0x2c0: {  	v7 =	vmin.u32 v7, $0x3FF;
	v8 =	vadd.s32 s5, v3;
	[tilespmem:v4+s4+$0x0] =	vst.idx.msk $0xffff, v9;
	v4 =	vor.u32 $0x20, v5  }
0x2c1: {  	s28 =	simm.s32 $0x0;
	v8 =	vmin.u32 v8, $0x3FF;
	[tilespmem:v6+s4+$0x0] =	vst.idx.msk $0xffff, v9;
	v6 =	vadd.s32 s5, v4  }
0x2c2: {  	v6 =	vmin.u32 v6, $0x3FF;
	v9 =	vld [tilespmem:s28+$0x27C0]  }
0x2c3: {  	v10 =	vld [tilespmem:s28+$0x23C0]  }
0x2c4: {  	v11 =	vld [tilespmem:s28+$0x1FC0]  }
0x2c5: {  	v7 =	vld.idx.msk [tilespmem:v7+s3+$0x0], $0xffff  }
0x2c6: {  	v8 =	vld.idx.msk [tilespmem:v8+s3+$0x0], $0xffff  }
0x2c7: {  	v53 =	vmov s5;
	v6 =	vld.idx.msk [tilespmem:v6+s3+$0x0], $0xffff  }
0x2c8: {  	v12 =	vshll.u32 v53, $0x2;
	v54 =	vld [tilespmem:s28+$0x37C0]  }
0x2c9: {  	v12 =	vor.u32 v1, v12  }
0x2ca: {  	v55 =	vor.u32 $0x1, v12  }
0x2cb: {  	s29 =	simm.s32 $0x3D0;
	v7 =	vmul.f32 v9, v7;
	v9 =	vor.u32 $0x2, v12;
	v8 =	vmul.f32 v11, v8  }
0x2cc: {  	v56 =	vadd.s32 s29, v3;
	v10 =	vmul.f32 v10, v6;
	v6 =	vor.u32 $0x3, v12  }
0x2cd: {  	vm1 =	veq.s32 v5, $0x0;
	v15 =	vmin.u32 v56, $0x3FF;
	v11 =	vmul.f32 v8, v54  }
0x2ce: {  	v16 =	vadd.s32 s29, v4;
	v7 =	vsel vm1, $0x0, v7;
	v17 =	vmul.f32 v10, v54  }
0x2cf: {  	v57 =	vmin.u32 v16, $0x3FF;
	[tilespmem:v55+s4+$0x0] =	vst.idx.msk $0xffff, v11;
	v11 =	vmul.f32 v7, v54  }
0x2d0: {  	[tilespmem:v9+s4+$0x0] =	vst.idx.msk $0xffff, v17  }
0x2d1: {  	v58 =	vadd.s32 s29, v2;
	[tilespmem:v6+s4+$0x0] =	vst.idx.msk $0xffff, v11  }
0x2d2: {  	v6 =	vmin.u32 v58, $0x3FF;
	v9 =	vld [tilespmem:s28+$0x1FD0]  }
0x2d3: {  	v11 =	vld.idx.msk [tilespmem:v15+s3+$0x0], $0xffff  }
0x2d4: {  	v13 =	vld.idx.msk [tilespmem:v57+s3+$0x0], $0xffff  }
0x2d5: {  	v59 =	vld [tilespmem:s28+$0x23D0]  }
0x2d6: {  	v61 =	vld [tilespmem:s28+$0x37D0]  }
0x2d7: {  	v60 =	vld.idx.msk [tilespmem:v6+s3+$0x0], $0xffff;
	v6 =	vmov s29  }
0x2d8: {  	v17 =	vld [tilespmem:s28+$0x27D0];
	v6 =	vshll.u32 v6, $0x2  }
0x2d9: {  	v6 =	vor.u32 v1, v6  }
0x2da: {  	v9 =	vmul.f32 v9, v11;
	v11 =	vor.u32 $0x1, v6  }
0x2db: {  	v18 =	vor.u32 $0x2, v6  }
0x2dc: {  	v13 =	vmul.f32 v59, v13;
	v9 =	vsel vm0, $0x0, v9;
	v62 =	vor.u32 $0x3, v6  }
0x2dd: {  	v19 =	vmul.f32 v9, v61;
	v15 =	vmul.f32 v17, v60  }
0x2de: {  	v63 =	vmul.f32 v13, v61  }
0x2df: {  	v20 =	vld [tilespmem:s28+$0x33C0];
	[tilespmem:v11+s4+$0x0] =	vst.idx.msk $0xffff, v19;
	v11 =	vmul.f32 v15, v61  }
0x2e0: {  	[tilespmem:v18+s4+$0x0] =	vst.idx.msk $0xffff, v63  }
0x2e1: {  	[tilespmem:v62+s4+$0x0] =	vst.idx.msk $0xffff, v11  }
0x2e2: {  	v11 =	vld [tilespmem:s28+$0x33D0]  }
0x2e3: {  	v9 =	vadd.f32 v13, v9  }
0x2e4: {  	v8 =	vadd.f32 v10, v8  }
0x2e5: {  	v9 =	vadd.f32 v15, v9  }
0x2e6: {  	v7 =	vadd.f32 v7, v8  }
0x2e7: {  	v8 =	vmul.f32 v11, v9  }
0x2e8: {  	v7 =	vmul.f32 v20, v7  }
0x2e9: {  	(xrf0) =	vmax.scan.msk.f32 $0xffff, v8  }
0x2ea: {  	(xrf0) =	vmax.scan.msk.f32 $0xffff, v7;
	_ =	sdelay $0x4  }
0x2eb: {  	v9, _, _ =	vpop (xrf0)  }
0x2ec: {  	v10, _, _ =	vpop (xrf0);
	(v2sf) =	vpush v9, $0xF  }
0x2ed: {  	(v2sf) =	vpush v10, $0xF;
	_ =	sdelay $0xd  }
0x2ee: {  	s30 =	spop (v2sf)  }
0x2ef: {  	s31 =	spop (v2sf)  }
0x2f0: {  	s8 =	smax.f32 s31, s30  }
0x2f1: {  	v9 =	vmov s8  }
0x2f2: {  	(erf) = vrcp.f32 v9;
	_ =	sdelay $0x8  }
0x2f3: {  	v9 =	vpop (erf)  }
0x2f4: {  	v8 =	vmul.f32 v9, v8  }
0x2f5: {  	v7 =	vmul.f32 v9, v7  }
0x2f6: {  	v9 =	vperm.xlane v8, v0  }
0x2f7: {  	v7 =	vperm.xlane v7, v0;
	(xrf2) =	vadd.scan.msk.f32 $0xffff, v8  }
0x2f8: {  	(xrf2) =	vadd.scan.msk.f32 $0xffff, v9  }
0x2f9: {  	(xrf2) =	vadd.scan.msk.f32 $0xffff, v7;
	_ =	sdelay $0x7  }
0x2fa: {  	v7, _, _ =	vpop (xrf2)  }
0x2fb: {  	v8 =	vld [tilespmem:s28+$0x2FD0];
	v9, _, _ =	vpop (xrf2)  }
0x2fc: {  	v10 =	vld [tilespmem:s28+$0x2FC0];
	v11, _, _ =	vpop (xrf2)  }
0x2fd: {  	v7 =	vbroadcast v7, $0xF;
	v11 =	vperm.xlane v11, v0  }
0x2fe: {  	v9 =	vperm.xlane v9, v0  }
0x2ff: {  	v7 =	vadd.f32 v7, v11  }
0x300: {  	v5 =	vadd.s32 $0x1, v5;
	v8 =	vmul.f32 v8, v9  }
0x301: {  	v9 =	vor.u32 s5, v5;
	v7 =	vmul.f32 v7, v10  }
0x302: {  	v8 =	vmul.f32 s8, v8  }
0x303: {  	v11 =	vld [tilespmem:s28+$0x1BC0];
	v7 =	vmul.f32 s8, v7  }
0x304: {  	v10 =	vld [tilespmem:s28+$0x37C0];
	[tilespmem:s28+$0x3BD0] =	vst v8  }
0x305: {  	[tilespmem:s28+$0x3BC0] =	vst v7  }
0x306: {  	v7 =	vld.idx.msk [tilespmem:v9+s3+$0x0], $0xffff;
	_ =	sdelay $0x2  }
0x307: {  	v8 =	vmul.f32 v11, v10  }
0x308: {  	v9 =	vadd.s32 s29, v5  }
0x309: {  	v7 =	vmul.f32 v7, v8;
	v8 =	vmin.u32 v9, $0x3FF;
	_ =	sdelay $0x1  }
0x30a: {  	[tilespmem:v12+s4+$0x0] =	vst.idx.msk $0xffff, v7  }
0x30b: {  	v7 =	vld [tilespmem:s28+$0x37D0]  }
0x30c: {  	v9 =	vld [tilespmem:s28+$0x1BD0]  }
0x30d: {  	s6 =	simm.s32 $0xFFFFFF80;
	v8 =	vld.idx.msk [tilespmem:v8+s3+$0x0], $0xffff  }
.LBB2_11:
0x30e: {  	p0 =	sne.s32 s6, $0xFFFFF100  }
0x30f: {  	s5 =	sadd.s32 $0xFFFFFFE0, s5;
	s7 =	smov.u32 s6;
	s6 =	sadd.s32 $0xFFFFFF80, s6  }
0x310: {  	_ =	sdelay $0x1  }
0x311: {  	v7 =	vmul.f32 v9, v7;
	_ =	sdelay $0x1  }
0x312: {  	v9 =	vadd.s32 s5, v2;
	v7 =	vmul.f32 v8, v7  }
0x313: {  	v9 =	vmin.u32 v9, $0x3FF;
	v8 =	vadd.s32 s5, v4  }
0x314: {  	v10 =	vadd.s32 s5, v3;
	v8 =	vmin.u32 v8, $0x3FF;
	v7 =	vsel vm0, $0x0, v7  }
0x315: {  	s7 =	sshra.s32 s7, $0x2;
	v10 =	vmin.u32 v10, $0x3FF;
	[tilespmem:v6+s4+$0x0] =	vst.idx.msk $0xffff, v7  }
0x316: {  	v6 =	vld [tilespmem:s7+$0x27C0]  }
0x317: {  	v11 =	vld [tilespmem:s7+$0x23C0]  }
0x318: {  	v7 =	vld.idx.msk [tilespmem:v9+s3+$0x0], $0xffff  }
0x319: {  	v8 =	vld.idx.msk [tilespmem:v8+s3+$0x0], $0xffff  }
0x31a: {  	v9 =	vld.idx.msk [tilespmem:v10+s3+$0x0], $0xffff  }
0x31b: {  	v10 =	vld [tilespmem:s7+$0x1FC0]  }
0x31c: {  	v12 =	vmov s5  }
0x31d: {  	v12 =	vshll.u32 v12, $0x2;
	v13 =	vld [tilespmem:s7+$0x37C0]  }
0x31e: {  	v6 =	vmul.f32 v6, v7;
	v7 =	vor.u32 v1, v12  }
0x31f: {  	v8 =	vmul.f32 v11, v8;
	v11 =	vor.u32 $0x1, v7  }
0x320: {  	v6 =	vsel vm1, $0x0, v6;
	v9 =	vmul.f32 v10, v9;
	v10 =	vor.u32 $0x2, v7  }
0x321: {  	s8 =	sadd.s32 $0x10, s5;
	v12 =	vor.u32 $0x3, v7  }
0x322: {  	v15 =	vadd.s32 s8, v4;
	v16 =	vadd.s32 s8, v3;
	v14 =	vmul.f32 v9, v13  }
0x323: {  	v18 =	vadd.s32 s8, v2;
	v16 =	vmin.u32 v16, $0x3FF;
	v17 =	vmul.f32 v8, v13  }
0x324: {  	[tilespmem:v11+s4+$0x0] =	vst.idx.msk $0xffff, v14;
	v11 =	vmul.f32 v6, v13;
	v13 =	vmov s8;
	v14 =	vmin.u32 v15, $0x3FF  }
0x325: {  	v9 =	vadd.f32 v8, v9;
	v8 =	vadd.s32 s8, v5;
	[tilespmem:v10+s4+$0x0] =	vst.idx.msk $0xffff, v17;
	v10 =	vshll.u32 v13, $0x2  }
0x326: {  	[tilespmem:v12+s4+$0x0] =	vst.idx.msk $0xffff, v11;
	v11 =	vmin.u32 v18, $0x3FF  }
0x327: {  	v9 =	vadd.f32 v6, v9;
	v12 =	vld [tilespmem:s7+$0x1FD0]  }
0x328: {  	v13 =	vld.idx.msk [tilespmem:v16+s3+$0x0], $0xffff  }
0x329: {  	v14 =	vld.idx.msk [tilespmem:v14+s3+$0x0], $0xffff  }
0x32a: {  	v15 =	vld [tilespmem:s7+$0x23D0]  }
0x32b: {  	v11 =	vld.idx.msk [tilespmem:v11+s3+$0x0], $0xffff  }
0x32c: {  	v16 =	vld [tilespmem:s7+$0x37D0]  }
0x32d: {  	v6 =	vor.u32 v1, v10;
	v17 =	vld [tilespmem:s7+$0x27D0]  }
0x32e: {  	v10 =	vmul.f32 v12, v13;
	v12 =	vor.u32 $0x1, v6  }
0x32f: {  	v13 =	vmul.f32 v15, v14;
	v14 =	vor.u32 $0x2, v6  }
0x330: {  	v10 =	vsel vm0, $0x0, v10;
	v15 =	vor.u32 $0x3, v6  }
0x331: {  	v18 =	vmul.f32 v10, v16;
	v19 =	vmul.f32 v13, v16;
	v10 =	vadd.f32 v13, v10  }
0x332: {  	v13 =	vld [tilespmem:s7+$0x33C0];
	v11 =	vmul.f32 v17, v11  }
0x333: {  	[tilespmem:v12+s4+$0x0] =	vst.idx.msk $0xffff, v18  }
0x334: {  	[tilespmem:v14+s4+$0x0] =	vst.idx.msk $0xffff, v19;
	v12 =	vmul.f32 v11, v16;
	_ =	sdelay $0x1  }
0x335: {  	[tilespmem:v15+s4+$0x0] =	vst.idx.msk $0xffff, v12  }
0x336: {  	v12 =	vld [tilespmem:s7+$0x33D0]  }
0x337: {  	v14 =	vld [tilespmem:s7+$0x2FD0]  }
0x338: {  	v15 =	vld [tilespmem:s7+$0x2FC0]  }
0x339: {  	v10 =	vadd.f32 v11, v10;
	v11 =	vld [tilespmem:s7+$0x37C0]  }
0x33a: {  	v16 =	vld [tilespmem:s7+$0x1BC0]  }
0x33b: {  	v9 =	vmul.f32 v13, v9;
	v10 =	vmul.f32 v12, v10;
	_ =	sdelay $0x1  }
0x33c: {  	(xrf0) =	vmax.scan.msk.f32 $0xffff, v10  }
0x33d: {  	(xrf0) =	vmax.scan.msk.f32 $0xffff, v9  }
0x33e: {  	v11 =	vmul.f32 v16, v11;
	_ =	sdelay $0x3  }
0x33f: {  	v12, _, _ =	vpop (xrf0)  }
0x340: {  	v13, _, _ =	vpop (xrf0);
	(v2sf) =	vpush v12, $0xF  }
0x341: {  	(v2sf) =	vpush v13, $0xF;
	_ =	sdelay $0xd  }
0x342: {  	s8 =	spop (v2sf)  }
0x343: {  	s9 =	spop (v2sf)  }
0x344: {  	s8 =	smax.f32 s9, s8  }
0x345: {  	v12 =	vmov s8  }
0x346: {  	(erf) = vrcp.f32 v12;
	_ =	sdelay $0x8  }
0x347: {  	v12 =	vpop (erf)  }
0x348: {  	v9 =	vmul.f32 v12, v9;
	v10 =	vmul.f32 v12, v10;
	_ =	sdelay $0x1  }
0x349: {  	v12 =	vperm.xlane v10, v0;
	v9 =	vperm.xlane v9, v0;
	(xrf2) =	vadd.scan.msk.f32 $0xffff, v10;
	_ =	sdelay $0x2  }
0x34a: {  	(xrf2) =	vadd.scan.msk.f32 $0xffff, v12;
	_ =	sdelay $0x2  }
0x34b: {  	(xrf2) =	vadd.scan.msk.f32 $0xffff, v9;
	_ =	sdelay $0x3  }
0x34c: {  	v9, _, _ =	vpop (xrf2);
	_ =	sdelay $0x2  }
0x34d: {  	v10, _, _ =	vpop (xrf2)  }
0x34e: {  	v10 =	vperm.xlane v10, v0;
	_ =	sdelay $0x1  }
0x34f: {  	v10 =	vmul.f32 v14, v10;
	v12, _, _ =	vpop (xrf2)  }
0x350: {  	v9 =	vbroadcast v9, $0xF;
	v12 =	vperm.xlane v12, v0  }
0x351: {  	v10 =	vmul.f32 s8, v10  }
0x352: {  	v9 =	vadd.f32 v9, v12  }
0x353: {  	[tilespmem:s7+$0x3BD0] =	vst v10  }
0x354: {  	v10 =	vor.u32 s5, v5;
	v9 =	vmul.f32 v9, v15;
	_ =	sdelay $0x1  }
0x355: {  	v9 =	vmul.f32 s8, v9;
	_ =	sdelay $0x1  }
0x356: {  	[tilespmem:s7+$0x3BC0] =	vst v9  }
0x357: {  	v9 =	vld.idx.msk [tilespmem:v10+s3+$0x0], $0xffff;
	_ =	sdelay $0x5  }
0x358: {  	v8 =	vmin.u32 v8, $0x3FF;
	v9 =	vmul.f32 v9, v11  }
.Ltmp11:
0x359: {  	(pc) =	sbr.rel @p0 .LBB2_11-.Ltmp11, $4  }
0x35a: {  	[tilespmem:v7+s4+$0x0] =	vst.idx.msk $0xffff, v9  }
0x35b: {  	v7 =	vld [tilespmem:s7+$0x37D0]  }
0x35c: {  	v9 =	vld [tilespmem:s7+$0x1BD0]  }
0x35d: {  	v8 =	vld.idx.msk [tilespmem:v8+s3+$0x0], $0xffff  }
0x35e: {  	_ =	sdelay $0x2  }
0x35f: {  	v0 =	vmul.f32 v9, v7;
	_ =	sdelay $0x1  }
0x360: {  	v0 =	vmul.f32 v8, v0;
	_ =	sdelay $0x1  }
0x361: {  	v0 =	vsel vm0, $0x0, v0  }
0x362: {  	s3 =	simm.s32 $0x0;
	s30 =	simm.s32 $0x4000;
	s31 =	simm.s32 $0x1;
	[tilespmem:v6+s4+$0x0] =	vst.idx.msk $0xffff, v0  }
0x363: {  	[hbm4b:s2+s3] =	stream.linear.scatter [tilespmem:s30], [sflag:$0x1], $0x1000, $0x38;
	[tilespmem:$0x5000] =	vst v63  }
0x364: {  	_ =	swait.ge [sflag:s31], $0x1000  }
0x365: {  	[sflag:s31] =	ssyncset.done $0x0  }
0x366: {  	[sflag:s31] =	ssyncadd.s32 $0xFFFFF000  }
.LBB2_22:
0x367: {  	_ =	sfence.sel $0x180000  }
0x368: {  	[bflag:$0x0] =	sbarrier.arrive $0xFFFF  }
0x369: {  	p0 =	sne.s32 s1, $0x0;
	_ =	strace $0x90000047  }
0x36a: {  	s0 =	sadd.s32 @!p0 $0x100000, s0;
	[bflag:$0x2] =	sbarrier.arrive $0xFFFF  }
0x36b: {  	[sflag:s0] =	ssyncadd.tile.s32 @!p0 $0x1;
	_ =	shalt  }
.Lfunc_end2:
_tile_overlayer_lowered:
.L_overlay_start_2:
0x36c: {  	(tag) =	ssettag $0x2  }
0x36d: {  	s0 =	rddreg [dreg:$0x0];
	s2 =	stileid.u32  }
0x36e: {  	s1 =	rddreg [dreg:$0x1];
	p0 =	sne.s32 s2, $0x0  }
0x36f: {  	s3 =	rddreg [dreg:$0x2];
	[bflag:$0x3] =	sbarrier.arrive $0xFFFF;
	s2 =	simm.s32 @!p0 $0x1C01  }
0x370: {  	[timem:s3], [sflag:s2] =	dma.local @!p0 [hbm:s0], s1  }
0x371: {  	s0 =	simm.s32 @!p0 $0x1  }
0x372: {  	_ =	swait.ge @!p0 [sflag:s0], s1  }
0x373: {  	s1 =	ssub.s32 @!p0 $0x0, s1;
	[sflag:s0] =	ssyncset.done @!p0 $0x0  }
0x374: {  	[sflag:s0] =	ssyncadd.s32 @!p0 s1  }
0x375: {  	[bflag:$0x3] =	sbarrier.arrive $0xFFFF  }
0x376: {  	_ =	shalt  }

</sc_bundles>
